<compile_context>
chip_gen: v7x
topology: tpu7x:2x2x1
jax: 0.10.2.dev20260603
libtpu: 0.0.44.dev20260713+nightly
codegen_flags: <defaults>
</compile_context>

<pallas_src>
import functools

import jax
import jax.numpy as jnp
from jax import lax
from jax.experimental import pallas as pl
from jax.experimental.pallas import tpu as pltpu
from jax.experimental.pallas import tpu_sc as plsc

NC = 2
NS = 16
NW = NC * NS
LANES = 16
BATCH = 16384
EMBED = 32
BPW = BATCH // NW
SUB = 4
NSG = BPW // SUB
NCG = BPW // LANES
NBUF = 3
PIPE = NSG - 2


def _sc_dot(u_pad, i_pad, items_t, users_t):
    mesh = plsc.VectorSubcoreMesh(core_axis_name="c", subcore_axis_name="s")

    @functools.partial(
        pl.kernel,
        out_type=jax.ShapeDtypeStruct((BATCH,), jnp.float32),
        mesh=mesh,
        compiler_params=pltpu.CompilerParams(needs_layout_passes=False),
        scratch_types=[
            pltpu.VMEM((BPW + LANES,), jnp.int32),
            pltpu.VMEM((BPW + LANES,), jnp.int32),
            pltpu.VMEM((SUB, EMBED, 128), jnp.float32),
            pltpu.VMEM((SUB, EMBED, 128), jnp.float32),
            pltpu.VMEM((SUB, EMBED, 128), jnp.float32),
            pltpu.VMEM((SUB, EMBED, 128), jnp.float32),
            pltpu.VMEM((SUB, EMBED, 128), jnp.float32),
            pltpu.VMEM((SUB, EMBED, 128), jnp.float32),
            pltpu.VMEM((NSG * LANES,), jnp.float32),
            pltpu.VMEM((BPW,), jnp.float32),
            pltpu.SemaphoreType.DMA,
            pltpu.SemaphoreType.DMA,
            pltpu.SemaphoreType.DMA,
        ],
    )
    def sc_kernel(u_hbm, i_hbm, ut_hbm, it_hbm, out_hbm,
                  uidx_v, iidx_v, ub0, ub1, ub2, ib0, ib1, ib2,
                  accbuf, out_v, sem0, sem1, sem2):
        ublk = (ub0, ub1, ub2)
        iblk = (ib0, ib1, ib2)
        sems = (sem0, sem1, sem2)

        wid = lax.axis_index("s") * NC + lax.axis_index("c")
        base = wid * BPW
        pltpu.sync_copy(u_hbm.at[pl.ds(base, BPW + LANES)], uidx_v)
        pltpu.sync_copy(i_hbm.at[pl.ds(base, BPW + LANES)], iidx_v)

        lane = lax.iota(jnp.int32, LANES)
        j_of_lane = lane // SUB
        k_of_lane = lane - j_of_lane * SUB

        def issue(sg, p):
            uvec = uidx_v[pl.ds(sg * SUB, LANES)]
            ivec = iidx_v[pl.ds(sg * SUB, LANES)]
            for j in range(SUB):
                eu = uvec[j]
                ei = ivec[j]
                pltpu.async_copy(
                    ut_hbm.at[:, pl.ds((eu >> 7) * 128, 128)],
                    ublk[p].at[j], sems[p])
                pltpu.async_copy(
                    it_hbm.at[:, pl.ds((ei >> 7) * 128, 128)],
                    iblk[p].at[j], sems[p])

        def drain(p):
            for _ in range(2 * SUB):
                pltpu.make_async_copy(
                    ut_hbm.at[:, pl.ds(0, 128)], ublk[p].at[0],
                    sems[p]).wait()

        def lanes_vec(vec):
            v = jnp.zeros((LANES,), jnp.int32)
            for j in range(SUB):
                v = jnp.where(j_of_lane == j, vec[j] & 127, v)
            return v

        def extract(sg, p):
            uvec = uidx_v[pl.ds(sg * SUB, LANES)]
            ivec = iidx_v[pl.ds(sg * SUB, LANES)]
            ulane = lanes_vec(uvec)
            ilane = lanes_vec(ivec)
            acc = jnp.zeros((LANES,), jnp.float32)
            for m in range(EMBED // SUB):
                c_idx = k_of_lane + (m * SUB)
                a = plsc.load_gather(ublk[p], [j_of_lane, c_idx, ulane])
                b = plsc.load_gather(iblk[p], [j_of_lane, c_idx, ilane])
                acc = acc + a * b
            accbuf[pl.ds(sg * LANES, LANES)] = acc

        issue(0, 0)
        issue(1, 1)

        @pl.loop(0, PIPE, step=NBUF)
        def _(h):
            for d in range(NBUF):
                sg = h + d
                issue(sg + 2, (d + 2) % NBUF)
                drain(d)
                extract(sg, d)

        for sg, p in ((PIPE, PIPE % NBUF), (PIPE + 1, (PIPE + 1) % NBUF)):
            drain(p)
            extract(sg, p)

        fin = j_of_lane * LANES + k_of_lane * SUB

        @pl.loop(0, NCG)
        def _(cg):
            out16 = jnp.zeros((LANES,), jnp.float32)
            for k in range(SUB):
                out16 = out16 + plsc.load_gather(
                    accbuf, [cg * (SUB * LANES) + fin + k])
            out_v[pl.ds(cg * LANES, LANES)] = out16

        pltpu.sync_copy(out_v, out_hbm.at[pl.ds(base, BPW)])

    return sc_kernel(u_pad, i_pad, users_t, items_t)


def kernel(u, i, items, users):
    u_pad = jnp.pad(u, (0, LANES))
    i_pad = jnp.pad(i, (0, LANES))
    return _sc_dot(u_pad, i_pad,
                   jnp.swapaxes(items, 0, 1), jnp.swapaxes(users, 0, 1))

# --- scband reference (transcript-rebuilt; emitter-appended) ---
"""Pipeline reference for scband-matrix-factorization-14388140441766 (READ-ONLY COPY).

The authoritative reference and input builder live on the scoring server;
editing this copy changes nothing except your own understanding.
"""

import jax, jax.numpy as jnp
import numpy as np

N_ITEMS = 1000000
N_USERS = 1000000
EMBED = 32
BATCH = 16384

def setup_inputs(seed: int = 0) -> dict:
    key = jax.random.key(seed)
    k_u, k_i, k_items, k_users = jax.random.split(key, 4)
    u = jax.random.randint(k_u, (BATCH,), 0, N_USERS, dtype=jnp.int64 if jax.config.jax_enable_x64 else jnp.int32).astype(jnp.int32)
    i = jax.random.randint(k_i, (BATCH,), 0, N_ITEMS, dtype=jnp.int32)
    items = jax.random.normal(k_items, (N_ITEMS, EMBED), dtype=jnp.float32)
    users = jax.random.normal(k_users, (N_USERS, EMBED), dtype=jnp.float32)
    return {"u": u, "i": i, "items": items, "users": users}

def reference(u, i, items, users):
    # Faithful translation: (self.items[i] * self.users[u]).sum(dim=-1)
    item_vecs = jnp.take(items, i, axis=0)
    user_vecs = jnp.take(users, u, axis=0)
    return (item_vecs * user_vecs).sum(axis=-1)

if __name__ == "__main__":
    import jax
    _d = setup_inputs()
    print(jax.jit(kernel)(*tuple(_d.values())))

</pallas_src>

<mosaic_0001>
#map = affine_map<(d0, d1) -> (0)>
#map1 = affine_map<(d0, d1) -> (0, 0)>
module attributes {stable_mosaic.version = 14 : i64} {
  func.func @sc_kernel(%arg0: i32, %arg1: i32, %arg2: memref<16400xi32, #tpu.memory_space<hbm>>, %arg3: memref<16400xi32, #tpu.memory_space<hbm>>, %arg4: memref<32x1000000xf32, #tpu.memory_space<hbm>>, %arg5: memref<32x1000000xf32, #tpu.memory_space<hbm>>, %arg6: memref<16384xf32, #tpu.memory_space<hbm>>, %arg7: memref<528xi32, #tpu.memory_space<vmem>>, %arg8: memref<528xi32, #tpu.memory_space<vmem>>, %arg9: memref<4x32x128xf32, #tpu.memory_space<vmem>>, %arg10: memref<4x32x128xf32, #tpu.memory_space<vmem>>, %arg11: memref<4x32x128xf32, #tpu.memory_space<vmem>>, %arg12: memref<4x32x128xf32, #tpu.memory_space<vmem>>, %arg13: memref<4x32x128xf32, #tpu.memory_space<vmem>>, %arg14: memref<4x32x128xf32, #tpu.memory_space<vmem>>, %arg15: memref<2048xf32, #tpu.memory_space<vmem>>, %arg16: memref<512xf32, #tpu.memory_space<vmem>>, %arg17: memref<!tpu.dma_semaphore, #tpu.memory_space<semaphore_mem>>, %arg18: memref<!tpu.dma_semaphore, #tpu.memory_space<semaphore_mem>>, %arg19: memref<!tpu.dma_semaphore, #tpu.memory_space<semaphore_mem>>) attributes {dimension_semantics = [#tpu.dimension_semantics<core_parallel>, #tpu.dimension_semantics<subcore_parallel>], iteration_bounds = array<i64: 2, 16>, scalar_prefetch = 0 : i64, scratch_operands = 13 : i64, tpu.core_type = #tpu.core_type<sc_vector_subcore>, window_params = [{transform_indices = #map}, {transform_indices = #map}, {transform_indices = #map1}, {transform_indices = #map1}, {transform_indices = #map}]} {
    %mul3A = arith.constant 2 : i32
    %mul3A_0 = arith.muli %arg1, %mul3A : i32
    %add3A = arith.addi %mul3A_0, %arg0 : i32
    %mul3A_1 = arith.constant 512 : i32
    %mul3A_2 = arith.muli %add3A, %mul3A_1 : i32
    "tpu.region"() ({
      %run_scoped3A = tpu.sem_alloc : memref<!tpu.dma_semaphore, #tpu.memory_space<semaphore_mem>>
      %dma_start3A_868 = tpu.memref_slice %arg2[%mul3A_2] : memref<16400xi32, #tpu.memory_space<hbm>> -> memref<528xi32, #tpu.memory_space<hbm>>
      %dma_start3A_869 = tpu.memref_slice %arg2[%mul3A_2] : memref<16400xi32, #tpu.memory_space<hbm>> -> memref<528xi32, #tpu.memory_space<hbm>>
      tpu.enqueue_dma source(%dma_start3A_869 : memref<528xi32, #tpu.memory_space<hbm>>) target(%arg7 : memref<528xi32, #tpu.memory_space<vmem>>) target_semaphore(%run_scoped3A : memref<!tpu.dma_semaphore, #tpu.memory_space<semaphore_mem>>)
      %dma_wait3A_870 = tpu.memref_slice %arg2[%mul3A_2] : memref<16400xi32, #tpu.memory_space<hbm>> -> memref<528xi32, #tpu.memory_space<hbm>>
      %dma_wait3A_871 = tpu.memref_slice %arg2[%mul3A_2] : memref<16400xi32, #tpu.memory_space<hbm>> -> memref<528xi32, #tpu.memory_space<hbm>>
      tpu.wait_dma2 semaphore(%run_scoped3A : memref<!tpu.dma_semaphore, #tpu.memory_space<semaphore_mem>>) src(%dma_wait3A_871 : memref<528xi32, #tpu.memory_space<hbm>>) dst(%arg7 : memref<528xi32, #tpu.memory_space<vmem>>)
      tpu.yield
    }) : () -> ()
    "tpu.region"() ({
      %run_scoped3A = tpu.sem_alloc : memref<!tpu.dma_semaphore, #tpu.memory_space<semaphore_mem>>
      %dma_start3A_868 = tpu.memref_slice %arg3[%mul3A_2] : memref<16400xi32, #tpu.memory_space<hbm>> -> memref<528xi32, #tpu.memory_space<hbm>>
      %dma_start3A_869 = tpu.memref_slice %arg3[%mul3A_2] : memref<16400xi32, #tpu.memory_space<hbm>> -> memref<528xi32, #tpu.memory_space<hbm>>
      tpu.enqueue_dma source(%dma_start3A_869 : memref<528xi32, #tpu.memory_space<hbm>>) target(%arg8 : memref<528xi32, #tpu.memory_space<vmem>>) target_semaphore(%run_scoped3A : memref<!tpu.dma_semaphore, #tpu.memory_space<semaphore_mem>>)
      %dma_wait3A_870 = tpu.memref_slice %arg3[%mul3A_2] : memref<16400xi32, #tpu.memory_space<hbm>> -> memref<528xi32, #tpu.memory_space<hbm>>
      %dma_wait3A_871 = tpu.memref_slice %arg3[%mul3A_2] : memref<16400xi32, #tpu.memory_space<hbm>> -> memref<528xi32, #tpu.memory_space<hbm>>
      tpu.wait_dma2 semaphore(%run_scoped3A : memref<!tpu.dma_semaphore, #tpu.memory_space<semaphore_mem>>) src(%dma_wait3A_871 : memref<528xi32, #tpu.memory_space<hbm>>) dst(%arg8 : memref<528xi32, #tpu.memory_space<vmem>>)
      tpu.yield
    }) : () -> ()
    %iota3A = tpu.iota {dimensions = array<i32: 0>} : vector<16xi32>
    %jit3A = arith.constant 4 : i32
    %div3A = vector.broadcast %jit3A : i32 to vector<16xi32>
    %div3A_3 = arith.divsi %iota3A, %div3A : vector<16xi32>
    %sign3A = arith.constant 0 : i32
    %sign3A_4 = vector.broadcast %sign3A : i32 to vector<16xi32>
    %sign3A_5 = arith.cmpi sgt, %iota3A, %sign3A_4 : vector<16xi32>
    %sign3A_6 = arith.extui %sign3A_5 : vector<16xi1> to vector<16xi32>
    %sign3A_7 = arith.constant 0 : i32
    %sign3A_8 = vector.broadcast %sign3A_7 : i32 to vector<16xi32>
    %sign3A_9 = arith.cmpi slt, %iota3A, %sign3A_8 : vector<16xi32>
    %sign3A_10 = arith.extui %sign3A_9 : vector<16xi1> to vector<16xi32>
    %sign3A_11 = arith.subi %sign3A_6, %sign3A_10 : vector<16xi32>
    %sign3A_12 = arith.constant 0 : i32
    %sign3A_13 = arith.cmpi sgt, %jit3A, %sign3A_12 : i32
    %sign3A_14 = arith.extui %sign3A_13 : i1 to i32
    %sign3A_15 = arith.constant 0 : i32
    %sign3A_16 = arith.cmpi slt, %jit3A, %sign3A_15 : i32
    %sign3A_17 = arith.extui %sign3A_16 : i1 to i32
    %sign3A_18 = arith.subi %sign3A_14, %sign3A_17 : i32
    %ne3A = vector.broadcast %sign3A_18 : i32 to vector<16xi32>
    %ne3A_19 = arith.cmpi ne, %sign3A_11, %ne3A : vector<16xi32>
    %rem3A = vector.broadcast %jit3A : i32 to vector<16xi32>
    %rem3A_20 = arith.remsi %iota3A, %rem3A : vector<16xi32>
    %ne3A_21 = arith.constant 0 : i32
    %ne3A_22 = vector.broadcast %ne3A_21 : i32 to vector<16xi32>
    %ne3A_23 = arith.cmpi ne, %rem3A_20, %ne3A_22 : vector<16xi32>
    %and3A = arith.andi %ne3A_19, %ne3A_23 : vector<16xi1>
    %sub3A = arith.constant 1 : i32
    %sub3A_24 = vector.broadcast %sub3A : i32 to vector<16xi32>
    %sub3A_25 = arith.subi %div3A_3, %sub3A_24 : vector<16xi32>
    %select_n3A = arith.select %and3A, %sub3A_25, %div3A_3 : vector<16xi1>, vector<16xi32>
    %mul3A_26 = arith.constant 4 : i32
    %mul3A_27 = vector.broadcast %mul3A_26 : i32 to vector<16xi32>
    %mul3A_28 = arith.muli %select_n3A, %mul3A_27 : vector<16xi32>
    %sub3A_29 = arith.subi %iota3A, %mul3A_28 : vector<16xi32>
    %get3A = arith.constant 0 : index
    %get3A_30 = tpu.vector_load %arg7[%get3A] {strides = array<i32>} : memref<528xi32, #tpu.memory_space<vmem>>, vector<16xi32>,
    %get3A_31 = arith.constant 0 : index
    %get3A_32 = tpu.vector_load %arg8[%get3A_31] {strides = array<i32>} : memref<528xi32, #tpu.memory_space<vmem>>, vector<16xi32>,
    %slice3A = vector.extract_strided_slice %get3A_30 {offsets = [0], sizes = [1], strides = [1]} : vector<16xi32> to vector<1xi32>
    %squeeze3A = vector.extract %slice3A[0] : i32 from vector<1xi32>
    %slice3A_33 = vector.extract_strided_slice %get3A_32 {offsets = [0], sizes = [1], strides = [1]} : vector<16xi32> to vector<1xi32>
    %squeeze3A_34 = vector.extract %slice3A_33[0] : i32 from vector<1xi32>
    %shift_right_arithmetic3A = arith.constant 7 : i32
    %shift_right_arithmetic3A_35 = arith.shrsi %squeeze3A, %shift_right_arithmetic3A : i32
    %mul3A_36 = arith.constant 128 : i32
    %mul3A_37 = arith.muli %shift_right_arithmetic3A_35, %mul3A_36 : i32
    %dma_start3A = arith.constant 0 : i32
    %dma_start3A_38 = arith.constant 0 : i32
    %dma_start3A_39 = arith.constant 0 : i32
    %dma_start3A_40 = tpu.memref_slice %arg9[%dma_start3A, %dma_start3A_38, %dma_start3A_39] : memref<4x32x128xf32, #tpu.memory_space<vmem>> -> memref<1x32x128xf32, #tpu.memory_space<vmem>>
    %dma_start3A_41 = tpu.memref_squeeze %dma_start3A_40 : memref<1x32x128xf32, #tpu.memory_space<vmem>> -> memref<32x128xf32, #tpu.memory_space<vmem>>
    %dma_start3A_42 = arith.constant 0 : i32
    %dma_start3A_43 = tpu.memref_slice %arg4[%dma_start3A_42, %mul3A_37] : memref<32x1000000xf32, #tpu.memory_space<hbm>> -> memref<32x128xf32, #tpu.memory_space<hbm>>
    %dma_start3A_44 = arith.constant 0 : i32
    %dma_start3A_45 = arith.constant 0 : i32
    %dma_start3A_46 = tpu.memref_slice %arg9[%dma_start3A, %dma_start3A_44, %dma_start3A_45] : memref<4x32x128xf32, #tpu.memory_space<vmem>> -> memref<1x32x128xf32, #tpu.memory_space<vmem>>
    %dma_start3A_47 = tpu.memref_squeeze %dma_start3A_46 : memref<1x32x128xf32, #tpu.memory_space<vmem>> -> memref<32x128xf32, #tpu.memory_space<vmem>>
    %dma_start3A_48 = arith.constant 0 : i32
    %dma_start3A_49 = tpu.memref_slice %arg4[%dma_start3A_48, %mul3A_37] : memref<32x1000000xf32, #tpu.memory_space<hbm>> -> memref<32x128xf32, #tpu.memory_space<hbm>>
    tpu.enqueue_dma source(%dma_start3A_49 : memref<32x128xf32, #tpu.memory_space<hbm>>) target(%dma_start3A_47 : memref<32x128xf32, #tpu.memory_space<vmem>>) target_semaphore(%arg17 : memref<!tpu.dma_semaphore, #tpu.memory_space<semaphore_mem>>)
    %shift_right_arithmetic3A_50 = arith.constant 7 : i32
    %shift_right_arithmetic3A_51 = arith.shrsi %squeeze3A_34, %shift_right_arithmetic3A_50 : i32
    %mul3A_52 = arith.constant 128 : i32
    %mul3A_53 = arith.muli %shift_right_arithmetic3A_51, %mul3A_52 : i32
    %dma_start3A_54 = arith.constant 0 : i32
    %dma_start3A_55 = arith.constant 0 : i32
    %dma_start3A_56 = arith.constant 0 : i32
    %dma_start3A_57 = tpu.memref_slice %arg12[%dma_start3A_54, %dma_start3A_55, %dma_start3A_56] : memref<4x32x128xf32, #tpu.memory_space<vmem>> -> memref<1x32x128xf32, #tpu.memory_space<vmem>>
    %dma_start3A_58 = tpu.memref_squeeze %dma_start3A_57 : memref<1x32x128xf32, #tpu.memory_space<vmem>> -> memref<32x128xf32, #tpu.memory_space<vmem>>
    %dma_start3A_59 = arith.constant 0 : i32
    %dma_start3A_60 = tpu.memref_slice %arg5[%dma_start3A_59, %mul3A_53] : memref<32x1000000xf32, #tpu.memory_space<hbm>> -> memref<32x128xf32, #tpu.memory_space<hbm>>
    %dma_start3A_61 = arith.constant 0 : i32
    %dma_start3A_62 = arith.constant 0 : i32
    %dma_start3A_63 = tpu.memref_slice %arg12[%dma_start3A_54, %dma_start3A_61, %dma_start3A_62] : memref<4x32x128xf32, #tpu.memory_space<vmem>> -> memref<1x32x128xf32, #tpu.memory_space<vmem>>
    %dma_start3A_64 = tpu.memref_squeeze %dma_start3A_63 : memref<1x32x128xf32, #tpu.memory_space<vmem>> -> memref<32x128xf32, #tpu.memory_space<vmem>>
    %dma_start3A_65 = arith.constant 0 : i32
    %dma_start3A_66 = tpu.memref_slice %arg5[%dma_start3A_65, %mul3A_53] : memref<32x1000000xf32, #tpu.memory_space<hbm>> -> memref<32x128xf32, #tpu.memory_space<hbm>>
    tpu.enqueue_dma source(%dma_start3A_66 : memref<32x128xf32, #tpu.memory_space<hbm>>) target(%dma_start3A_64 : memref<32x128xf32, #tpu.memory_space<vmem>>) target_semaphore(%arg17 : memref<!tpu.dma_semaphore, #tpu.memory_space<semaphore_mem>>)
    %slice3A_67 = vector.extract_strided_slice %get3A_30 {offsets = [1], sizes = [1], strides = [1]} : vector<16xi32> to vector<1xi32>
    %squeeze3A_68 = vector.extract %slice3A_67[0] : i32 from vector<1xi32>
    %slice3A_69 = vector.extract_strided_slice %get3A_32 {offsets = [1], sizes = [1], strides = [1]} : vector<16xi32> to vector<1xi32>
    %squeeze3A_70 = vector.extract %slice3A_69[0] : i32 from vector<1xi32>
    %shift_right_arithmetic3A_71 = arith.constant 7 : i32
    %shift_right_arithmetic3A_72 = arith.shrsi %squeeze3A_68, %shift_right_arithmetic3A_71 : i32
    %mul3A_73 = arith.constant 128 : i32
    %mul3A_74 = arith.muli %shift_right_arithmetic3A_72, %mul3A_73 : i32
    %dma_start3A_75 = arith.constant 1 : i32
    %dma_start3A_76 = arith.constant 0 : i32
    %dma_start3A_77 = arith.constant 0 : i32
    %dma_start3A_78 = tpu.memref_slice %arg9[%dma_start3A_75, %dma_start3A_76, %dma_start3A_77] : memref<4x32x128xf32, #tpu.memory_space<vmem>> -> memref<1x32x128xf32, #tpu.memory_space<vmem>>
    %dma_start3A_79 = tpu.memref_squeeze %dma_start3A_78 : memref<1x32x128xf32, #tpu.memory_space<vmem>> -> memref<32x128xf32, #tpu.memory_space<vmem>>
    %dma_start3A_80 = arith.constant 0 : i32
    %dma_start3A_81 = tpu.memref_slice %arg4[%dma_start3A_80, %mul3A_74] : memref<32x1000000xf32, #tpu.memory_space<hbm>> -> memref<32x128xf32, #tpu.memory_space<hbm>>
    %dma_start3A_82 = arith.constant 0 : i32
    %dma_start3A_83 = arith.constant 0 : i32
    %dma_start3A_84 = tpu.memref_slice %arg9[%dma_start3A_75, %dma_start3A_82, %dma_start3A_83] : memref<4x32x128xf32, #tpu.memory_space<vmem>> -> memref<1x32x128xf32, #tpu.memory_space<vmem>>
    %dma_start3A_85 = tpu.memref_squeeze %dma_start3A_84 : memref<1x32x128xf32, #tpu.memory_space<vmem>> -> memref<32x128xf32, #tpu.memory_space<vmem>>
    %dma_start3A_86 = arith.constant 0 : i32
    %dma_start3A_87 = tpu.memref_slice %arg4[%dma_start3A_86, %mul3A_74] : memref<32x1000000xf32, #tpu.memory_space<hbm>> -> memref<32x128xf32, #tpu.memory_space<hbm>>
    tpu.enqueue_dma source(%dma_start3A_87 : memref<32x128xf32, #tpu.memory_space<hbm>>) target(%dma_start3A_85 : memref<32x128xf32, #tpu.memory_space<vmem>>) target_semaphore(%arg17 : memref<!tpu.dma_semaphore, #tpu.memory_space<semaphore_mem>>)
    %shift_right_arithmetic3A_88 = arith.constant 7 : i32
    %shift_right_arithmetic3A_89 = arith.shrsi %squeeze3A_70, %shift_right_arithmetic3A_88 : i32
    %mul3A_90 = arith.constant 128 : i32
    %mul3A_91 = arith.muli %shift_right_arithmetic3A_89, %mul3A_90 : i32
    %dma_start3A_92 = arith.constant 1 : i32
    %dma_start3A_93 = arith.constant 0 : i32
    %dma_start3A_94 = arith.constant 0 : i32
    %dma_start3A_95 = tpu.memref_slice %arg12[%dma_start3A_92, %dma_start3A_93, %dma_start3A_94] : memref<4x32x128xf32, #tpu.memory_space<vmem>> -> memref<1x32x128xf32, #tpu.memory_space<vmem>>
    %dma_start3A_96 = tpu.memref_squeeze %dma_start3A_95 : memref<1x32x128xf32, #tpu.memory_space<vmem>> -> memref<32x128xf32, #tpu.memory_space<vmem>>
    %dma_start3A_97 = arith.constant 0 : i32
    %dma_start3A_98 = tpu.memref_slice %arg5[%dma_start3A_97, %mul3A_91] : memref<32x1000000xf32, #tpu.memory_space<hbm>> -> memref<32x128xf32, #tpu.memory_space<hbm>>
    %dma_start3A_99 = arith.constant 0 : i32
    %dma_start3A_100 = arith.constant 0 : i32
    %dma_start3A_101 = tpu.memref_slice %arg12[%dma_start3A_92, %dma_start3A_99, %dma_start3A_100] : memref<4x32x128xf32, #tpu.memory_space<vmem>> -> memref<1x32x128xf32, #tpu.memory_space<vmem>>
    %dma_start3A_102 = tpu.memref_squeeze %dma_start3A_101 : memref<1x32x128xf32, #tpu.memory_space<vmem>> -> memref<32x128xf32, #tpu.memory_space<vmem>>
    %dma_start3A_103 = arith.constant 0 : i32
    %dma_start3A_104 = tpu.memref_slice %arg5[%dma_start3A_103, %mul3A_91] : memref<32x1000000xf32, #tpu.memory_space<hbm>> -> memref<32x128xf32, #tpu.memory_space<hbm>>
    tpu.enqueue_dma source(%dma_start3A_104 : memref<32x128xf32, #tpu.memory_space<hbm>>) target(%dma_start3A_102 : memref<32x128xf32, #tpu.memory_space<vmem>>) target_semaphore(%arg17 : memref<!tpu.dma_semaphore, #tpu.memory_space<semaphore_mem>>)
    %slice3A_105 = vector.extract_strided_slice %get3A_30 {offsets = [2], sizes = [1], strides = [1]} : vector<16xi32> to vector<1xi32>
    %squeeze3A_106 = vector.extract %slice3A_105[0] : i32 from vector<1xi32>
    %slice3A_107 = vector.extract_strided_slice %get3A_32 {offsets = [2], sizes = [1], strides = [1]} : vector<16xi32> to vector<1xi32>
    %squeeze3A_108 = vector.extract %slice3A_107[0] : i32 from vector<1xi32>
    %shift_right_arithmetic3A_109 = arith.constant 7 : i32
    %shift_right_arithmetic3A_110 = arith.shrsi %squeeze3A_106, %shift_right_arithmetic3A_109 : i32
    %mul3A_111 = arith.constant 128 : i32
    %mul3A_112 = arith.muli %shift_right_arithmetic3A_110, %mul3A_111 : i32
    %dma_start3A_113 = arith.constant 2 : i32
    %dma_start3A_114 = arith.constant 0 : i32
    %dma_start3A_115 = arith.constant 0 : i32
    %dma_start3A_116 = tpu.memref_slice %arg9[%dma_start3A_113, %dma_start3A_114, %dma_start3A_115] : memref<4x32x128xf32, #tpu.memory_space<vmem>> -> memref<1x32x128xf32, #tpu.memory_space<vmem>>
    %dma_start3A_117 = tpu.memref_squeeze %dma_start3A_116 : memref<1x32x128xf32, #tpu.memory_space<vmem>> -> memref<32x128xf32, #tpu.memory_space<vmem>>
    %dma_start3A_118 = arith.constant 0 : i32
    %dma_start3A_119 = tpu.memref_slice %arg4[%dma_start3A_118, %mul3A_112] : memref<32x1000000xf32, #tpu.memory_space<hbm>> -> memref<32x128xf32, #tpu.memory_space<hbm>>
    %dma_start3A_120 = arith.constant 0 : i32
    %dma_start3A_121 = arith.constant 0 : i32
    %dma_start3A_122 = tpu.memref_slice %arg9[%dma_start3A_113, %dma_start3A_120, %dma_start3A_121] : memref<4x32x128xf32, #tpu.memory_space<vmem>> -> memref<1x32x128xf32, #tpu.memory_space<vmem>>
    %dma_start3A_123 = tpu.memref_squeeze %dma_start3A_122 : memref<1x32x128xf32, #tpu.memory_space<vmem>> -> memref<32x128xf32, #tpu.memory_space<vmem>>
    %dma_start3A_124 = arith.constant 0 : i32
    %dma_start3A_125 = tpu.memref_slice %arg4[%dma_start3A_124, %mul3A_112] : memref<32x1000000xf32, #tpu.memory_space<hbm>> -> memref<32x128xf32, #tpu.memory_space<hbm>>
    tpu.enqueue_dma source(%dma_start3A_125 : memref<32x128xf32, #tpu.memory_space<hbm>>) target(%dma_start3A_123 : memref<32x128xf32, #tpu.memory_space<vmem>>) target_semaphore(%arg17 : memref<!tpu.dma_semaphore, #tpu.memory_space<semaphore_mem>>)
    %shift_right_arithmetic3A_126 = arith.constant 7 : i32
    %shift_right_arithmetic3A_127 = arith.shrsi %squeeze3A_108, %shift_right_arithmetic3A_126 : i32
    %mul3A_128 = arith.constant 128 : i32
    %mul3A_129 = arith.muli %shift_right_arithmetic3A_127, %mul3A_128 : i32
    %dma_start3A_130 = arith.constant 2 : i32
    %dma_start3A_131 = arith.constant 0 : i32
    %dma_start3A_132 = arith.constant 0 : i32
    %dma_start3A_133 = tpu.memref_slice %arg12[%dma_start3A_130, %dma_start3A_131, %dma_start3A_132] : memref<4x32x128xf32, #tpu.memory_space<vmem>> -> memref<1x32x128xf32, #tpu.memory_space<vmem>>
    %dma_start3A_134 = tpu.memref_squeeze %dma_start3A_133 : memref<1x32x128xf32, #tpu.memory_space<vmem>> -> memref<32x128xf32, #tpu.memory_space<vmem>>
    %dma_start3A_135 = arith.constant 0 : i32
    %dma_start3A_136 = tpu.memref_slice %arg5[%dma_start3A_135, %mul3A_129] : memref<32x1000000xf32, #tpu.memory_space<hbm>> -> memref<32x128xf32, #tpu.memory_space<hbm>>
    %dma_start3A_137 = arith.constant 0 : i32
    %dma_start3A_138 = arith.constant 0 : i32
    %dma_start3A_139 = tpu.memref_slice %arg12[%dma_start3A_130, %dma_start3A_137, %dma_start3A_138] : memref<4x32x128xf32, #tpu.memory_space<vmem>> -> memref<1x32x128xf32, #tpu.memory_space<vmem>>
    %dma_start3A_140 = tpu.memref_squeeze %dma_start3A_139 : memref<1x32x128xf32, #tpu.memory_space<vmem>> -> memref<32x128xf32, #tpu.memory_space<vmem>>
    %dma_start3A_141 = arith.constant 0 : i32
    %dma_start3A_142 = tpu.memref_slice %arg5[%dma_start3A_141, %mul3A_129] : memref<32x1000000xf32, #tpu.memory_space<hbm>> -> memref<32x128xf32, #tpu.memory_space<hbm>>
    tpu.enqueue_dma source(%dma_start3A_142 : memref<32x128xf32, #tpu.memory_space<hbm>>) target(%dma_start3A_140 : memref<32x128xf32, #tpu.memory_space<vmem>>) target_semaphore(%arg17 : memref<!tpu.dma_semaphore, #tpu.memory_space<semaphore_mem>>)
    %slice3A_143 = vector.extract_strided_slice %get3A_30 {offsets = [3], sizes = [1], strides = [1]} : vector<16xi32> to vector<1xi32>
    %squeeze3A_144 = vector.extract %slice3A_143[0] : i32 from vector<1xi32>
    %slice3A_145 = vector.extract_strided_slice %get3A_32 {offsets = [3], sizes = [1], strides = [1]} : vector<16xi32> to vector<1xi32>
    %squeeze3A_146 = vector.extract %slice3A_145[0] : i32 from vector<1xi32>
    %shift_right_arithmetic3A_147 = arith.constant 7 : i32
    %shift_right_arithmetic3A_148 = arith.shrsi %squeeze3A_144, %shift_right_arithmetic3A_147 : i32
    %mul3A_149 = arith.constant 128 : i32
    %mul3A_150 = arith.muli %shift_right_arithmetic3A_148, %mul3A_149 : i32
    %dma_start3A_151 = arith.constant 3 : i32
    %dma_start3A_152 = arith.constant 0 : i32
    %dma_start3A_153 = arith.constant 0 : i32
    %dma_start3A_154 = tpu.memref_slice %arg9[%dma_start3A_151, %dma_start3A_152, %dma_start3A_153] : memref<4x32x128xf32, #tpu.memory_space<vmem>> -> memref<1x32x128xf32, #tpu.memory_space<vmem>>
    %dma_start3A_155 = tpu.memref_squeeze %dma_start3A_154 : memref<1x32x128xf32, #tpu.memory_space<vmem>> -> memref<32x128xf32, #tpu.memory_space<vmem>>
    %dma_start3A_156 = arith.constant 0 : i32
    %dma_start3A_157 = tpu.memref_slice %arg4[%dma_start3A_156, %mul3A_150] : memref<32x1000000xf32, #tpu.memory_space<hbm>> -> memref<32x128xf32, #tpu.memory_space<hbm>>
    %dma_start3A_158 = arith.constant 0 : i32
    %dma_start3A_159 = arith.constant 0 : i32
    %dma_start3A_160 = tpu.memref_slice %arg9[%dma_start3A_151, %dma_start3A_158, %dma_start3A_159] : memref<4x32x128xf32, #tpu.memory_space<vmem>> -> memref<1x32x128xf32, #tpu.memory_space<vmem>>
    %dma_start3A_161 = tpu.memref_squeeze %dma_start3A_160 : memref<1x32x128xf32, #tpu.memory_space<vmem>> -> memref<32x128xf32, #tpu.memory_space<vmem>>
    %dma_start3A_162 = arith.constant 0 : i32
    %dma_start3A_163 = tpu.memref_slice %arg4[%dma_start3A_162, %mul3A_150] : memref<32x1000000xf32, #tpu.memory_space<hbm>> -> memref<32x128xf32, #tpu.memory_space<hbm>>
    tpu.enqueue_dma source(%dma_start3A_163 : memref<32x128xf32, #tpu.memory_space<hbm>>) target(%dma_start3A_161 : memref<32x128xf32, #tpu.memory_space<vmem>>) target_semaphore(%arg17 : memref<!tpu.dma_semaphore, #tpu.memory_space<semaphore_mem>>)
    %shift_right_arithmetic3A_164 = arith.constant 7 : i32
    %shift_right_arithmetic3A_165 = arith.shrsi %squeeze3A_146, %shift_right_arithmetic3A_164 : i32
    %mul3A_166 = arith.constant 128 : i32
    %mul3A_167 = arith.muli %shift_right_arithmetic3A_165, %mul3A_166 : i32
    %dma_start3A_168 = arith.constant 3 : i32
    %dma_start3A_169 = arith.constant 0 : i32
    %dma_start3A_170 = arith.constant 0 : i32
    %dma_start3A_171 = tpu.memref_slice %arg12[%dma_start3A_168, %dma_start3A_169, %dma_start3A_170] : memref<4x32x128xf32, #tpu.memory_space<vmem>> -> memref<1x32x128xf32, #tpu.memory_space<vmem>>
    %dma_start3A_172 = tpu.memref_squeeze %dma_start3A_171 : memref<1x32x128xf32, #tpu.memory_space<vmem>> -> memref<32x128xf32, #tpu.memory_space<vmem>>
    %dma_start3A_173 = arith.constant 0 : i32
    %dma_start3A_174 = tpu.memref_slice %arg5[%dma_start3A_173, %mul3A_167] : memref<32x1000000xf32, #tpu.memory_space<hbm>> -> memref<32x128xf32, #tpu.memory_space<hbm>>
    %dma_start3A_175 = arith.constant 0 : i32
    %dma_start3A_176 = arith.constant 0 : i32
    %dma_start3A_177 = tpu.memref_slice %arg12[%dma_start3A_168, %dma_start3A_175, %dma_start3A_176] : memref<4x32x128xf32, #tpu.memory_space<vmem>> -> memref<1x32x128xf32, #tpu.memory_space<vmem>>
    %dma_start3A_178 = tpu.memref_squeeze %dma_start3A_177 : memref<1x32x128xf32, #tpu.memory_space<vmem>> -> memref<32x128xf32, #tpu.memory_space<vmem>>
    %dma_start3A_179 = arith.constant 0 : i32
    %dma_start3A_180 = tpu.memref_slice %arg5[%dma_start3A_179, %mul3A_167] : memref<32x1000000xf32, #tpu.memory_space<hbm>> -> memref<32x128xf32, #tpu.memory_space<hbm>>
    tpu.enqueue_dma source(%dma_start3A_180 : memref<32x128xf32, #tpu.memory_space<hbm>>) target(%dma_start3A_178 : memref<32x128xf32, #tpu.memory_space<vmem>>) target_semaphore(%arg17 : memref<!tpu.dma_semaphore, #tpu.memory_space<semaphore_mem>>)
    %get3A_181 = arith.constant 4 : index
    %get3A_182 = tpu.vector_load %arg7[%get3A_181] {strides = array<i32>} : memref<528xi32, #tpu.memory_space<vmem>>, vector<16xi32>,
    %get3A_183 = arith.constant 4 : index
    %get3A_184 = tpu.vector_load %arg8[%get3A_183] {strides = array<i32>} : memref<528xi32, #tpu.memory_space<vmem>>, vector<16xi32>,
    %slice3A_185 = vector.extract_strided_slice %get3A_182 {offsets = [0], sizes = [1], strides = [1]} : vector<16xi32> to vector<1xi32>
    %squeeze3A_186 = vector.extract %slice3A_185[0] : i32 from vector<1xi32>
    %slice3A_187 = vector.extract_strided_slice %get3A_184 {offsets = [0], sizes = [1], strides = [1]} : vector<16xi32> to vector<1xi32>
    %squeeze3A_188 = vector.extract %slice3A_187[0] : i32 from vector<1xi32>
    %shift_right_arithmetic3A_189 = arith.constant 7 : i32
    %shift_right_arithmetic3A_190 = arith.shrsi %squeeze3A_186, %shift_right_arithmetic3A_189 : i32
    %mul3A_191 = arith.constant 128 : i32
    %mul3A_192 = arith.muli %shift_right_arithmetic3A_190, %mul3A_191 : i32
    %dma_start3A_193 = arith.constant 0 : i32
    %dma_start3A_194 = arith.constant 0 : i32
    %dma_start3A_195 = arith.constant 0 : i32
    %dma_start3A_196 = tpu.memref_slice %arg10[%dma_start3A_193, %dma_start3A_194, %dma_start3A_195] : memref<4x32x128xf32, #tpu.memory_space<vmem>> -> memref<1x32x128xf32, #tpu.memory_space<vmem>>
    %dma_start3A_197 = tpu.memref_squeeze %dma_start3A_196 : memref<1x32x128xf32, #tpu.memory_space<vmem>> -> memref<32x128xf32, #tpu.memory_space<vmem>>
    %dma_start3A_198 = arith.constant 0 : i32
    %dma_start3A_199 = tpu.memref_slice %arg4[%dma_start3A_198, %mul3A_192] : memref<32x1000000xf32, #tpu.memory_space<hbm>> -> memref<32x128xf32, #tpu.memory_space<hbm>>
    %dma_start3A_200 = arith.constant 0 : i32
    %dma_start3A_201 = arith.constant 0 : i32
    %dma_start3A_202 = tpu.memref_slice %arg10[%dma_start3A_193, %dma_start3A_200, %dma_start3A_201] : memref<4x32x128xf32, #tpu.memory_space<vmem>> -> memref<1x32x128xf32, #tpu.memory_space<vmem>>
    %dma_start3A_203 = tpu.memref_squeeze %dma_start3A_202 : memref<1x32x128xf32, #tpu.memory_space<vmem>> -> memref<32x128xf32, #tpu.memory_space<vmem>>
    %dma_start3A_204 = arith.constant 0 : i32
    %dma_start3A_205 = tpu.memref_slice %arg4[%dma_start3A_204, %mul3A_192] : memref<32x1000000xf32, #tpu.memory_space<hbm>> -> memref<32x128xf32, #tpu.memory_space<hbm>>
    tpu.enqueue_dma source(%dma_start3A_205 : memref<32x128xf32, #tpu.memory_space<hbm>>) target(%dma_start3A_203 : memref<32x128xf32, #tpu.memory_space<vmem>>) target_semaphore(%arg18 : memref<!tpu.dma_semaphore, #tpu.memory_space<semaphore_mem>>)
    %shift_right_arithmetic3A_206 = arith.constant 7 : i32
    %shift_right_arithmetic3A_207 = arith.shrsi %squeeze3A_188, %shift_right_arithmetic3A_206 : i32
    %mul3A_208 = arith.constant 128 : i32
    %mul3A_209 = arith.muli %shift_right_arithmetic3A_207, %mul3A_208 : i32
    %dma_start3A_210 = arith.constant 0 : i32
    %dma_start3A_211 = arith.constant 0 : i32
    %dma_start3A_212 = arith.constant 0 : i32
    %dma_start3A_213 = tpu.memref_slice %arg13[%dma_start3A_210, %dma_start3A_211, %dma_start3A_212] : memref<4x32x128xf32, #tpu.memory_space<vmem>> -> memref<1x32x128xf32, #tpu.memory_space<vmem>>
    %dma_start3A_214 = tpu.memref_squeeze %dma_start3A_213 : memref<1x32x128xf32, #tpu.memory_space<vmem>> -> memref<32x128xf32, #tpu.memory_space<vmem>>
    %dma_start3A_215 = arith.constant 0 : i32
    %dma_start3A_216 = tpu.memref_slice %arg5[%dma_start3A_215, %mul3A_209] : memref<32x1000000xf32, #tpu.memory_space<hbm>> -> memref<32x128xf32, #tpu.memory_space<hbm>>
    %dma_start3A_217 = arith.constant 0 : i32
    %dma_start3A_218 = arith.constant 0 : i32
    %dma_start3A_219 = tpu.memref_slice %arg13[%dma_start3A_210, %dma_start3A_217, %dma_start3A_218] : memref<4x32x128xf32, #tpu.memory_space<vmem>> -> memref<1x32x128xf32, #tpu.memory_space<vmem>>
    %dma_start3A_220 = tpu.memref_squeeze %dma_start3A_219 : memref<1x32x128xf32, #tpu.memory_space<vmem>> -> memref<32x128xf32, #tpu.memory_space<vmem>>
    %dma_start3A_221 = arith.constant 0 : i32
    %dma_start3A_222 = tpu.memref_slice %arg5[%dma_start3A_221, %mul3A_209] : memref<32x1000000xf32, #tpu.memory_space<hbm>> -> memref<32x128xf32, #tpu.memory_space<hbm>>
    tpu.enqueue_dma source(%dma_start3A_222 : memref<32x128xf32, #tpu.memory_space<hbm>>) target(%dma_start3A_220 : memref<32x128xf32, #tpu.memory_space<vmem>>) target_semaphore(%arg18 : memref<!tpu.dma_semaphore, #tpu.memory_space<semaphore_mem>>)
    %slice3A_223 = vector.extract_strided_slice %get3A_182 {offsets = [1], sizes = [1], strides = [1]} : vector<16xi32> to vector<1xi32>
    %squeeze3A_224 = vector.extract %slice3A_223[0] : i32 from vector<1xi32>
    %slice3A_225 = vector.extract_strided_slice %get3A_184 {offsets = [1], sizes = [1], strides = [1]} : vector<16xi32> to vector<1xi32>
    %squeeze3A_226 = vector.extract %slice3A_225[0] : i32 from vector<1xi32>
    %shift_right_arithmetic3A_227 = arith.constant 7 : i32
    %shift_right_arithmetic3A_228 = arith.shrsi %squeeze3A_224, %shift_right_arithmetic3A_227 : i32
    %mul3A_229 = arith.constant 128 : i32
    %mul3A_230 = arith.muli %shift_right_arithmetic3A_228, %mul3A_229 : i32
    %dma_start3A_231 = arith.constant 1 : i32
    %dma_start3A_232 = arith.constant 0 : i32
    %dma_start3A_233 = arith.constant 0 : i32
    %dma_start3A_234 = tpu.memref_slice %arg10[%dma_start3A_231, %dma_start3A_232, %dma_start3A_233] : memref<4x32x128xf32, #tpu.memory_space<vmem>> -> memref<1x32x128xf32, #tpu.memory_space<vmem>>
    %dma_start3A_235 = tpu.memref_squeeze %dma_start3A_234 : memref<1x32x128xf32, #tpu.memory_space<vmem>> -> memref<32x128xf32, #tpu.memory_space<vmem>>
    %dma_start3A_236 = arith.constant 0 : i32
    %dma_start3A_237 = tpu.memref_slice %arg4[%dma_start3A_236, %mul3A_230] : memref<32x1000000xf32, #tpu.memory_space<hbm>> -> memref<32x128xf32, #tpu.memory_space<hbm>>
    %dma_start3A_238 = arith.constant 0 : i32
    %dma_start3A_239 = arith.constant 0 : i32
    %dma_start3A_240 = tpu.memref_slice %arg10[%dma_start3A_231, %dma_start3A_238, %dma_start3A_239] : memref<4x32x128xf32, #tpu.memory_space<vmem>> -> memref<1x32x128xf32, #tpu.memory_space<vmem>>
    %dma_start3A_241 = tpu.memref_squeeze %dma_start3A_240 : memref<1x32x128xf32, #tpu.memory_space<vmem>> -> memref<32x128xf32, #tpu.memory_space<vmem>>
    %dma_start3A_242 = arith.constant 0 : i32
    %dma_start3A_243 = tpu.memref_slice %arg4[%dma_start3A_242, %mul3A_230] : memref<32x1000000xf32, #tpu.memory_space<hbm>> -> memref<32x128xf32, #tpu.memory_space<hbm>>
    tpu.enqueue_dma source(%dma_start3A_243 : memref<32x128xf32, #tpu.memory_space<hbm>>) target(%dma_start3A_241 : memref<32x128xf32, #tpu.memory_space<vmem>>) target_semaphore(%arg18 : memref<!tpu.dma_semaphore, #tpu.memory_space<semaphore_mem>>)
    %shift_right_arithmetic3A_244 = arith.constant 7 : i32
    %shift_right_arithmetic3A_245 = arith.shrsi %squeeze3A_226, %shift_right_arithmetic3A_244 : i32
    %mul3A_246 = arith.constant 128 : i32
    %mul3A_247 = arith.muli %shift_right_arithmetic3A_245, %mul3A_246 : i32
    %dma_start3A_248 = arith.constant 1 : i32
    %dma_start3A_249 = arith.constant 0 : i32
    %dma_start3A_250 = arith.constant 0 : i32
    %dma_start3A_251 = tpu.memref_slice %arg13[%dma_start3A_248, %dma_start3A_249, %dma_start3A_250] : memref<4x32x128xf32, #tpu.memory_space<vmem>> -> memref<1x32x128xf32, #tpu.memory_space<vmem>>
    %dma_start3A_252 = tpu.memref_squeeze %dma_start3A_251 : memref<1x32x128xf32, #tpu.memory_space<vmem>> -> memref<32x128xf32, #tpu.memory_space<vmem>>
    %dma_start3A_253 = arith.constant 0 : i32
    %dma_start3A_254 = tpu.memref_slice %arg5[%dma_start3A_253, %mul3A_247] : memref<32x1000000xf32, #tpu.memory_space<hbm>> -> memref<32x128xf32, #tpu.memory_space<hbm>>
    %dma_start3A_255 = arith.constant 0 : i32
    %dma_start3A_256 = arith.constant 0 : i32
    %dma_start3A_257 = tpu.memref_slice %arg13[%dma_start3A_248, %dma_start3A_255, %dma_start3A_256] : memref<4x32x128xf32, #tpu.memory_space<vmem>> -> memref<1x32x128xf32, #tpu.memory_space<vmem>>
    %dma_start3A_258 = tpu.memref_squeeze %dma_start3A_257 : memref<1x32x128xf32, #tpu.memory_space<vmem>> -> memref<32x128xf32, #tpu.memory_space<vmem>>
    %dma_start3A_259 = arith.constant 0 : i32
    %dma_start3A_260 = tpu.memref_slice %arg5[%dma_start3A_259, %mul3A_247] : memref<32x1000000xf32, #tpu.memory_space<hbm>> -> memref<32x128xf32, #tpu.memory_space<hbm>>
    tpu.enqueue_dma source(%dma_start3A_260 : memref<32x128xf32, #tpu.memory_space<hbm>>) target(%dma_start3A_258 : memref<32x128xf32, #tpu.memory_space<vmem>>) target_semaphore(%arg18 : memref<!tpu.dma_semaphore, #tpu.memory_space<semaphore_mem>>)
    %slice3A_261 = vector.extract_strided_slice %get3A_182 {offsets = [2], sizes = [1], strides = [1]} : vector<16xi32> to vector<1xi32>
    %squeeze3A_262 = vector.extract %slice3A_261[0] : i32 from vector<1xi32>
    %slice3A_263 = vector.extract_strided_slice %get3A_184 {offsets = [2], sizes = [1], strides = [1]} : vector<16xi32> to vector<1xi32>
    %squeeze3A_264 = vector.extract %slice3A_263[0] : i32 from vector<1xi32>
    %shift_right_arithmetic3A_265 = arith.constant 7 : i32
    %shift_right_arithmetic3A_266 = arith.shrsi %squeeze3A_262, %shift_right_arithmetic3A_265 : i32
    %mul3A_267 = arith.constant 128 : i32
    %mul3A_268 = arith.muli %shift_right_arithmetic3A_266, %mul3A_267 : i32
    %dma_start3A_269 = arith.constant 2 : i32
    %dma_start3A_270 = arith.constant 0 : i32
    %dma_start3A_271 = arith.constant 0 : i32
    %dma_start3A_272 = tpu.memref_slice %arg10[%dma_start3A_269, %dma_start3A_270, %dma_start3A_271] : memref<4x32x128xf32, #tpu.memory_space<vmem>> -> memref<1x32x128xf32, #tpu.memory_space<vmem>>
    %dma_start3A_273 = tpu.memref_squeeze %dma_start3A_272 : memref<1x32x128xf32, #tpu.memory_space<vmem>> -> memref<32x128xf32, #tpu.memory_space<vmem>>
    %dma_start3A_274 = arith.constant 0 : i32
    %dma_start3A_275 = tpu.memref_slice %arg4[%dma_start3A_274, %mul3A_268] : memref<32x1000000xf32, #tpu.memory_space<hbm>> -> memref<32x128xf32, #tpu.memory_space<hbm>>
    %dma_start3A_276 = arith.constant 0 : i32
    %dma_start3A_277 = arith.constant 0 : i32
    %dma_start3A_278 = tpu.memref_slice %arg10[%dma_start3A_269, %dma_start3A_276, %dma_start3A_277] : memref<4x32x128xf32, #tpu.memory_space<vmem>> -> memref<1x32x128xf32, #tpu.memory_space<vmem>>
    %dma_start3A_279 = tpu.memref_squeeze %dma_start3A_278 : memref<1x32x128xf32, #tpu.memory_space<vmem>> -> memref<32x128xf32, #tpu.memory_space<vmem>>
    %dma_start3A_280 = arith.constant 0 : i32
    %dma_start3A_281 = tpu.memref_slice %arg4[%dma_start3A_280, %mul3A_268] : memref<32x1000000xf32, #tpu.memory_space<hbm>> -> memref<32x128xf32, #tpu.memory_space<hbm>>
    tpu.enqueue_dma source(%dma_start3A_281 : memref<32x128xf32, #tpu.memory_space<hbm>>) target(%dma_start3A_279 : memref<32x128xf32, #tpu.memory_space<vmem>>) target_semaphore(%arg18 : memref<!tpu.dma_semaphore, #tpu.memory_space<semaphore_mem>>)
    %shift_right_arithmetic3A_282 = arith.constant 7 : i32
    %shift_right_arithmetic3A_283 = arith.shrsi %squeeze3A_264, %shift_right_arithmetic3A_282 : i32
    %mul3A_284 = arith.constant 128 : i32
    %mul3A_285 = arith.muli %shift_right_arithmetic3A_283, %mul3A_284 : i32
    %dma_start3A_286 = arith.constant 2 : i32
    %dma_start3A_287 = arith.constant 0 : i32
    %dma_start3A_288 = arith.constant 0 : i32
    %dma_start3A_289 = tpu.memref_slice %arg13[%dma_start3A_286, %dma_start3A_287, %dma_start3A_288] : memref<4x32x128xf32, #tpu.memory_space<vmem>> -> memref<1x32x128xf32, #tpu.memory_space<vmem>>
    %dma_start3A_290 = tpu.memref_squeeze %dma_start3A_289 : memref<1x32x128xf32, #tpu.memory_space<vmem>> -> memref<32x128xf32, #tpu.memory_space<vmem>>
    %dma_start3A_291 = arith.constant 0 : i32
    %dma_start3A_292 = tpu.memref_slice %arg5[%dma_start3A_291, %mul3A_285] : memref<32x1000000xf32, #tpu.memory_space<hbm>> -> memref<32x128xf32, #tpu.memory_space<hbm>>
    %dma_start3A_293 = arith.constant 0 : i32
    %dma_start3A_294 = arith.constant 0 : i32
    %dma_start3A_295 = tpu.memref_slice %arg13[%dma_start3A_286, %dma_start3A_293, %dma_start3A_294] : memref<4x32x128xf32, #tpu.memory_space<vmem>> -> memref<1x32x128xf32, #tpu.memory_space<vmem>>
    %dma_start3A_296 = tpu.memref_squeeze %dma_start3A_295 : memref<1x32x128xf32, #tpu.memory_space<vmem>> -> memref<32x128xf32, #tpu.memory_space<vmem>>
    %dma_start3A_297 = arith.constant 0 : i32
    %dma_start3A_298 = tpu.memref_slice %arg5[%dma_start3A_297, %mul3A_285] : memref<32x1000000xf32, #tpu.memory_space<hbm>> -> memref<32x128xf32, #tpu.memory_space<hbm>>
    tpu.enqueue_dma source(%dma_start3A_298 : memref<32x128xf32, #tpu.memory_space<hbm>>) target(%dma_start3A_296 : memref<32x128xf32, #tpu.memory_space<vmem>>) target_semaphore(%arg18 : memref<!tpu.dma_semaphore, #tpu.memory_space<semaphore_mem>>)
    %slice3A_299 = vector.extract_strided_slice %get3A_182 {offsets = [3], sizes = [1], strides = [1]} : vector<16xi32> to vector<1xi32>
    %squeeze3A_300 = vector.extract %slice3A_299[0] : i32 from vector<1xi32>
    %slice3A_301 = vector.extract_strided_slice %get3A_184 {offsets = [3], sizes = [1], strides = [1]} : vector<16xi32> to vector<1xi32>
    %squeeze3A_302 = vector.extract %slice3A_301[0] : i32 from vector<1xi32>
    %shift_right_arithmetic3A_303 = arith.constant 7 : i32
    %shift_right_arithmetic3A_304 = arith.shrsi %squeeze3A_300, %shift_right_arithmetic3A_303 : i32
    %mul3A_305 = arith.constant 128 : i32
    %mul3A_306 = arith.muli %shift_right_arithmetic3A_304, %mul3A_305 : i32
    %dma_start3A_307 = arith.constant 3 : i32
    %dma_start3A_308 = arith.constant 0 : i32
    %dma_start3A_309 = arith.constant 0 : i32
    %dma_start3A_310 = tpu.memref_slice %arg10[%dma_start3A_307, %dma_start3A_308, %dma_start3A_309] : memref<4x32x128xf32, #tpu.memory_space<vmem>> -> memref<1x32x128xf32, #tpu.memory_space<vmem>>
    %dma_start3A_311 = tpu.memref_squeeze %dma_start3A_310 : memref<1x32x128xf32, #tpu.memory_space<vmem>> -> memref<32x128xf32, #tpu.memory_space<vmem>>
    %dma_start3A_312 = arith.constant 0 : i32
    %dma_start3A_313 = tpu.memref_slice %arg4[%dma_start3A_312, %mul3A_306] : memref<32x1000000xf32, #tpu.memory_space<hbm>> -> memref<32x128xf32, #tpu.memory_space<hbm>>
    %dma_start3A_314 = arith.constant 0 : i32
    %dma_start3A_315 = arith.constant 0 : i32
    %dma_start3A_316 = tpu.memref_slice %arg10[%dma_start3A_307, %dma_start3A_314, %dma_start3A_315] : memref<4x32x128xf32, #tpu.memory_space<vmem>> -> memref<1x32x128xf32, #tpu.memory_space<vmem>>
    %dma_start3A_317 = tpu.memref_squeeze %dma_start3A_316 : memref<1x32x128xf32, #tpu.memory_space<vmem>> -> memref<32x128xf32, #tpu.memory_space<vmem>>
    %dma_start3A_318 = arith.constant 0 : i32
    %dma_start3A_319 = tpu.memref_slice %arg4[%dma_start3A_318, %mul3A_306] : memref<32x1000000xf32, #tpu.memory_space<hbm>> -> memref<32x128xf32, #tpu.memory_space<hbm>>
    tpu.enqueue_dma source(%dma_start3A_319 : memref<32x128xf32, #tpu.memory_space<hbm>>) target(%dma_start3A_317 : memref<32x128xf32, #tpu.memory_space<vmem>>) target_semaphore(%arg18 : memref<!tpu.dma_semaphore, #tpu.memory_space<semaphore_mem>>)
    %shift_right_arithmetic3A_320 = arith.constant 7 : i32
    %shift_right_arithmetic3A_321 = arith.shrsi %squeeze3A_302, %shift_right_arithmetic3A_320 : i32
    %mul3A_322 = arith.constant 128 : i32
    %mul3A_323 = arith.muli %shift_right_arithmetic3A_321, %mul3A_322 : i32
    %dma_start3A_324 = arith.constant 3 : i32
    %dma_start3A_325 = arith.constant 0 : i32
    %dma_start3A_326 = arith.constant 0 : i32
    %dma_start3A_327 = tpu.memref_slice %arg13[%dma_start3A_324, %dma_start3A_325, %dma_start3A_326] : memref<4x32x128xf32, #tpu.memory_space<vmem>> -> memref<1x32x128xf32, #tpu.memory_space<vmem>>
    %dma_start3A_328 = tpu.memref_squeeze %dma_start3A_327 : memref<1x32x128xf32, #tpu.memory_space<vmem>> -> memref<32x128xf32, #tpu.memory_space<vmem>>
    %dma_start3A_329 = arith.constant 0 : i32
    %dma_start3A_330 = tpu.memref_slice %arg5[%dma_start3A_329, %mul3A_323] : memref<32x1000000xf32, #tpu.memory_space<hbm>> -> memref<32x128xf32, #tpu.memory_space<hbm>>
    %dma_start3A_331 = arith.constant 0 : i32
    %dma_start3A_332 = arith.constant 0 : i32
    %dma_start3A_333 = tpu.memref_slice %arg13[%dma_start3A_324, %dma_start3A_331, %dma_start3A_332] : memref<4x32x128xf32, #tpu.memory_space<vmem>> -> memref<1x32x128xf32, #tpu.memory_space<vmem>>
    %dma_start3A_334 = tpu.memref_squeeze %dma_start3A_333 : memref<1x32x128xf32, #tpu.memory_space<vmem>> -> memref<32x128xf32, #tpu.memory_space<vmem>>
    %dma_start3A_335 = arith.constant 0 : i32
    %dma_start3A_336 = tpu.memref_slice %arg5[%dma_start3A_335, %mul3A_323] : memref<32x1000000xf32, #tpu.memory_space<hbm>> -> memref<32x128xf32, #tpu.memory_space<hbm>>
    tpu.enqueue_dma source(%dma_start3A_336 : memref<32x128xf32, #tpu.memory_space<hbm>>) target(%dma_start3A_334 : memref<32x128xf32, #tpu.memory_space<vmem>>) target_semaphore(%arg18 : memref<!tpu.dma_semaphore, #tpu.memory_space<semaphore_mem>>)
    %scan3A = arith.constant 0 : i32
    %scan3A_337 = arith.constant 42 : i32
    %scan3A_338 = arith.addi %scan3A, %scan3A_337 : i32
    %scan3A_339 = arith.constant 1 : i32
    scf.for %scan3A_868 = %scan3A to %scan3A_338 step %scan3A_339  : i32 {
      %mul3A_869 = arith.constant 3 : i32
      %mul3A_870 = arith.muli %scan3A_868, %mul3A_869 : i32
      %add3A_871 = arith.constant 0 : i32
      %add3A_872 = arith.addi %add3A_871, %mul3A_870 : i32
      %add3A_873 = arith.constant 0 : i32
      %add3A_874 = arith.addi %add3A_872, %add3A_873 : i32
      %add3A_875 = arith.constant 2 : i32
      %add3A_876 = arith.addi %add3A_874, %add3A_875 : i32
      %mul3A_877 = arith.constant 4 : i32
      %mul3A_878 = arith.muli %add3A_876, %mul3A_877 : i32
      %get3A_879 = arith.index_cast %mul3A_878 : i32 to index
      %get3A_880 = tpu.vector_load %arg7[%get3A_879] {strides = array<i32>} : memref<528xi32, #tpu.memory_space<vmem>>, vector<16xi32>,
      %mul3A_881 = arith.constant 4 : i32
      %mul3A_882 = arith.muli %add3A_876, %mul3A_881 : i32
      %get3A_883 = arith.index_cast %mul3A_882 : i32 to index
      %get3A_884 = tpu.vector_load %arg8[%get3A_883] {strides = array<i32>} : memref<528xi32, #tpu.memory_space<vmem>>, vector<16xi32>,
      %slice3A_885 = vector.extract_strided_slice %get3A_880 {offsets = [0], sizes = [1], strides = [1]} : vector<16xi32> to vector<1xi32>
      %squeeze3A_886 = vector.extract %slice3A_885[0] : i32 from vector<1xi32>
      %slice3A_887 = vector.extract_strided_slice %get3A_884 {offsets = [0], sizes = [1], strides = [1]} : vector<16xi32> to vector<1xi32>
      %squeeze3A_888 = vector.extract %slice3A_887[0] : i32 from vector<1xi32>
      %shift_right_arithmetic3A_889 = arith.constant 7 : i32
      %shift_right_arithmetic3A_890 = arith.shrsi %squeeze3A_886, %shift_right_arithmetic3A_889 : i32
      %mul3A_891 = arith.constant 128 : i32
      %mul3A_892 = arith.muli %shift_right_arithmetic3A_890, %mul3A_891 : i32
      %dma_start3A_893 = arith.constant 0 : i32
      %dma_start3A_894 = arith.constant 0 : i32
      %dma_start3A_895 = arith.constant 0 : i32
      %dma_start3A_896 = tpu.memref_slice %arg11[%dma_start3A_893, %dma_start3A_894, %dma_start3A_895] : memref<4x32x128xf32, #tpu.memory_space<vmem>> -> memref<1x32x128xf32, #tpu.memory_space<vmem>>
      %dma_start3A_897 = tpu.memref_squeeze %dma_start3A_896 : memref<1x32x128xf32, #tpu.memory_space<vmem>> -> memref<32x128xf32, #tpu.memory_space<vmem>>
      %dma_start3A_898 = arith.constant 0 : i32
      %dma_start3A_899 = tpu.memref_slice %arg4[%dma_start3A_898, %mul3A_892] : memref<32x1000000xf32, #tpu.memory_space<hbm>> -> memref<32x128xf32, #tpu.memory_space<hbm>>
      %dma_start3A_900 = arith.constant 0 : i32
      %dma_start3A_901 = arith.constant 0 : i32
      %dma_start3A_902 = tpu.memref_slice %arg11[%dma_start3A_893, %dma_start3A_900, %dma_start3A_901] : memref<4x32x128xf32, #tpu.memory_space<vmem>> -> memref<1x32x128xf32, #tpu.memory_space<vmem>>
      %dma_start3A_903 = tpu.memref_squeeze %dma_start3A_902 : memref<1x32x128xf32, #tpu.memory_space<vmem>> -> memref<32x128xf32, #tpu.memory_space<vmem>>
      %dma_start3A_904 = arith.constant 0 : i32
      %dma_start3A_905 = tpu.memref_slice %arg4[%dma_start3A_904, %mul3A_892] : memref<32x1000000xf32, #tpu.memory_space<hbm>> -> memref<32x128xf32, #tpu.memory_space<hbm>>
      tpu.enqueue_dma source(%dma_start3A_905 : memref<32x128xf32, #tpu.memory_space<hbm>>) target(%dma_start3A_903 : memref<32x128xf32, #tpu.memory_space<vmem>>) target_semaphore(%arg19 : memref<!tpu.dma_semaphore, #tpu.memory_space<semaphore_mem>>)
      %shift_right_arithmetic3A_906 = arith.constant 7 : i32
      %shift_right_arithmetic3A_907 = arith.shrsi %squeeze3A_888, %shift_right_arithmetic3A_906 : i32
      %mul3A_908 = arith.constant 128 : i32
      %mul3A_909 = arith.muli %shift_right_arithmetic3A_907, %mul3A_908 : i32
      %dma_start3A_910 = arith.constant 0 : i32
      %dma_start3A_911 = arith.constant 0 : i32
      %dma_start3A_912 = arith.constant 0 : i32
      %dma_start3A_913 = tpu.memref_slice %arg14[%dma_start3A_910, %dma_start3A_911, %dma_start3A_912] : memref<4x32x128xf32, #tpu.memory_space<vmem>> -> memref<1x32x128xf32, #tpu.memory_space<vmem>>
      %dma_start3A_914 = tpu.memref_squeeze %dma_start3A_913 : memref<1x32x128xf32, #tpu.memory_space<vmem>> -> memref<32x128xf32, #tpu.memory_space<vmem>>
      %dma_start3A_915 = arith.constant 0 : i32
      %dma_start3A_916 = tpu.memref_slice %arg5[%dma_start3A_915, %mul3A_909] : memref<32x1000000xf32, #tpu.memory_space<hbm>> -> memref<32x128xf32, #tpu.memory_space<hbm>>
      %dma_start3A_917 = arith.constant 0 : i32
      %dma_start3A_918 = arith.constant 0 : i32
      %dma_start3A_919 = tpu.memref_slice %arg14[%dma_start3A_910, %dma_start3A_917, %dma_start3A_918] : memref<4x32x128xf32, #tpu.memory_space<vmem>> -> memref<1x32x128xf32, #tpu.memory_space<vmem>>
      %dma_start3A_920 = tpu.memref_squeeze %dma_start3A_919 : memref<1x32x128xf32, #tpu.memory_space<vmem>> -> memref<32x128xf32, #tpu.memory_space<vmem>>
      %dma_start3A_921 = arith.constant 0 : i32
      %dma_start3A_922 = tpu.memref_slice %arg5[%dma_start3A_921, %mul3A_909] : memref<32x1000000xf32, #tpu.memory_space<hbm>> -> memref<32x128xf32, #tpu.memory_space<hbm>>
      tpu.enqueue_dma source(%dma_start3A_922 : memref<32x128xf32, #tpu.memory_space<hbm>>) target(%dma_start3A_920 : memref<32x128xf32, #tpu.memory_space<vmem>>) target_semaphore(%arg19 : memref<!tpu.dma_semaphore, #tpu.memory_space<semaphore_mem>>)
      %slice3A_923 = vector.extract_strided_slice %get3A_880 {offsets = [1], sizes = [1], strides = [1]} : vector<16xi32> to vector<1xi32>
      %squeeze3A_924 = vector.extract %slice3A_923[0] : i32 from vector<1xi32>
      %slice3A_925 = vector.extract_strided_slice %get3A_884 {offsets = [1], sizes = [1], strides = [1]} : vector<16xi32> to vector<1xi32>
      %squeeze3A_926 = vector.extract %slice3A_925[0] : i32 from vector<1xi32>
      %shift_right_arithmetic3A_927 = arith.constant 7 : i32
      %shift_right_arithmetic3A_928 = arith.shrsi %squeeze3A_924, %shift_right_arithmetic3A_927 : i32
      %mul3A_929 = arith.constant 128 : i32
      %mul3A_930 = arith.muli %shift_right_arithmetic3A_928, %mul3A_929 : i32
      %dma_start3A_931 = arith.constant 1 : i32
      %dma_start3A_932 = arith.constant 0 : i32
      %dma_start3A_933 = arith.constant 0 : i32
      %dma_start3A_934 = tpu.memref_slice %arg11[%dma_start3A_931, %dma_start3A_932, %dma_start3A_933] : memref<4x32x128xf32, #tpu.memory_space<vmem>> -> memref<1x32x128xf32, #tpu.memory_space<vmem>>
      %dma_start3A_935 = tpu.memref_squeeze %dma_start3A_934 : memref<1x32x128xf32, #tpu.memory_space<vmem>> -> memref<32x128xf32, #tpu.memory_space<vmem>>
      %dma_start3A_936 = arith.constant 0 : i32
      %dma_start3A_937 = tpu.memref_slice %arg4[%dma_start3A_936, %mul3A_930] : memref<32x1000000xf32, #tpu.memory_space<hbm>> -> memref<32x128xf32, #tpu.memory_space<hbm>>
      %dma_start3A_938 = arith.constant 0 : i32
      %dma_start3A_939 = arith.constant 0 : i32
      %dma_start3A_940 = tpu.memref_slice %arg11[%dma_start3A_931, %dma_start3A_938, %dma_start3A_939] : memref<4x32x128xf32, #tpu.memory_space<vmem>> -> memref<1x32x128xf32, #tpu.memory_space<vmem>>
      %dma_start3A_941 = tpu.memref_squeeze %dma_start3A_940 : memref<1x32x128xf32, #tpu.memory_space<vmem>> -> memref<32x128xf32, #tpu.memory_space<vmem>>
      %dma_start3A_942 = arith.constant 0 : i32
      %dma_start3A_943 = tpu.memref_slice %arg4[%dma_start3A_942, %mul3A_930] : memref<32x1000000xf32, #tpu.memory_space<hbm>> -> memref<32x128xf32, #tpu.memory_space<hbm>>
      tpu.enqueue_dma source(%dma_start3A_943 : memref<32x128xf32, #tpu.memory_space<hbm>>) target(%dma_start3A_941 : memref<32x128xf32, #tpu.memory_space<vmem>>) target_semaphore(%arg19 : memref<!tpu.dma_semaphore, #tpu.memory_space<semaphore_mem>>)
      %shift_right_arithmetic3A_944 = arith.constant 7 : i32
      %shift_right_arithmetic3A_945 = arith.shrsi %squeeze3A_926, %shift_right_arithmetic3A_944 : i32
      %mul3A_946 = arith.constant 128 : i32
      %mul3A_947 = arith.muli %shift_right_arithmetic3A_945, %mul3A_946 : i32
      %dma_start3A_948 = arith.constant 1 : i32
      %dma_start3A_949 = arith.constant 0 : i32
      %dma_start3A_950 = arith.constant 0 : i32
      %dma_start3A_951 = tpu.memref_slice %arg14[%dma_start3A_948, %dma_start3A_949, %dma_start3A_950] : memref<4x32x128xf32, #tpu.memory_space<vmem>> -> memref<1x32x128xf32, #tpu.memory_space<vmem>>
      %dma_start3A_952 = tpu.memref_squeeze %dma_start3A_951 : memref<1x32x128xf32, #tpu.memory_space<vmem>> -> memref<32x128xf32, #tpu.memory_space<vmem>>
      %dma_start3A_953 = arith.constant 0 : i32
      %dma_start3A_954 = tpu.memref_slice %arg5[%dma_start3A_953, %mul3A_947] : memref<32x1000000xf32, #tpu.memory_space<hbm>> -> memref<32x128xf32, #tpu.memory_space<hbm>>
      %dma_start3A_955 = arith.constant 0 : i32
      %dma_start3A_956 = arith.constant 0 : i32
      %dma_start3A_957 = tpu.memref_slice %arg14[%dma_start3A_948, %dma_start3A_955, %dma_start3A_956] : memref<4x32x128xf32, #tpu.memory_space<vmem>> -> memref<1x32x128xf32, #tpu.memory_space<vmem>>
      %dma_start3A_958 = tpu.memref_squeeze %dma_start3A_957 : memref<1x32x128xf32, #tpu.memory_space<vmem>> -> memref<32x128xf32, #tpu.memory_space<vmem>>
      %dma_start3A_959 = arith.constant 0 : i32
      %dma_start3A_960 = tpu.memref_slice %arg5[%dma_start3A_959, %mul3A_947] : memref<32x1000000xf32, #tpu.memory_space<hbm>> -> memref<32x128xf32, #tpu.memory_space<hbm>>
      tpu.enqueue_dma source(%dma_start3A_960 : memref<32x128xf32, #tpu.memory_space<hbm>>) target(%dma_start3A_958 : memref<32x128xf32, #tpu.memory_space<vmem>>) target_semaphore(%arg19 : memref<!tpu.dma_semaphore, #tpu.memory_space<semaphore_mem>>)
      %slice3A_961 = vector.extract_strided_slice %get3A_880 {offsets = [2], sizes = [1], strides = [1]} : vector<16xi32> to vector<1xi32>
      %squeeze3A_962 = vector.extract %slice3A_961[0] : i32 from vector<1xi32>
      %slice3A_963 = vector.extract_strided_slice %get3A_884 {offsets = [2], sizes = [1], strides = [1]} : vector<16xi32> to vector<1xi32>
      %squeeze3A_964 = vector.extract %slice3A_963[0] : i32 from vector<1xi32>
      %shift_right_arithmetic3A_965 = arith.constant 7 : i32
      %shift_right_arithmetic3A_966 = arith.shrsi %squeeze3A_962, %shift_right_arithmetic3A_965 : i32
      %mul3A_967 = arith.constant 128 : i32
      %mul3A_968 = arith.muli %shift_right_arithmetic3A_966, %mul3A_967 : i32
      %dma_start3A_969 = arith.constant 2 : i32
      %dma_start3A_970 = arith.constant 0 : i32
      %dma_start3A_971 = arith.constant 0 : i32
      %dma_start3A_972 = tpu.memref_slice %arg11[%dma_start3A_969, %dma_start3A_970, %dma_start3A_971] : memref<4x32x128xf32, #tpu.memory_space<vmem>> -> memref<1x32x128xf32, #tpu.memory_space<vmem>>
      %dma_start3A_973 = tpu.memref_squeeze %dma_start3A_972 : memref<1x32x128xf32, #tpu.memory_space<vmem>> -> memref<32x128xf32, #tpu.memory_space<vmem>>
      %dma_start3A_974 = arith.constant 0 : i32
      %dma_start3A_975 = tpu.memref_slice %arg4[%dma_start3A_974, %mul3A_968] : memref<32x1000000xf32, #tpu.memory_space<hbm>> -> memref<32x128xf32, #tpu.memory_space<hbm>>
      %dma_start3A_976 = arith.constant 0 : i32
      %dma_start3A_977 = arith.constant 0 : i32
      %dma_start3A_978 = tpu.memref_slice %arg11[%dma_start3A_969, %dma_start3A_976, %dma_start3A_977] : memref<4x32x128xf32, #tpu.memory_space<vmem>> -> memref<1x32x128xf32, #tpu.memory_space<vmem>>
      %dma_start3A_979 = tpu.memref_squeeze %dma_start3A_978 : memref<1x32x128xf32, #tpu.memory_space<vmem>> -> memref<32x128xf32, #tpu.memory_space<vmem>>
      %dma_start3A_980 = arith.constant 0 : i32
      %dma_start3A_981 = tpu.memref_slice %arg4[%dma_start3A_980, %mul3A_968] : memref<32x1000000xf32, #tpu.memory_space<hbm>> -> memref<32x128xf32, #tpu.memory_space<hbm>>
      tpu.enqueue_dma source(%dma_start3A_981 : memref<32x128xf32, #tpu.memory_space<hbm>>) target(%dma_start3A_979 : memref<32x128xf32, #tpu.memory_space<vmem>>) target_semaphore(%arg19 : memref<!tpu.dma_semaphore, #tpu.memory_space<semaphore_mem>>)
      %shift_right_arithmetic3A_982 = arith.constant 7 : i32
      %shift_right_arithmetic3A_983 = arith.shrsi %squeeze3A_964, %shift_right_arithmetic3A_982 : i32
      %mul3A_984 = arith.constant 128 : i32
      %mul3A_985 = arith.muli %shift_right_arithmetic3A_983, %mul3A_984 : i32
      %dma_start3A_986 = arith.constant 2 : i32
      %dma_start3A_987 = arith.constant 0 : i32
      %dma_start3A_988 = arith.constant 0 : i32
      %dma_start3A_989 = tpu.memref_slice %arg14[%dma_start3A_986, %dma_start3A_987, %dma_start3A_988] : memref<4x32x128xf32, #tpu.memory_space<vmem>> -> memref<1x32x128xf32, #tpu.memory_space<vmem>>
      %dma_start3A_990 = tpu.memref_squeeze %dma_start3A_989 : memref<1x32x128xf32, #tpu.memory_space<vmem>> -> memref<32x128xf32, #tpu.memory_space<vmem>>
      %dma_start3A_991 = arith.constant 0 : i32
      %dma_start3A_992 = tpu.memref_slice %arg5[%dma_start3A_991, %mul3A_985] : memref<32x1000000xf32, #tpu.memory_space<hbm>> -> memref<32x128xf32, #tpu.memory_space<hbm>>
      %dma_start3A_993 = arith.constant 0 : i32
      %dma_start3A_994 = arith.constant 0 : i32
      %dma_start3A_995 = tpu.memref_slice %arg14[%dma_start3A_986, %dma_start3A_993, %dma_start3A_994] : memref<4x32x128xf32, #tpu.memory_space<vmem>> -> memref<1x32x128xf32, #tpu.memory_space<vmem>>
      %dma_start3A_996 = tpu.memref_squeeze %dma_start3A_995 : memref<1x32x128xf32, #tpu.memory_space<vmem>> -> memref<32x128xf32, #tpu.memory_space<vmem>>
      %dma_start3A_997 = arith.constant 0 : i32
      %dma_start3A_998 = tpu.memref_slice %arg5[%dma_start3A_997, %mul3A_985] : memref<32x1000000xf32, #tpu.memory_space<hbm>> -> memref<32x128xf32, #tpu.memory_space<hbm>>
      tpu.enqueue_dma source(%dma_start3A_998 : memref<32x128xf32, #tpu.memory_space<hbm>>) target(%dma_start3A_996 : memref<32x128xf32, #tpu.memory_space<vmem>>) target_semaphore(%arg19 : memref<!tpu.dma_semaphore, #tpu.memory_space<semaphore_mem>>)
      %slice3A_999 = vector.extract_strided_slice %get3A_880 {offsets = [3], sizes = [1], strides = [1]} : vector<16xi32> to vector<1xi32>
      %squeeze3A_1000 = vector.extract %slice3A_999[0] : i32 from vector<1xi32>
      %slice3A_1001 = vector.extract_strided_slice %get3A_884 {offsets = [3], sizes = [1], strides = [1]} : vector<16xi32> to vector<1xi32>
      %squeeze3A_1002 = vector.extract %slice3A_1001[0] : i32 from vector<1xi32>
      %shift_right_arithmetic3A_1003 = arith.constant 7 : i32
      %shift_right_arithmetic3A_1004 = arith.shrsi %squeeze3A_1000, %shift_right_arithmetic3A_1003 : i32
      %mul3A_1005 = arith.constant 128 : i32
      %mul3A_1006 = arith.muli %shift_right_arithmetic3A_1004, %mul3A_1005 : i32
      %dma_start3A_1007 = arith.constant 3 : i32
      %dma_start3A_1008 = arith.constant 0 : i32
      %dma_start3A_1009 = arith.constant 0 : i32
      %dma_start3A_1010 = tpu.memref_slice %arg11[%dma_start3A_1007, %dma_start3A_1008, %dma_start3A_1009] : memref<4x32x128xf32, #tpu.memory_space<vmem>> -> memref<1x32x128xf32, #tpu.memory_space<vmem>>
      %dma_start3A_1011 = tpu.memref_squeeze %dma_start3A_1010 : memref<1x32x128xf32, #tpu.memory_space<vmem>> -> memref<32x128xf32, #tpu.memory_space<vmem>>
      %dma_start3A_1012 = arith.constant 0 : i32
      %dma_start3A_1013 = tpu.memref_slice %arg4[%dma_start3A_1012, %mul3A_1006] : memref<32x1000000xf32, #tpu.memory_space<hbm>> -> memref<32x128xf32, #tpu.memory_space<hbm>>
      %dma_start3A_1014 = arith.constant 0 : i32
      %dma_start3A_1015 = arith.constant 0 : i32
      %dma_start3A_1016 = tpu.memref_slice %arg11[%dma_start3A_1007, %dma_start3A_1014, %dma_start3A_1015] : memref<4x32x128xf32, #tpu.memory_space<vmem>> -> memref<1x32x128xf32, #tpu.memory_space<vmem>>
      %dma_start3A_1017 = tpu.memref_squeeze %dma_start3A_1016 : memref<1x32x128xf32, #tpu.memory_space<vmem>> -> memref<32x128xf32, #tpu.memory_space<vmem>>
      %dma_start3A_1018 = arith.constant 0 : i32
      %dma_start3A_1019 = tpu.memref_slice %arg4[%dma_start3A_1018, %mul3A_1006] : memref<32x1000000xf32, #tpu.memory_space<hbm>> -> memref<32x128xf32, #tpu.memory_space<hbm>>
      tpu.enqueue_dma source(%dma_start3A_1019 : memref<32x128xf32, #tpu.memory_space<hbm>>) target(%dma_start3A_1017 : memref<32x128xf32, #tpu.memory_space<vmem>>) target_semaphore(%arg19 : memref<!tpu.dma_semaphore, #tpu.memory_space<semaphore_mem>>)
      %shift_right_arithmetic3A_1020 = arith.constant 7 : i32
      %shift_right_arithmetic3A_1021 = arith.shrsi %squeeze3A_1002, %shift_right_arithmetic3A_1020 : i32
      %mul3A_1022 = arith.constant 128 : i32
      %mul3A_1023 = arith.muli %shift_right_arithmetic3A_1021, %mul3A_1022 : i32
      %dma_start3A_1024 = arith.constant 3 : i32
      %dma_start3A_1025 = arith.constant 0 : i32
      %dma_start3A_1026 = arith.constant 0 : i32
      %dma_start3A_1027 = tpu.memref_slice %arg14[%dma_start3A_1024, %dma_start3A_1025, %dma_start3A_1026] : memref<4x32x128xf32, #tpu.memory_space<vmem>> -> memref<1x32x128xf32, #tpu.memory_space<vmem>>
      %dma_start3A_1028 = tpu.memref_squeeze %dma_start3A_1027 : memref<1x32x128xf32, #tpu.memory_space<vmem>> -> memref<32x128xf32, #tpu.memory_space<vmem>>
      %dma_start3A_1029 = arith.constant 0 : i32
      %dma_start3A_1030 = tpu.memref_slice %arg5[%dma_start3A_1029, %mul3A_1023] : memref<32x1000000xf32, #tpu.memory_space<hbm>> -> memref<32x128xf32, #tpu.memory_space<hbm>>
      %dma_start3A_1031 = arith.constant 0 : i32
      %dma_start3A_1032 = arith.constant 0 : i32
      %dma_start3A_1033 = tpu.memref_slice %arg14[%dma_start3A_1024, %dma_start3A_1031, %dma_start3A_1032] : memref<4x32x128xf32, #tpu.memory_space<vmem>> -> memref<1x32x128xf32, #tpu.memory_space<vmem>>
      %dma_start3A_1034 = tpu.memref_squeeze %dma_start3A_1033 : memref<1x32x128xf32, #tpu.memory_space<vmem>> -> memref<32x128xf32, #tpu.memory_space<vmem>>
      %dma_start3A_1035 = arith.constant 0 : i32
      %dma_start3A_1036 = tpu.memref_slice %arg5[%dma_start3A_1035, %mul3A_1023] : memref<32x1000000xf32, #tpu.memory_space<hbm>> -> memref<32x128xf32, #tpu.memory_space<hbm>>
      tpu.enqueue_dma source(%dma_start3A_1036 : memref<32x128xf32, #tpu.memory_space<hbm>>) target(%dma_start3A_1034 : memref<32x128xf32, #tpu.memory_space<vmem>>) target_semaphore(%arg19 : memref<!tpu.dma_semaphore, #tpu.memory_space<semaphore_mem>>)
      %dma_wait3A_1037 = arith.constant 0 : i32
      %dma_wait3A_1038 = arith.constant 0 : i32
      %dma_wait3A_1039 = arith.constant 0 : i32
      %dma_wait3A_1040 = tpu.memref_slice %arg9[%dma_wait3A_1037, %dma_wait3A_1038, %dma_wait3A_1039] : memref<4x32x128xf32, #tpu.memory_space<vmem>> -> memref<1x32x128xf32, #tpu.memory_space<vmem>>
      %dma_wait3A_1041 = tpu.memref_squeeze %dma_wait3A_1040 : memref<1x32x128xf32, #tpu.memory_space<vmem>> -> memref<32x128xf32, #tpu.memory_space<vmem>>
      %dma_wait3A_1042 = arith.constant 0 : i32
      %dma_wait3A_1043 = arith.constant 0 : i32
      %dma_wait3A_1044 = tpu.memref_slice %arg4[%dma_wait3A_1042, %dma_wait3A_1043] : memref<32x1000000xf32, #tpu.memory_space<hbm>> -> memref<32x128xf32, #tpu.memory_space<hbm>>
      %dma_wait3A_1045 = arith.constant 0 : i32
      %dma_wait3A_1046 = arith.constant 0 : i32
      %dma_wait3A_1047 = tpu.memref_slice %arg9[%dma_wait3A_1037, %dma_wait3A_1045, %dma_wait3A_1046] : memref<4x32x128xf32, #tpu.memory_space<vmem>> -> memref<1x32x128xf32, #tpu.memory_space<vmem>>
      %dma_wait3A_1048 = tpu.memref_squeeze %dma_wait3A_1047 : memref<1x32x128xf32, #tpu.memory_space<vmem>> -> memref<32x128xf32, #tpu.memory_space<vmem>>
      %dma_wait3A_1049 = arith.constant 0 : i32
      %dma_wait3A_1050 = arith.constant 0 : i32
      %dma_wait3A_1051 = tpu.memref_slice %arg4[%dma_wait3A_1049, %dma_wait3A_1050] : memref<32x1000000xf32, #tpu.memory_space<hbm>> -> memref<32x128xf32, #tpu.memory_space<hbm>>
      tpu.wait_dma2 semaphore(%arg17 : memref<!tpu.dma_semaphore, #tpu.memory_space<semaphore_mem>>) src(%dma_wait3A_1051 : memref<32x128xf32, #tpu.memory_space<hbm>>) dst(%dma_wait3A_1048 : memref<32x128xf32, #tpu.memory_space<vmem>>)
      %dma_wait3A_1052 = arith.constant 0 : i32
      %dma_wait3A_1053 = arith.constant 0 : i32
      %dma_wait3A_1054 = arith.constant 0 : i32
      %dma_wait3A_1055 = tpu.memref_slice %arg9[%dma_wait3A_1052, %dma_wait3A_1053, %dma_wait3A_1054] : memref<4x32x128xf32, #tpu.memory_space<vmem>> -> memref<1x32x128xf32, #tpu.memory_space<vmem>>
      %dma_wait3A_1056 = tpu.memref_squeeze %dma_wait3A_1055 : memref<1x32x128xf32, #tpu.memory_space<vmem>> -> memref<32x128xf32, #tpu.memory_space<vmem>>
      %dma_wait3A_1057 = arith.constant 0 : i32
      %dma_wait3A_1058 = arith.constant 0 : i32
      %dma_wait3A_1059 = tpu.memref_slice %arg4[%dma_wait3A_1057, %dma_wait3A_1058] : memref<32x1000000xf32, #tpu.memory_space<hbm>> -> memref<32x128xf32, #tpu.memory_space<hbm>>
      %dma_wait3A_1060 = arith.constant 0 : i32
      %dma_wait3A_1061 = arith.constant 0 : i32
      %dma_wait3A_1062 = tpu.memref_slice %arg9[%dma_wait3A_1052, %dma_wait3A_1060, %dma_wait3A_1061] : memref<4x32x128xf32, #tpu.memory_space<vmem>> -> memref<1x32x128xf32, #tpu.memory_space<vmem>>
      %dma_wait3A_1063 = tpu.memref_squeeze %dma_wait3A_1062 : memref<1x32x128xf32, #tpu.memory_space<vmem>> -> memref<32x128xf32, #tpu.memory_space<vmem>>
      %dma_wait3A_1064 = arith.constant 0 : i32
      %dma_wait3A_1065 = arith.constant 0 : i32
      %dma_wait3A_1066 = tpu.memref_slice %arg4[%dma_wait3A_1064, %dma_wait3A_1065] : memref<32x1000000xf32, #tpu.memory_space<hbm>> -> memref<32x128xf32, #tpu.memory_space<hbm>>
      tpu.wait_dma2 semaphore(%arg17 : memref<!tpu.dma_semaphore, #tpu.memory_space<semaphore_mem>>) src(%dma_wait3A_1066 : memref<32x128xf32, #tpu.memory_space<hbm>>) dst(%dma_wait3A_1063 : memref<32x128xf32, #tpu.memory_space<vmem>>)
      %dma_wait3A_1067 = arith.constant 0 : i32
      %dma_wait3A_1068 = arith.constant 0 : i32
      %dma_wait3A_1069 = arith.constant 0 : i32
      %dma_wait3A_1070 = tpu.memref_slice %arg9[%dma_wait3A_1067, %dma_wait3A_1068, %dma_wait3A_1069] : memref<4x32x128xf32, #tpu.memory_space<vmem>> -> memref<1x32x128xf32, #tpu.memory_space<vmem>>
      %dma_wait3A_1071 = tpu.memref_squeeze %dma_wait3A_1070 : memref<1x32x128xf32, #tpu.memory_space<vmem>> -> memref<32x128xf32, #tpu.memory_space<vmem>>
      %dma_wait3A_1072 = arith.constant 0 : i32
      %dma_wait3A_1073 = arith.constant 0 : i32
      %dma_wait3A_1074 = tpu.memref_slice %arg4[%dma_wait3A_1072, %dma_wait3A_1073] : memref<32x1000000xf32, #tpu.memory_space<hbm>> -> memref<32x128xf32, #tpu.memory_space<hbm>>
      %dma_wait3A_1075 = arith.constant 0 : i32
      %dma_wait3A_1076 = arith.constant 0 : i32
      %dma_wait3A_1077 = tpu.memref_slice %arg9[%dma_wait3A_1067, %dma_wait3A_1075, %dma_wait3A_1076] : memref<4x32x128xf32, #tpu.memory_space<vmem>> -> memref<1x32x128xf32, #tpu.memory_space<vmem>>
      %dma_wait3A_1078 = tpu.memref_squeeze %dma_wait3A_1077 : memref<1x32x128xf32, #tpu.memory_space<vmem>> -> memref<32x128xf32, #tpu.memory_space<vmem>>
      %dma_wait3A_1079 = arith.constant 0 : i32
      %dma_wait3A_1080 = arith.constant 0 : i32
      %dma_wait3A_1081 = tpu.memref_slice %arg4[%dma_wait3A_1079, %dma_wait3A_1080] : memref<32x1000000xf32, #tpu.memory_space<hbm>> -> memref<32x128xf32, #tpu.memory_space<hbm>>
      tpu.wait_dma2 semaphore(%arg17 : memref<!tpu.dma_semaphore, #tpu.memory_space<semaphore_mem>>) src(%dma_wait3A_1081 : memref<32x128xf32, #tpu.memory_space<hbm>>) dst(%dma_wait3A_1078 : memref<32x128xf32, #tpu.memory_space<vmem>>)
      %dma_wait3A_1082 = arith.constant 0 : i32
      %dma_wait3A_1083 = arith.constant 0 : i32
      %dma_wait3A_1084 = arith.constant 0 : i32
      %dma_wait3A_1085 = tpu.memref_slice %arg9[%dma_wait3A_1082, %dma_wait3A_1083, %dma_wait3A_1084] : memref<4x32x128xf32, #tpu.memory_space<vmem>> -> memref<1x32x128xf32, #tpu.memory_space<vmem>>
      %dma_wait3A_1086 = tpu.memref_squeeze %dma_wait3A_1085 : memref<1x32x128xf32, #tpu.memory_space<vmem>> -> memref<32x128xf32, #tpu.memory_space<vmem>>
      %dma_wait3A_1087 = arith.constant 0 : i32
      %dma_wait3A_1088 = arith.constant 0 : i32
      %dma_wait3A_1089 = tpu.memref_slice %arg4[%dma_wait3A_1087, %dma_wait3A_1088] : memref<32x1000000xf32, #tpu.memory_space<hbm>> -> memref<32x128xf32, #tpu.memory_space<hbm>>
      %dma_wait3A_1090 = arith.constant 0 : i32
      %dma_wait3A_1091 = arith.constant 0 : i32
      %dma_wait3A_1092 = tpu.memref_slice %arg9[%dma_wait3A_1082, %dma_wait3A_1090, %dma_wait3A_1091] : memref<4x32x128xf32, #tpu.memory_space<vmem>> -> memref<1x32x128xf32, #tpu.memory_space<vmem>>
      %dma_wait3A_1093 = tpu.memref_squeeze %dma_wait3A_1092 : memref<1x32x128xf32, #tpu.memory_space<vmem>> -> memref<32x128xf32, #tpu.memory_space<vmem>>
      %dma_wait3A_1094 = arith.constant 0 : i32
      %dma_wait3A_1095 = arith.constant 0 : i32
      %dma_wait3A_1096 = tpu.memref_slice %arg4[%dma_wait3A_1094, %dma_wait3A_1095] : memref<32x1000000xf32, #tpu.memory_space<hbm>> -> memref<32x128xf32, #tpu.memory_space<hbm>>
      tpu.wait_dma2 semaphore(%arg17 : memref<!tpu.dma_semaphore, #tpu.memory_space<semaphore_mem>>) src(%dma_wait3A_1096 : memref<32x128xf32, #tpu.memory_space<hbm>>) dst(%dma_wait3A_1093 : memref<32x128xf32, #tpu.memory_space<vmem>>)
      %dma_wait3A_1097 = arith.constant 0 : i32
      %dma_wait3A_1098 = arith.constant 0 : i32
      %dma_wait3A_1099 = arith.constant 0 : i32
      %dma_wait3A_1100 = tpu.memref_slice %arg9[%dma_wait3A_1097, %dma_wait3A_1098, %dma_wait3A_1099] : memref<4x32x128xf32, #tpu.memory_space<vmem>> -> memref<1x32x128xf32, #tpu.memory_space<vmem>>
      %dma_wait3A_1101 = tpu.memref_squeeze %dma_wait3A_1100 : memref<1x32x128xf32, #tpu.memory_space<vmem>> -> memref<32x128xf32, #tpu.memory_space<vmem>>
      %dma_wait3A_1102 = arith.constant 0 : i32
      %dma_wait3A_1103 = arith.constant 0 : i32
      %dma_wait3A_1104 = tpu.memref_slice %arg4[%dma_wait3A_1102, %dma_wait3A_1103] : memref<32x1000000xf32, #tpu.memory_space<hbm>> -> memref<32x128xf32, #tpu.memory_space<hbm>>
      %dma_wait3A_1105 = arith.constant 0 : i32
      %dma_wait3A_1106 = arith.constant 0 : i32
      %dma_wait3A_1107 = tpu.memref_slice %arg9[%dma_wait3A_1097, %dma_wait3A_1105, %dma_wait3A_1106] : memref<4x32x128xf32, #tpu.memory_space<vmem>> -> memref<1x32x128xf32, #tpu.memory_space<vmem>>
      %dma_wait3A_1108 = tpu.memref_squeeze %dma_wait3A_1107 : memref<1x32x128xf32, #tpu.memory_space<vmem>> -> memref<32x128xf32, #tpu.memory_space<vmem>>
      %dma_wait3A_1109 = arith.constant 0 : i32
      %dma_wait3A_1110 = arith.constant 0 : i32
      %dma_wait3A_1111 = tpu.memref_slice %arg4[%dma_wait3A_1109, %dma_wait3A_1110] : memref<32x1000000xf32, #tpu.memory_space<hbm>> -> memref<32x128xf32, #tpu.memory_space<hbm>>
      tpu.wait_dma2 semaphore(%arg17 : memref<!tpu.dma_semaphore, #tpu.memory_space<semaphore_mem>>) src(%dma_wait3A_1111 : memref<32x128xf32, #tpu.memory_space<hbm>>) dst(%dma_wait3A_1108 : memref<32x128xf32, #tpu.memory_space<vmem>>)
      %dma_wait3A_1112 = arith.constant 0 : i32
      %dma_wait3A_1113 = arith.constant 0 : i32
      %dma_wait3A_1114 = arith.constant 0 : i32
      %dma_wait3A_1115 = tpu.memref_slice %arg9[%dma_wait3A_1112, %dma_wait3A_1113, %dma_wait3A_1114] : memref<4x32x128xf32, #tpu.memory_space<vmem>> -> memref<1x32x128xf32, #tpu.memory_space<vmem>>
      %dma_wait3A_1116 = tpu.memref_squeeze %dma_wait3A_1115 : memref<1x32x128xf32, #tpu.memory_space<vmem>> -> memref<32x128xf32, #tpu.memory_space<vmem>>
      %dma_wait3A_1117 = arith.constant 0 : i32
      %dma_wait3A_1118 = arith.constant 0 : i32
      %dma_wait3A_1119 = tpu.memref_slice %arg4[%dma_wait3A_1117, %dma_wait3A_1118] : memref<32x1000000xf32, #tpu.memory_space<hbm>> -> memref<32x128xf32, #tpu.memory_space<hbm>>
      %dma_wait3A_1120 = arith.constant 0 : i32
      %dma_wait3A_1121 = arith.constant 0 : i32
      %dma_wait3A_1122 = tpu.memref_slice %arg9[%dma_wait3A_1112, %dma_wait3A_1120, %dma_wait3A_1121] : memref<4x32x128xf32, #tpu.memory_space<vmem>> -> memref<1x32x128xf32, #tpu.memory_space<vmem>>
      %dma_wait3A_1123 = tpu.memref_squeeze %dma_wait3A_1122 : memref<1x32x128xf32, #tpu.memory_space<vmem>> -> memref<32x128xf32, #tpu.memory_space<vmem>>
      %dma_wait3A_1124 = arith.constant 0 : i32
      %dma_wait3A_1125 = arith.constant 0 : i32
      %dma_wait3A_1126 = tpu.memref_slice %arg4[%dma_wait3A_1124, %dma_wait3A_1125] : memref<32x1000000xf32, #tpu.memory_space<hbm>> -> memref<32x128xf32, #tpu.memory_space<hbm>>
      tpu.wait_dma2 semaphore(%arg17 : memref<!tpu.dma_semaphore, #tpu.memory_space<semaphore_mem>>) src(%dma_wait3A_1126 : memref<32x128xf32, #tpu.memory_space<hbm>>) dst(%dma_wait3A_1123 : memref<32x128xf32, #tpu.memory_space<vmem>>)
      %dma_wait3A_1127 = arith.constant 0 : i32
      %dma_wait3A_1128 = arith.constant 0 : i32
      %dma_wait3A_1129 = arith.constant 0 : i32
      %dma_wait3A_1130 = tpu.memref_slice %arg9[%dma_wait3A_1127, %dma_wait3A_1128, %dma_wait3A_1129] : memref<4x32x128xf32, #tpu.memory_space<vmem>> -> memref<1x32x128xf32, #tpu.memory_space<vmem>>
      %dma_wait3A_1131 = tpu.memref_squeeze %dma_wait3A_1130 : memref<1x32x128xf32, #tpu.memory_space<vmem>> -> memref<32x128xf32, #tpu.memory_space<vmem>>
      %dma_wait3A_1132 = arith.constant 0 : i32
      %dma_wait3A_1133 = arith.constant 0 : i32
      %dma_wait3A_1134 = tpu.memref_slice %arg4[%dma_wait3A_1132, %dma_wait3A_1133] : memref<32x1000000xf32, #tpu.memory_space<hbm>> -> memref<32x128xf32, #tpu.memory_space<hbm>>
      %dma_wait3A_1135 = arith.constant 0 : i32
      %dma_wait3A_1136 = arith.constant 0 : i32
      %dma_wait3A_1137 = tpu.memref_slice %arg9[%dma_wait3A_1127, %dma_wait3A_1135, %dma_wait3A_1136] : memref<4x32x128xf32, #tpu.memory_space<vmem>> -> memref<1x32x128xf32, #tpu.memory_space<vmem>>
      %dma_wait3A_1138 = tpu.memref_squeeze %dma_wait3A_1137 : memref<1x32x128xf32, #tpu.memory_space<vmem>> -> memref<32x128xf32, #tpu.memory_space<vmem>>
      %dma_wait3A_1139 = arith.constant 0 : i32
      %dma_wait3A_1140 = arith.constant 0 : i32
      %dma_wait3A_1141 = tpu.memref_slice %arg4[%dma_wait3A_1139, %dma_wait3A_1140] : memref<32x1000000xf32, #tpu.memory_space<hbm>> -> memref<32x128xf32, #tpu.memory_space<hbm>>
      tpu.wait_dma2 semaphore(%arg17 : memref<!tpu.dma_semaphore, #tpu.memory_space<semaphore_mem>>) src(%dma_wait3A_1141 : memref<32x128xf32, #tpu.memory_space<hbm>>) dst(%dma_wait3A_1138 : memref<32x128xf32, #tpu.memory_space<vmem>>)
      %dma_wait3A_1142 = arith.constant 0 : i32
      %dma_wait3A_1143 = arith.constant 0 : i32
      %dma_wait3A_1144 = arith.constant 0 : i32
      %dma_wait3A_1145 = tpu.memref_slice %arg9[%dma_wait3A_1142, %dma_wait3A_1143, %dma_wait3A_1144] : memref<4x32x128xf32, #tpu.memory_space<vmem>> -> memref<1x32x128xf32, #tpu.memory_space<vmem>>
      %dma_wait3A_1146 = tpu.memref_squeeze %dma_wait3A_1145 : memref<1x32x128xf32, #tpu.memory_space<vmem>> -> memref<32x128xf32, #tpu.memory_space<vmem>>
      %dma_wait3A_1147 = arith.constant 0 : i32
      %dma_wait3A_1148 = arith.constant 0 : i32
      %dma_wait3A_1149 = tpu.memref_slice %arg4[%dma_wait3A_1147, %dma_wait3A_1148] : memref<32x1000000xf32, #tpu.memory_space<hbm>> -> memref<32x128xf32, #tpu.memory_space<hbm>>
      %dma_wait3A_1150 = arith.constant 0 : i32
      %dma_wait3A_1151 = arith.constant 0 : i32
      %dma_wait3A_1152 = tpu.memref_slice %arg9[%dma_wait3A_1142, %dma_wait3A_1150, %dma_wait3A_1151] : memref<4x32x128xf32, #tpu.memory_space<vmem>> -> memref<1x32x128xf32, #tpu.memory_space<vmem>>
      %dma_wait3A_1153 = tpu.memref_squeeze %dma_wait3A_1152 : memref<1x32x128xf32, #tpu.memory_space<vmem>> -> memref<32x128xf32, #tpu.memory_space<vmem>>
      %dma_wait3A_1154 = arith.constant 0 : i32
      %dma_wait3A_1155 = arith.constant 0 : i32
      %dma_wait3A_1156 = tpu.memref_slice %arg4[%dma_wait3A_1154, %dma_wait3A_1155] : memref<32x1000000xf32, #tpu.memory_space<hbm>> -> memref<32x128xf32, #tpu.memory_space<hbm>>
      tpu.wait_dma2 semaphore(%arg17 : memref<!tpu.dma_semaphore, #tpu.memory_space<semaphore_mem>>) src(%dma_wait3A_1156 : memref<32x128xf32, #tpu.memory_space<hbm>>) dst(%dma_wait3A_1153 : memref<32x128xf32, #tpu.memory_space<vmem>>)
      %mul3A_1157 = arith.constant 4 : i32
      %mul3A_1158 = arith.muli %add3A_874, %mul3A_1157 : i32
      %get3A_1159 = arith.index_cast %mul3A_1158 : i32 to index
      %get3A_1160 = tpu.vector_load %arg7[%get3A_1159] {strides = array<i32>} : memref<528xi32, #tpu.memory_space<vmem>>, vector<16xi32>,
      %mul3A_1161 = arith.constant 4 : i32
      %mul3A_1162 = arith.muli %add3A_874, %mul3A_1161 : i32
      %get3A_1163 = arith.index_cast %mul3A_1162 : i32 to index
      %get3A_1164 = tpu.vector_load %arg8[%get3A_1163] {strides = array<i32>} : memref<528xi32, #tpu.memory_space<vmem>>, vector<16xi32>,
      %broadcast_in_dim3A_1165 = arith.constant 0 : i32
      %broadcast_in_dim3A_1166 = vector.broadcast %broadcast_in_dim3A_1165 : i32 to vector<16xi32>
      %eq3A_1167 = arith.constant 0 : i32
      %eq3A_1168 = vector.broadcast %eq3A_1167 : i32 to vector<16xi32>
      %eq3A_1169 = arith.cmpi eq, %select_n3A, %eq3A_1168 : vector<16xi32>
      %slice3A_1170 = vector.extract_strided_slice %get3A_1160 {offsets = [0], sizes = [1], strides = [1]} : vector<16xi32> to vector<1xi32>
      %squeeze3A_1171 = vector.extract %slice3A_1170[0] : i32 from vector<1xi32>
      %and3A_1172 = arith.constant 127 : i32
      %and3A_1173 = arith.andi %squeeze3A_1171, %and3A_1172 : i32
      %broadcast_in_dim3A_1174 = vector.broadcast %and3A_1173 : i32 to vector<16xi32>
      %select_n3A_1175 = arith.select %eq3A_1169, %broadcast_in_dim3A_1174, %broadcast_in_dim3A_1166 : vector<16xi1>, vector<16xi32>
      %eq3A_1176 = arith.constant 1 : i32
      %eq3A_1177 = vector.broadcast %eq3A_1176 : i32 to vector<16xi32>
      %eq3A_1178 = arith.cmpi eq, %select_n3A, %eq3A_1177 : vector<16xi32>
      %slice3A_1179 = vector.extract_strided_slice %get3A_1160 {offsets = [1], sizes = [1], strides = [1]} : vector<16xi32> to vector<1xi32>
      %squeeze3A_1180 = vector.extract %slice3A_1179[0] : i32 from vector<1xi32>
      %and3A_1181 = arith.constant 127 : i32
      %and3A_1182 = arith.andi %squeeze3A_1180, %and3A_1181 : i32
      %broadcast_in_dim3A_1183 = vector.broadcast %and3A_1182 : i32 to vector<16xi32>
      %select_n3A_1184 = arith.select %eq3A_1178, %broadcast_in_dim3A_1183, %select_n3A_1175 : vector<16xi1>, vector<16xi32>
      %eq3A_1185 = arith.constant 2 : i32
      %eq3A_1186 = vector.broadcast %eq3A_1185 : i32 to vector<16xi32>
      %eq3A_1187 = arith.cmpi eq, %select_n3A, %eq3A_1186 : vector<16xi32>
      %slice3A_1188 = vector.extract_strided_slice %get3A_1160 {offsets = [2], sizes = [1], strides = [1]} : vector<16xi32> to vector<1xi32>
      %squeeze3A_1189 = vector.extract %slice3A_1188[0] : i32 from vector<1xi32>
      %and3A_1190 = arith.constant 127 : i32
      %and3A_1191 = arith.andi %squeeze3A_1189, %and3A_1190 : i32
      %broadcast_in_dim3A_1192 = vector.broadcast %and3A_1191 : i32 to vector<16xi32>
      %select_n3A_1193 = arith.select %eq3A_1187, %broadcast_in_dim3A_1192, %select_n3A_1184 : vector<16xi1>, vector<16xi32>
      %eq3A_1194 = arith.constant 3 : i32
      %eq3A_1195 = vector.broadcast %eq3A_1194 : i32 to vector<16xi32>
      %eq3A_1196 = arith.cmpi eq, %select_n3A, %eq3A_1195 : vector<16xi32>
      %slice3A_1197 = vector.extract_strided_slice %get3A_1160 {offsets = [3], sizes = [1], strides = [1]} : vector<16xi32> to vector<1xi32>
      %squeeze3A_1198 = vector.extract %slice3A_1197[0] : i32 from vector<1xi32>
      %and3A_1199 = arith.constant 127 : i32
      %and3A_1200 = arith.andi %squeeze3A_1198, %and3A_1199 : i32
      %broadcast_in_dim3A_1201 = vector.broadcast %and3A_1200 : i32 to vector<16xi32>
      %select_n3A_1202 = arith.select %eq3A_1196, %broadcast_in_dim3A_1201, %select_n3A_1193 : vector<16xi1>, vector<16xi32>
      %broadcast_in_dim3A_1203 = arith.constant 0 : i32
      %broadcast_in_dim3A_1204 = vector.broadcast %broadcast_in_dim3A_1203 : i32 to vector<16xi32>
      %eq3A_1205 = arith.constant 0 : i32
      %eq3A_1206 = vector.broadcast %eq3A_1205 : i32 to vector<16xi32>
      %eq3A_1207 = arith.cmpi eq, %select_n3A, %eq3A_1206 : vector<16xi32>
      %slice3A_1208 = vector.extract_strided_slice %get3A_1164 {offsets = [0], sizes = [1], strides = [1]} : vector<16xi32> to vector<1xi32>
      %squeeze3A_1209 = vector.extract %slice3A_1208[0] : i32 from vector<1xi32>
      %and3A_1210 = arith.constant 127 : i32
      %and3A_1211 = arith.andi %squeeze3A_1209, %and3A_1210 : i32
      %broadcast_in_dim3A_1212 = vector.broadcast %and3A_1211 : i32 to vector<16xi32>
      %select_n3A_1213 = arith.select %eq3A_1207, %broadcast_in_dim3A_1212, %broadcast_in_dim3A_1204 : vector<16xi1>, vector<16xi32>
      %eq3A_1214 = arith.constant 1 : i32
      %eq3A_1215 = vector.broadcast %eq3A_1214 : i32 to vector<16xi32>
      %eq3A_1216 = arith.cmpi eq, %select_n3A, %eq3A_1215 : vector<16xi32>
      %slice3A_1217 = vector.extract_strided_slice %get3A_1164 {offsets = [1], sizes = [1], strides = [1]} : vector<16xi32> to vector<1xi32>
      %squeeze3A_1218 = vector.extract %slice3A_1217[0] : i32 from vector<1xi32>
      %and3A_1219 = arith.constant 127 : i32
      %and3A_1220 = arith.andi %squeeze3A_1218, %and3A_1219 : i32
      %broadcast_in_dim3A_1221 = vector.broadcast %and3A_1220 : i32 to vector<16xi32>
      %select_n3A_1222 = arith.select %eq3A_1216, %broadcast_in_dim3A_1221, %select_n3A_1213 : vector<16xi1>, vector<16xi32>
      %eq3A_1223 = arith.constant 2 : i32
      %eq3A_1224 = vector.broadcast %eq3A_1223 : i32 to vector<16xi32>
      %eq3A_1225 = arith.cmpi eq, %select_n3A, %eq3A_1224 : vector<16xi32>
      %slice3A_1226 = vector.extract_strided_slice %get3A_1164 {offsets = [2], sizes = [1], strides = [1]} : vector<16xi32> to vector<1xi32>
      %squeeze3A_1227 = vector.extract %slice3A_1226[0] : i32 from vector<1xi32>
      %and3A_1228 = arith.constant 127 : i32
      %and3A_1229 = arith.andi %squeeze3A_1227, %and3A_1228 : i32
      %broadcast_in_dim3A_1230 = vector.broadcast %and3A_1229 : i32 to vector<16xi32>
      %select_n3A_1231 = arith.select %eq3A_1225, %broadcast_in_dim3A_1230, %select_n3A_1222 : vector<16xi1>, vector<16xi32>
      %eq3A_1232 = arith.constant 3 : i32
      %eq3A_1233 = vector.broadcast %eq3A_1232 : i32 to vector<16xi32>
      %eq3A_1234 = arith.cmpi eq, %select_n3A, %eq3A_1233 : vector<16xi32>
      %slice3A_1235 = vector.extract_strided_slice %get3A_1164 {offsets = [3], sizes = [1], strides = [1]} : vector<16xi32> to vector<1xi32>
      %squeeze3A_1236 = vector.extract %slice3A_1235[0] : i32 from vector<1xi32>
      %and3A_1237 = arith.constant 127 : i32
      %and3A_1238 = arith.andi %squeeze3A_1236, %and3A_1237 : i32
      %broadcast_in_dim3A_1239 = vector.broadcast %and3A_1238 : i32 to vector<16xi32>
      %select_n3A_1240 = arith.select %eq3A_1234, %broadcast_in_dim3A_1239, %select_n3A_1231 : vector<16xi1>, vector<16xi32>
      %broadcast_in_dim3A_1241 = arith.constant 0.000000e+00 : f32
      %broadcast_in_dim3A_1242 = vector.broadcast %broadcast_in_dim3A_1241 : f32 to vector<16xf32>
      %add3A_1243 = arith.constant 0 : i32
      %add3A_1244 = vector.broadcast %add3A_1243 : i32 to vector<16xi32>
      %add3A_1245 = arith.addi %sub3A_29, %add3A_1244 : vector<16xi32>
      %gather3A_1246 = tpu.vector_load_idx %arg9[%select_n3A, %add3A_1245, %select_n3A_1202] : memref<4x32x128xf32, #tpu.memory_space<vmem>>[vector<16xi32>, vector<16xi32>, vector<16xi32>], vector<16xf32>,
      %gather3A_1247 = tpu.vector_load_idx %arg12[%select_n3A, %add3A_1245, %select_n3A_1240] : memref<4x32x128xf32, #tpu.memory_space<vmem>>[vector<16xi32>, vector<16xi32>, vector<16xi32>], vector<16xf32>,
      %mul3A_1248 = arith.mulf %gather3A_1246, %gather3A_1247 : vector<16xf32>
      %add3A_1249 = arith.addf %broadcast_in_dim3A_1242, %mul3A_1248 : vector<16xf32>
      %add3A_1250 = arith.constant 4 : i32
      %add3A_1251 = vector.broadcast %add3A_1250 : i32 to vector<16xi32>
      %add3A_1252 = arith.addi %sub3A_29, %add3A_1251 : vector<16xi32>
      %gather3A_1253 = tpu.vector_load_idx %arg9[%select_n3A, %add3A_1252, %select_n3A_1202] : memref<4x32x128xf32, #tpu.memory_space<vmem>>[vector<16xi32>, vector<16xi32>, vector<16xi32>], vector<16xf32>,
      %gather3A_1254 = tpu.vector_load_idx %arg12[%select_n3A, %add3A_1252, %select_n3A_1240] : memref<4x32x128xf32, #tpu.memory_space<vmem>>[vector<16xi32>, vector<16xi32>, vector<16xi32>], vector<16xf32>,
      %mul3A_1255 = arith.mulf %gather3A_1253, %gather3A_1254 : vector<16xf32>
      %add3A_1256 = arith.addf %add3A_1249, %mul3A_1255 : vector<16xf32>
      %add3A_1257 = arith.constant 8 : i32
      %add3A_1258 = vector.broadcast %add3A_1257 : i32 to vector<16xi32>
      %add3A_1259 = arith.addi %sub3A_29, %add3A_1258 : vector<16xi32>
      %gather3A_1260 = tpu.vector_load_idx %arg9[%select_n3A, %add3A_1259, %select_n3A_1202] : memref<4x32x128xf32, #tpu.memory_space<vmem>>[vector<16xi32>, vector<16xi32>, vector<16xi32>], vector<16xf32>,
      %gather3A_1261 = tpu.vector_load_idx %arg12[%select_n3A, %add3A_1259, %select_n3A_1240] : memref<4x32x128xf32, #tpu.memory_space<vmem>>[vector<16xi32>, vector<16xi32>, vector<16xi32>], vector<16xf32>,
      %mul3A_1262 = arith.mulf %gather3A_1260, %gather3A_1261 : vector<16xf32>
      %add3A_1263 = arith.addf %add3A_1256, %mul3A_1262 : vector<16xf32>
      %add3A_1264 = arith.constant 12 : i32
      %add3A_1265 = vector.broadcast %add3A_1264 : i32 to vector<16xi32>
      %add3A_1266 = arith.addi %sub3A_29, %add3A_1265 : vector<16xi32>
      %gather3A_1267 = tpu.vector_load_idx %arg9[%select_n3A, %add3A_1266, %select_n3A_1202] : memref<4x32x128xf32, #tpu.memory_space<vmem>>[vector<16xi32>, vector<16xi32>, vector<16xi32>], vector<16xf32>,
      %gather3A_1268 = tpu.vector_load_idx %arg12[%select_n3A, %add3A_1266, %select_n3A_1240] : memref<4x32x128xf32, #tpu.memory_space<vmem>>[vector<16xi32>, vector<16xi32>, vector<16xi32>], vector<16xf32>,
      %mul3A_1269 = arith.mulf %gather3A_1267, %gather3A_1268 : vector<16xf32>
      %add3A_1270 = arith.addf %add3A_1263, %mul3A_1269 : vector<16xf32>
      %add3A_1271 = arith.constant 16 : i32
      %add3A_1272 = vector.broadcast %add3A_1271 : i32 to vector<16xi32>
      %add3A_1273 = arith.addi %sub3A_29, %add3A_1272 : vector<16xi32>
      %gather3A_1274 = tpu.vector_load_idx %arg9[%select_n3A, %add3A_1273, %select_n3A_1202] : memref<4x32x128xf32, #tpu.memory_space<vmem>>[vector<16xi32>, vector<16xi32>, vector<16xi32>], vector<16xf32>,
      %gather3A_1275 = tpu.vector_load_idx %arg12[%select_n3A, %add3A_1273, %select_n3A_1240] : memref<4x32x128xf32, #tpu.memory_space<vmem>>[vector<16xi32>, vector<16xi32>, vector<16xi32>], vector<16xf32>,
      %mul3A_1276 = arith.mulf %gather3A_1274, %gather3A_1275 : vector<16xf32>
      %add3A_1277 = arith.addf %add3A_1270, %mul3A_1276 : vector<16xf32>
      %add3A_1278 = arith.constant 20 : i32
      %add3A_1279 = vector.broadcast %add3A_1278 : i32 to vector<16xi32>
      %add3A_1280 = arith.addi %sub3A_29, %add3A_1279 : vector<16xi32>
      %gather3A_1281 = tpu.vector_load_idx %arg9[%select_n3A, %add3A_1280, %select_n3A_1202] : memref<4x32x128xf32, #tpu.memory_space<vmem>>[vector<16xi32>, vector<16xi32>, vector<16xi32>], vector<16xf32>,
      %gather3A_1282 = tpu.vector_load_idx %arg12[%select_n3A, %add3A_1280, %select_n3A_1240] : memref<4x32x128xf32, #tpu.memory_space<vmem>>[vector<16xi32>, vector<16xi32>, vector<16xi32>], vector<16xf32>,
      %mul3A_1283 = arith.mulf %gather3A_1281, %gather3A_1282 : vector<16xf32>
      %add3A_1284 = arith.addf %add3A_1277, %mul3A_1283 : vector<16xf32>
      %add3A_1285 = arith.constant 24 : i32
      %add3A_1286 = vector.broadcast %add3A_1285 : i32 to vector<16xi32>
      %add3A_1287 = arith.addi %sub3A_29, %add3A_1286 : vector<16xi32>
      %gather3A_1288 = tpu.vector_load_idx %arg9[%select_n3A, %add3A_1287, %select_n3A_1202] : memref<4x32x128xf32, #tpu.memory_space<vmem>>[vector<16xi32>, vector<16xi32>, vector<16xi32>], vector<16xf32>,
      %gather3A_1289 = tpu.vector_load_idx %arg12[%select_n3A, %add3A_1287, %select_n3A_1240] : memref<4x32x128xf32, #tpu.memory_space<vmem>>[vector<16xi32>, vector<16xi32>, vector<16xi32>], vector<16xf32>,
      %mul3A_1290 = arith.mulf %gather3A_1288, %gather3A_1289 : vector<16xf32>
      %add3A_1291 = arith.addf %add3A_1284, %mul3A_1290 : vector<16xf32>
      %add3A_1292 = arith.constant 28 : i32
      %add3A_1293 = vector.broadcast %add3A_1292 : i32 to vector<16xi32>
      %add3A_1294 = arith.addi %sub3A_29, %add3A_1293 : vector<16xi32>
      %gather3A_1295 = tpu.vector_load_idx %arg9[%select_n3A, %add3A_1294, %select_n3A_1202] : memref<4x32x128xf32, #tpu.memory_space<vmem>>[vector<16xi32>, vector<16xi32>, vector<16xi32>], vector<16xf32>,
      %gather3A_1296 = tpu.vector_load_idx %arg12[%select_n3A, %add3A_1294, %select_n3A_1240] : memref<4x32x128xf32, #tpu.memory_space<vmem>>[vector<16xi32>, vector<16xi32>, vector<16xi32>], vector<16xf32>,
      %mul3A_1297 = arith.mulf %gather3A_1295, %gather3A_1296 : vector<16xf32>
      %add3A_1298 = arith.addf %add3A_1291, %mul3A_1297 : vector<16xf32>
      %mul3A_1299 = arith.constant 16 : i32
      %mul3A_1300 = arith.muli %add3A_874, %mul3A_1299 : i32
      %swap3A_1301 = arith.index_cast %mul3A_1300 : i32 to index
      %swap3A_1302 = tpu.vector_load %arg15[%swap3A_1301] {strides = array<i32>} : memref<2048xf32, #tpu.memory_space<vmem>>, vector<16xf32>,
      tpu.vector_store %arg15[%swap3A_1301], %add3A_1298 {strides = array<i32>} : memref<2048xf32, #tpu.memory_space<vmem>>, vector<16xf32>,
      %add3A_1303 = arith.constant 1 : i32
      %add3A_1304 = arith.addi %add3A_872, %add3A_1303 : i32
      %add3A_1305 = arith.constant 2 : i32
      %add3A_1306 = arith.addi %add3A_1304, %add3A_1305 : i32
      %mul3A_1307 = arith.constant 4 : i32
      %mul3A_1308 = arith.muli %add3A_1306, %mul3A_1307 : i32
      %get3A_1309 = arith.index_cast %mul3A_1308 : i32 to index
      %get3A_1310 = tpu.vector_load %arg7[%get3A_1309] {strides = array<i32>} : memref<528xi32, #tpu.memory_space<vmem>>, vector<16xi32>,
      %mul3A_1311 = arith.constant 4 : i32
      %mul3A_1312 = arith.muli %add3A_1306, %mul3A_1311 : i32
      %get3A_1313 = arith.index_cast %mul3A_1312 : i32 to index
      %get3A_1314 = tpu.vector_load %arg8[%get3A_1313] {strides = array<i32>} : memref<528xi32, #tpu.memory_space<vmem>>, vector<16xi32>,
      %slice3A_1315 = vector.extract_strided_slice %get3A_1310 {offsets = [0], sizes = [1], strides = [1]} : vector<16xi32> to vector<1xi32>
      %squeeze3A_1316 = vector.extract %slice3A_1315[0] : i32 from vector<1xi32>
      %slice3A_1317 = vector.extract_strided_slice %get3A_1314 {offsets = [0], sizes = [1], strides = [1]} : vector<16xi32> to vector<1xi32>
      %squeeze3A_1318 = vector.extract %slice3A_1317[0] : i32 from vector<1xi32>
      %shift_right_arithmetic3A_1319 = arith.constant 7 : i32
      %shift_right_arithmetic3A_1320 = arith.shrsi %squeeze3A_1316, %shift_right_arithmetic3A_1319 : i32
      %mul3A_1321 = arith.constant 128 : i32
      %mul3A_1322 = arith.muli %shift_right_arithmetic3A_1320, %mul3A_1321 : i32
      %dma_start3A_1323 = arith.constant 0 : i32
      %dma_start3A_1324 = arith.constant 0 : i32
      %dma_start3A_1325 = arith.constant 0 : i32
      %dma_start3A_1326 = tpu.memref_slice %arg9[%dma_start3A_1323, %dma_start3A_1324, %dma_start3A_1325] : memref<4x32x128xf32, #tpu.memory_space<vmem>> -> memref<1x32x128xf32, #tpu.memory_space<vmem>>
      %dma_start3A_1327 = tpu.memref_squeeze %dma_start3A_1326 : memref<1x32x128xf32, #tpu.memory_space<vmem>> -> memref<32x128xf32, #tpu.memory_space<vmem>>
      %dma_start3A_1328 = arith.constant 0 : i32
      %dma_start3A_1329 = tpu.memref_slice %arg4[%dma_start3A_1328, %mul3A_1322] : memref<32x1000000xf32, #tpu.memory_space<hbm>> -> memref<32x128xf32, #tpu.memory_space<hbm>>
      %dma_start3A_1330 = arith.constant 0 : i32
      %dma_start3A_1331 = arith.constant 0 : i32
      %dma_start3A_1332 = tpu.memref_slice %arg9[%dma_start3A_1323, %dma_start3A_1330, %dma_start3A_1331] : memref<4x32x128xf32, #tpu.memory_space<vmem>> -> memref<1x32x128xf32, #tpu.memory_space<vmem>>
      %dma_start3A_1333 = tpu.memref_squeeze %dma_start3A_1332 : memref<1x32x128xf32, #tpu.memory_space<vmem>> -> memref<32x128xf32, #tpu.memory_space<vmem>>
      %dma_start3A_1334 = arith.constant 0 : i32
      %dma_start3A_1335 = tpu.memref_slice %arg4[%dma_start3A_1334, %mul3A_1322] : memref<32x1000000xf32, #tpu.memory_space<hbm>> -> memref<32x128xf32, #tpu.memory_space<hbm>>
      tpu.enqueue_dma source(%dma_start3A_1335 : memref<32x128xf32, #tpu.memory_space<hbm>>) target(%dma_start3A_1333 : memref<32x128xf32, #tpu.memory_space<vmem>>) target_semaphore(%arg17 : memref<!tpu.dma_semaphore, #tpu.memory_space<semaphore_mem>>)
      %shift_right_arithmetic3A_1336 = arith.constant 7 : i32
      %shift_right_arithmetic3A_1337 = arith.shrsi %squeeze3A_1318, %shift_right_arithmetic3A_1336 : i32
      %mul3A_1338 = arith.constant 128 : i32
      %mul3A_1339 = arith.muli %shift_right_arithmetic3A_1337, %mul3A_1338 : i32
      %dma_start3A_1340 = arith.constant 0 : i32
      %dma_start3A_1341 = arith.constant 0 : i32
      %dma_start3A_1342 = arith.constant 0 : i32
      %dma_start3A_1343 = tpu.memref_slice %arg12[%dma_start3A_1340, %dma_start3A_1341, %dma_start3A_1342] : memref<4x32x128xf32, #tpu.memory_space<vmem>> -> memref<1x32x128xf32, #tpu.memory_space<vmem>>
      %dma_start3A_1344 = tpu.memref_squeeze %dma_start3A_1343 : memref<1x32x128xf32, #tpu.memory_space<vmem>> -> memref<32x128xf32, #tpu.memory_space<vmem>>
      %dma_start3A_1345 = arith.constant 0 : i32
      %dma_start3A_1346 = tpu.memref_slice %arg5[%dma_start3A_1345, %mul3A_1339] : memref<32x1000000xf32, #tpu.memory_space<hbm>> -> memref<32x128xf32, #tpu.memory_space<hbm>>
      %dma_start3A_1347 = arith.constant 0 : i32
      %dma_start3A_1348 = arith.constant 0 : i32
      %dma_start3A_1349 = tpu.memref_slice %arg12[%dma_start3A_1340, %dma_start3A_1347, %dma_start3A_1348] : memref<4x32x128xf32, #tpu.memory_space<vmem>> -> memref<1x32x128xf32, #tpu.memory_space<vmem>>
      %dma_start3A_1350 = tpu.memref_squeeze %dma_start3A_1349 : memref<1x32x128xf32, #tpu.memory_space<vmem>> -> memref<32x128xf32, #tpu.memory_space<vmem>>
      %dma_start3A_1351 = arith.constant 0 : i32
      %dma_start3A_1352 = tpu.memref_slice %arg5[%dma_start3A_1351, %mul3A_1339] : memref<32x1000000xf32, #tpu.memory_space<hbm>> -> memref<32x128xf32, #tpu.memory_space<hbm>>
      tpu.enqueue_dma source(%dma_start3A_1352 : memref<32x128xf32, #tpu.memory_space<hbm>>) target(%dma_start3A_1350 : memref<32x128xf32, #tpu.memory_space<vmem>>) target_semaphore(%arg17 : memref<!tpu.dma_semaphore, #tpu.memory_space<semaphore_mem>>)
      %slice3A_1353 = vector.extract_strided_slice %get3A_1310 {offsets = [1], sizes = [1], strides = [1]} : vector<16xi32> to vector<1xi32>
      %squeeze3A_1354 = vector.extract %slice3A_1353[0] : i32 from vector<1xi32>
      %slice3A_1355 = vector.extract_strided_slice %get3A_1314 {offsets = [1], sizes = [1], strides = [1]} : vector<16xi32> to vector<1xi32>
      %squeeze3A_1356 = vector.extract %slice3A_1355[0] : i32 from vector<1xi32>
      %shift_right_arithmetic3A_1357 = arith.constant 7 : i32
      %shift_right_arithmetic3A_1358 = arith.shrsi %squeeze3A_1354, %shift_right_arithmetic3A_1357 : i32
      %mul3A_1359 = arith.constant 128 : i32
      %mul3A_1360 = arith.muli %shift_right_arithmetic3A_1358, %mul3A_1359 : i32
      %dma_start3A_1361 = arith.constant 1 : i32
      %dma_start3A_1362 = arith.constant 0 : i32
      %dma_start3A_1363 = arith.constant 0 : i32
      %dma_start3A_1364 = tpu.memref_slice %arg9[%dma_start3A_1361, %dma_start3A_1362, %dma_start3A_1363] : memref<4x32x128xf32, #tpu.memory_space<vmem>> -> memref<1x32x128xf32, #tpu.memory_space<vmem>>
      %dma_start3A_1365 = tpu.memref_squeeze %dma_start3A_1364 : memref<1x32x128xf32, #tpu.memory_space<vmem>> -> memref<32x128xf32, #tpu.memory_space<vmem>>
      %dma_start3A_1366 = arith.constant 0 : i32
      %dma_start3A_1367 = tpu.memref_slice %arg4[%dma_start3A_1366, %mul3A_1360] : memref<32x1000000xf32, #tpu.memory_space<hbm>> -> memref<32x128xf32, #tpu.memory_space<hbm>>
      %dma_start3A_1368 = arith.constant 0 : i32
      %dma_start3A_1369 = arith.constant 0 : i32
      %dma_start3A_1370 = tpu.memref_slice %arg9[%dma_start3A_1361, %dma_start3A_1368, %dma_start3A_1369] : memref<4x32x128xf32, #tpu.memory_space<vmem>> -> memref<1x32x128xf32, #tpu.memory_space<vmem>>
      %dma_start3A_1371 = tpu.memref_squeeze %dma_start3A_1370 : memref<1x32x128xf32, #tpu.memory_space<vmem>> -> memref<32x128xf32, #tpu.memory_space<vmem>>
      %dma_start3A_1372 = arith.constant 0 : i32
      %dma_start3A_1373 = tpu.memref_slice %arg4[%dma_start3A_1372, %mul3A_1360] : memref<32x1000000xf32, #tpu.memory_space<hbm>> -> memref<32x128xf32, #tpu.memory_space<hbm>>
      tpu.enqueue_dma source(%dma_start3A_1373 : memref<32x128xf32, #tpu.memory_space<hbm>>) target(%dma_start3A_1371 : memref<32x128xf32, #tpu.memory_space<vmem>>) target_semaphore(%arg17 : memref<!tpu.dma_semaphore, #tpu.memory_space<semaphore_mem>>)
      %shift_right_arithmetic3A_1374 = arith.constant 7 : i32
      %shift_right_arithmetic3A_1375 = arith.shrsi %squeeze3A_1356, %shift_right_arithmetic3A_1374 : i32
      %mul3A_1376 = arith.constant 128 : i32
      %mul3A_1377 = arith.muli %shift_right_arithmetic3A_1375, %mul3A_1376 : i32
      %dma_start3A_1378 = arith.constant 1 : i32
      %dma_start3A_1379 = arith.constant 0 : i32
      %dma_start3A_1380 = arith.constant 0 : i32
      %dma_start3A_1381 = tpu.memref_slice %arg12[%dma_start3A_1378, %dma_start3A_1379, %dma_start3A_1380] : memref<4x32x128xf32, #tpu.memory_space<vmem>> -> memref<1x32x128xf32, #tpu.memory_space<vmem>>
      %dma_start3A_1382 = tpu.memref_squeeze %dma_start3A_1381 : memref<1x32x128xf32, #tpu.memory_space<vmem>> -> memref<32x128xf32, #tpu.memory_space<vmem>>
      %dma_start3A_1383 = arith.constant 0 : i32
      %dma_start3A_1384 = tpu.memref_slice %arg5[%dma_start3A_1383, %mul3A_1377] : memref<32x1000000xf32, #tpu.memory_space<hbm>> -> memref<32x128xf32, #tpu.memory_space<hbm>>
      %dma_start3A_1385 = arith.constant 0 : i32
      %dma_start3A_1386 = arith.constant 0 : i32
      %dma_start3A_1387 = tpu.memref_slice %arg12[%dma_start3A_1378, %dma_start3A_1385, %dma_start3A_1386] : memref<4x32x128xf32, #tpu.memory_space<vmem>> -> memref<1x32x128xf32, #tpu.memory_space<vmem>>
      %dma_start3A_1388 = tpu.memref_squeeze %dma_start3A_1387 : memref<1x32x128xf32, #tpu.memory_space<vmem>> -> memref<32x128xf32, #tpu.memory_space<vmem>>
      %dma_start3A_1389 = arith.constant 0 : i32
      %dma_start3A_1390 = tpu.memref_slice %arg5[%dma_start3A_1389, %mul3A_1377] : memref<32x1000000xf32, #tpu.memory_space<hbm>> -> memref<32x128xf32, #tpu.memory_space<hbm>>
      tpu.enqueue_dma source(%dma_start3A_1390 : memref<32x128xf32, #tpu.memory_space<hbm>>) target(%dma_start3A_1388 : memref<32x128xf32, #tpu.memory_space<vmem>>) target_semaphore(%arg17 : memref<!tpu.dma_semaphore, #tpu.memory_space<semaphore_mem>>)
      %slice3A_1391 = vector.extract_strided_slice %get3A_1310 {offsets = [2], sizes = [1], strides = [1]} : vector<16xi32> to vector<1xi32>
      %squeeze3A_1392 = vector.extract %slice3A_1391[0] : i32 from vector<1xi32>
      %slice3A_1393 = vector.extract_strided_slice %get3A_1314 {offsets = [2], sizes = [1], strides = [1]} : vector<16xi32> to vector<1xi32>
      %squeeze3A_1394 = vector.extract %slice3A_1393[0] : i32 from vector<1xi32>
      %shift_right_arithmetic3A_1395 = arith.constant 7 : i32
      %shift_right_arithmetic3A_1396 = arith.shrsi %squeeze3A_1392, %shift_right_arithmetic3A_1395 : i32
      %mul3A_1397 = arith.constant 128 : i32
      %mul3A_1398 = arith.muli %shift_right_arithmetic3A_1396, %mul3A_1397 : i32
      %dma_start3A_1399 = arith.constant 2 : i32
      %dma_start3A_1400 = arith.constant 0 : i32
      %dma_start3A_1401 = arith.constant 0 : i32
      %dma_start3A_1402 = tpu.memref_slice %arg9[%dma_start3A_1399, %dma_start3A_1400, %dma_start3A_1401] : memref<4x32x128xf32, #tpu.memory_space<vmem>> -> memref<1x32x128xf32, #tpu.memory_space<vmem>>
      %dma_start3A_1403 = tpu.memref_squeeze %dma_start3A_1402 : memref<1x32x128xf32, #tpu.memory_space<vmem>> -> memref<32x128xf32, #tpu.memory_space<vmem>>
      %dma_start3A_1404 = arith.constant 0 : i32
      %dma_start3A_1405 = tpu.memref_slice %arg4[%dma_start3A_1404, %mul3A_1398] : memref<32x1000000xf32, #tpu.memory_space<hbm>> -> memref<32x128xf32, #tpu.memory_space<hbm>>
      %dma_start3A_1406 = arith.constant 0 : i32
      %dma_start3A_1407 = arith.constant 0 : i32
      %dma_start3A_1408 = tpu.memref_slice %arg9[%dma_start3A_1399, %dma_start3A_1406, %dma_start3A_1407] : memref<4x32x128xf32, #tpu.memory_space<vmem>> -> memref<1x32x128xf32, #tpu.memory_space<vmem>>
      %dma_start3A_1409 = tpu.memref_squeeze %dma_start3A_1408 : memref<1x32x128xf32, #tpu.memory_space<vmem>> -> memref<32x128xf32, #tpu.memory_space<vmem>>
      %dma_start3A_1410 = arith.constant 0 : i32
      %dma_start3A_1411 = tpu.memref_slice %arg4[%dma_start3A_1410, %mul3A_1398] : memref<32x1000000xf32, #tpu.memory_space<hbm>> -> memref<32x128xf32, #tpu.memory_space<hbm>>
      tpu.enqueue_dma source(%dma_start3A_1411 : memref<32x128xf32, #tpu.memory_space<hbm>>) target(%dma_start3A_1409 : memref<32x128xf32, #tpu.memory_space<vmem>>) target_semaphore(%arg17 : memref<!tpu.dma_semaphore, #tpu.memory_space<semaphore_mem>>)
      %shift_right_arithmetic3A_1412 = arith.constant 7 : i32
      %shift_right_arithmetic3A_1413 = arith.shrsi %squeeze3A_1394, %shift_right_arithmetic3A_1412 : i32
      %mul3A_1414 = arith.constant 128 : i32
      %mul3A_1415 = arith.muli %shift_right_arithmetic3A_1413, %mul3A_1414 : i32
      %dma_start3A_1416 = arith.constant 2 : i32
      %dma_start3A_1417 = arith.constant 0 : i32
      %dma_start3A_1418 = arith.constant 0 : i32
      %dma_start3A_1419 = tpu.memref_slice %arg12[%dma_start3A_1416, %dma_start3A_1417, %dma_start3A_1418] : memref<4x32x128xf32, #tpu.memory_space<vmem>> -> memref<1x32x128xf32, #tpu.memory_space<vmem>>
      %dma_start3A_1420 = tpu.memref_squeeze %dma_start3A_1419 : memref<1x32x128xf32, #tpu.memory_space<vmem>> -> memref<32x128xf32, #tpu.memory_space<vmem>>
      %dma_start3A_1421 = arith.constant 0 : i32
      %dma_start3A_1422 = tpu.memref_slice %arg5[%dma_start3A_1421, %mul3A_1415] : memref<32x1000000xf32, #tpu.memory_space<hbm>> -> memref<32x128xf32, #tpu.memory_space<hbm>>
      %dma_start3A_1423 = arith.constant 0 : i32
      %dma_start3A_1424 = arith.constant 0 : i32
      %dma_start3A_1425 = tpu.memref_slice %arg12[%dma_start3A_1416, %dma_start3A_1423, %dma_start3A_1424] : memref<4x32x128xf32, #tpu.memory_space<vmem>> -> memref<1x32x128xf32, #tpu.memory_space<vmem>>
      %dma_start3A_1426 = tpu.memref_squeeze %dma_start3A_1425 : memref<1x32x128xf32, #tpu.memory_space<vmem>> -> memref<32x128xf32, #tpu.memory_space<vmem>>
      %dma_start3A_1427 = arith.constant 0 : i32
      %dma_start3A_1428 = tpu.memref_slice %arg5[%dma_start3A_1427, %mul3A_1415] : memref<32x1000000xf32, #tpu.memory_space<hbm>> -> memref<32x128xf32, #tpu.memory_space<hbm>>
      tpu.enqueue_dma source(%dma_start3A_1428 : memref<32x128xf32, #tpu.memory_space<hbm>>) target(%dma_start3A_1426 : memref<32x128xf32, #tpu.memory_space<vmem>>) target_semaphore(%arg17 : memref<!tpu.dma_semaphore, #tpu.memory_space<semaphore_mem>>)
      %slice3A_1429 = vector.extract_strided_slice %get3A_1310 {offsets = [3], sizes = [1], strides = [1]} : vector<16xi32> to vector<1xi32>
      %squeeze3A_1430 = vector.extract %slice3A_1429[0] : i32 from vector<1xi32>
      %slice3A_1431 = vector.extract_strided_slice %get3A_1314 {offsets = [3], sizes = [1], strides = [1]} : vector<16xi32> to vector<1xi32>
      %squeeze3A_1432 = vector.extract %slice3A_1431[0] : i32 from vector<1xi32>
      %shift_right_arithmetic3A_1433 = arith.constant 7 : i32
      %shift_right_arithmetic3A_1434 = arith.shrsi %squeeze3A_1430, %shift_right_arithmetic3A_1433 : i32
      %mul3A_1435 = arith.constant 128 : i32
      %mul3A_1436 = arith.muli %shift_right_arithmetic3A_1434, %mul3A_1435 : i32
      %dma_start3A_1437 = arith.constant 3 : i32
      %dma_start3A_1438 = arith.constant 0 : i32
      %dma_start3A_1439 = arith.constant 0 : i32
      %dma_start3A_1440 = tpu.memref_slice %arg9[%dma_start3A_1437, %dma_start3A_1438, %dma_start3A_1439] : memref<4x32x128xf32, #tpu.memory_space<vmem>> -> memref<1x32x128xf32, #tpu.memory_space<vmem>>
      %dma_start3A_1441 = tpu.memref_squeeze %dma_start3A_1440 : memref<1x32x128xf32, #tpu.memory_space<vmem>> -> memref<32x128xf32, #tpu.memory_space<vmem>>
      %dma_start3A_1442 = arith.constant 0 : i32
      %dma_start3A_1443 = tpu.memref_slice %arg4[%dma_start3A_1442, %mul3A_1436] : memref<32x1000000xf32, #tpu.memory_space<hbm>> -> memref<32x128xf32, #tpu.memory_space<hbm>>
      %dma_start3A_1444 = arith.constant 0 : i32
      %dma_start3A_1445 = arith.constant 0 : i32
      %dma_start3A_1446 = tpu.memref_slice %arg9[%dma_start3A_1437, %dma_start3A_1444, %dma_start3A_1445] : memref<4x32x128xf32, #tpu.memory_space<vmem>> -> memref<1x32x128xf32, #tpu.memory_space<vmem>>
      %dma_start3A_1447 = tpu.memref_squeeze %dma_start3A_1446 : memref<1x32x128xf32, #tpu.memory_space<vmem>> -> memref<32x128xf32, #tpu.memory_space<vmem>>
      %dma_start3A_1448 = arith.constant 0 : i32
      %dma_start3A_1449 = tpu.memref_slice %arg4[%dma_start3A_1448, %mul3A_1436] : memref<32x1000000xf32, #tpu.memory_space<hbm>> -> memref<32x128xf32, #tpu.memory_space<hbm>>
      tpu.enqueue_dma source(%dma_start3A_1449 : memref<32x128xf32, #tpu.memory_space<hbm>>) target(%dma_start3A_1447 : memref<32x128xf32, #tpu.memory_space<vmem>>) target_semaphore(%arg17 : memref<!tpu.dma_semaphore, #tpu.memory_space<semaphore_mem>>)
      %shift_right_arithmetic3A_1450 = arith.constant 7 : i32
      %shift_right_arithmetic3A_1451 = arith.shrsi %squeeze3A_1432, %shift_right_arithmetic3A_1450 : i32
      %mul3A_1452 = arith.constant 128 : i32
      %mul3A_1453 = arith.muli %shift_right_arithmetic3A_1451, %mul3A_1452 : i32
      %dma_start3A_1454 = arith.constant 3 : i32
      %dma_start3A_1455 = arith.constant 0 : i32
      %dma_start3A_1456 = arith.constant 0 : i32
      %dma_start3A_1457 = tpu.memref_slice %arg12[%dma_start3A_1454, %dma_start3A_1455, %dma_start3A_1456] : memref<4x32x128xf32, #tpu.memory_space<vmem>> -> memref<1x32x128xf32, #tpu.memory_space<vmem>>
      %dma_start3A_1458 = tpu.memref_squeeze %dma_start3A_1457 : memref<1x32x128xf32, #tpu.memory_space<vmem>> -> memref<32x128xf32, #tpu.memory_space<vmem>>
      %dma_start3A_1459 = arith.constant 0 : i32
      %dma_start3A_1460 = tpu.memref_slice %arg5[%dma_start3A_1459, %mul3A_1453] : memref<32x1000000xf32, #tpu.memory_space<hbm>> -> memref<32x128xf32, #tpu.memory_space<hbm>>
      %dma_start3A_1461 = arith.constant 0 : i32
      %dma_start3A_1462 = arith.constant 0 : i32
      %dma_start3A_1463 = tpu.memref_slice %arg12[%dma_start3A_1454, %dma_start3A_1461, %dma_start3A_1462] : memref<4x32x128xf32, #tpu.memory_space<vmem>> -> memref<1x32x128xf32, #tpu.memory_space<vmem>>
      %dma_start3A_1464 = tpu.memref_squeeze %dma_start3A_1463 : memref<1x32x128xf32, #tpu.memory_space<vmem>> -> memref<32x128xf32, #tpu.memory_space<vmem>>
      %dma_start3A_1465 = arith.constant 0 : i32
      %dma_start3A_1466 = tpu.memref_slice %arg5[%dma_start3A_1465, %mul3A_1453] : memref<32x1000000xf32, #tpu.memory_space<hbm>> -> memref<32x128xf32, #tpu.memory_space<hbm>>
      tpu.enqueue_dma source(%dma_start3A_1466 : memref<32x128xf32, #tpu.memory_space<hbm>>) target(%dma_start3A_1464 : memref<32x128xf32, #tpu.memory_space<vmem>>) target_semaphore(%arg17 : memref<!tpu.dma_semaphore, #tpu.memory_space<semaphore_mem>>)
      %dma_wait3A_1467 = arith.constant 0 : i32
      %dma_wait3A_1468 = arith.constant 0 : i32
      %dma_wait3A_1469 = arith.constant 0 : i32
      %dma_wait3A_1470 = tpu.memref_slice %arg10[%dma_wait3A_1467, %dma_wait3A_1468, %dma_wait3A_1469] : memref<4x32x128xf32, #tpu.memory_space<vmem>> -> memref<1x32x128xf32, #tpu.memory_space<vmem>>
      %dma_wait3A_1471 = tpu.memref_squeeze %dma_wait3A_1470 : memref<1x32x128xf32, #tpu.memory_space<vmem>> -> memref<32x128xf32, #tpu.memory_space<vmem>>
      %dma_wait3A_1472 = arith.constant 0 : i32
      %dma_wait3A_1473 = arith.constant 0 : i32
      %dma_wait3A_1474 = tpu.memref_slice %arg4[%dma_wait3A_1472, %dma_wait3A_1473] : memref<32x1000000xf32, #tpu.memory_space<hbm>> -> memref<32x128xf32, #tpu.memory_space<hbm>>
      %dma_wait3A_1475 = arith.constant 0 : i32
      %dma_wait3A_1476 = arith.constant 0 : i32
      %dma_wait3A_1477 = tpu.memref_slice %arg10[%dma_wait3A_1467, %dma_wait3A_1475, %dma_wait3A_1476] : memref<4x32x128xf32, #tpu.memory_space<vmem>> -> memref<1x32x128xf32, #tpu.memory_space<vmem>>
      %dma_wait3A_1478 = tpu.memref_squeeze %dma_wait3A_1477 : memref<1x32x128xf32, #tpu.memory_space<vmem>> -> memref<32x128xf32, #tpu.memory_space<vmem>>
      %dma_wait3A_1479 = arith.constant 0 : i32
      %dma_wait3A_1480 = arith.constant 0 : i32
      %dma_wait3A_1481 = tpu.memref_slice %arg4[%dma_wait3A_1479, %dma_wait3A_1480] : memref<32x1000000xf32, #tpu.memory_space<hbm>> -> memref<32x128xf32, #tpu.memory_space<hbm>>
      tpu.wait_dma2 semaphore(%arg18 : memref<!tpu.dma_semaphore, #tpu.memory_space<semaphore_mem>>) src(%dma_wait3A_1481 : memref<32x128xf32, #tpu.memory_space<hbm>>) dst(%dma_wait3A_1478 : memref<32x128xf32, #tpu.memory_space<vmem>>)
      %dma_wait3A_1482 = arith.constant 0 : i32
      %dma_wait3A_1483 = arith.constant 0 : i32
      %dma_wait3A_1484 = arith.constant 0 : i32
      %dma_wait3A_1485 = tpu.memref_slice %arg10[%dma_wait3A_1482, %dma_wait3A_1483, %dma_wait3A_1484] : memref<4x32x128xf32, #tpu.memory_space<vmem>> -> memref<1x32x128xf32, #tpu.memory_space<vmem>>
      %dma_wait3A_1486 = tpu.memref_squeeze %dma_wait3A_1485 : memref<1x32x128xf32, #tpu.memory_space<vmem>> -> memref<32x128xf32, #tpu.memory_space<vmem>>
      %dma_wait3A_1487 = arith.constant 0 : i32
      %dma_wait3A_1488 = arith.constant 0 : i32
      %dma_wait3A_1489 = tpu.memref_slice %arg4[%dma_wait3A_1487, %dma_wait3A_1488] : memref<32x1000000xf32, #tpu.memory_space<hbm>> -> memref<32x128xf32, #tpu.memory_space<hbm>>
      %dma_wait3A_1490 = arith.constant 0 : i32
      %dma_wait3A_1491 = arith.constant 0 : i32
      %dma_wait3A_1492 = tpu.memref_slice %arg10[%dma_wait3A_1482, %dma_wait3A_1490, %dma_wait3A_1491] : memref<4x32x128xf32, #tpu.memory_space<vmem>> -> memref<1x32x128xf32, #tpu.memory_space<vmem>>
      %dma_wait3A_1493 = tpu.memref_squeeze %dma_wait3A_1492 : memref<1x32x128xf32, #tpu.memory_space<vmem>> -> memref<32x128xf32, #tpu.memory_space<vmem>>
      %dma_wait3A_1494 = arith.constant 0 : i32
      %dma_wait3A_1495 = arith.constant 0 : i32
      %dma_wait3A_1496 = tpu.memref_slice %arg4[%dma_wait3A_1494, %dma_wait3A_1495] : memref<32x1000000xf32, #tpu.memory_space<hbm>> -> memref<32x128xf32, #tpu.memory_space<hbm>>
      tpu.wait_dma2 semaphore(%arg18 : memref<!tpu.dma_semaphore, #tpu.memory_space<semaphore_mem>>) src(%dma_wait3A_1496 : memref<32x128xf32, #tpu.memory_space<hbm>>) dst(%dma_wait3A_1493 : memref<32x128xf32, #tpu.memory_space<vmem>>)
      %dma_wait3A_1497 = arith.constant 0 : i32
      %dma_wait3A_1498 = arith.constant 0 : i32
      %dma_wait3A_1499 = arith.constant 0 : i32
      %dma_wait3A_1500 = tpu.memref_slice %arg10[%dma_wait3A_1497, %dma_wait3A_1498, %dma_wait3A_1499] : memref<4x32x128xf32, #tpu.memory_space<vmem>> -> memref<1x32x128xf32, #tpu.memory_space<vmem>>
      %dma_wait3A_1501 = tpu.memref_squeeze %dma_wait3A_1500 : memref<1x32x128xf32, #tpu.memory_space<vmem>> -> memref<32x128xf32, #tpu.memory_space<vmem>>
      %dma_wait3A_1502 = arith.constant 0 : i32
      %dma_wait3A_1503 = arith.constant 0 : i32
      %dma_wait3A_1504 = tpu.memref_slice %arg4[%dma_wait3A_1502, %dma_wait3A_1503] : memref<32x1000000xf32, #tpu.memory_space<hbm>> -> memref<32x128xf32, #tpu.memory_space<hbm>>
      %dma_wait3A_1505 = arith.constant 0 : i32
      %dma_wait3A_1506 = arith.constant 0 : i32
      %dma_wait3A_1507 = tpu.memref_slice %arg10[%dma_wait3A_1497, %dma_wait3A_1505, %dma_wait3A_1506] : memref<4x32x128xf32, #tpu.memory_space<vmem>> -> memref<1x32x128xf32, #tpu.memory_space<vmem>>
      %dma_wait3A_1508 = tpu.memref_squeeze %dma_wait3A_1507 : memref<1x32x128xf32, #tpu.memory_space<vmem>> -> memref<32x128xf32, #tpu.memory_space<vmem>>
      %dma_wait3A_1509 = arith.constant 0 : i32
      %dma_wait3A_1510 = arith.constant 0 : i32
      %dma_wait3A_1511 = tpu.memref_slice %arg4[%dma_wait3A_1509, %dma_wait3A_1510] : memref<32x1000000xf32, #tpu.memory_space<hbm>> -> memref<32x128xf32, #tpu.memory_space<hbm>>
      tpu.wait_dma2 semaphore(%arg18 : memref<!tpu.dma_semaphore, #tpu.memory_space<semaphore_mem>>) src(%dma_wait3A_1511 : memref<32x128xf32, #tpu.memory_space<hbm>>) dst(%dma_wait3A_1508 : memref<32x128xf32, #tpu.memory_space<vmem>>)
      %dma_wait3A_1512 = arith.constant 0 : i32
      %dma_wait3A_1513 = arith.constant 0 : i32
      %dma_wait3A_1514 = arith.constant 0 : i32
      %dma_wait3A_1515 = tpu.memref_slice %arg10[%dma_wait3A_1512, %dma_wait3A_1513, %dma_wait3A_1514] : memref<4x32x128xf32, #tpu.memory_space<vmem>> -> memref<1x32x128xf32, #tpu.memory_space<vmem>>
      %dma_wait3A_1516 = tpu.memref_squeeze %dma_wait3A_1515 : memref<1x32x128xf32, #tpu.memory_space<vmem>> -> memref<32x128xf32, #tpu.memory_space<vmem>>
      %dma_wait3A_1517 = arith.constant 0 : i32
      %dma_wait3A_1518 = arith.constant 0 : i32
      %dma_wait3A_1519 = tpu.memref_slice %arg4[%dma_wait3A_1517, %dma_wait3A_1518] : memref<32x1000000xf32, #tpu.memory_space<hbm>> -> memref<32x128xf32, #tpu.memory_space<hbm>>
      %dma_wait3A_1520 = arith.constant 0 : i32
      %dma_wait3A_1521 = arith.constant 0 : i32
      %dma_wait3A_1522 = tpu.memref_slice %arg10[%dma_wait3A_1512, %dma_wait3A_1520, %dma_wait3A_1521] : memref<4x32x128xf32, #tpu.memory_space<vmem>> -> memref<1x32x128xf32, #tpu.memory_space<vmem>>
      %dma_wait3A_1523 = tpu.memref_squeeze %dma_wait3A_1522 : memref<1x32x128xf32, #tpu.memory_space<vmem>> -> memref<32x128xf32, #tpu.memory_space<vmem>>
      %dma_wait3A_1524 = arith.constant 0 : i32
      %dma_wait3A_1525 = arith.constant 0 : i32
      %dma_wait3A_1526 = tpu.memref_slice %arg4[%dma_wait3A_1524, %dma_wait3A_1525] : memref<32x1000000xf32, #tpu.memory_space<hbm>> -> memref<32x128xf32, #tpu.memory_space<hbm>>
      tpu.wait_dma2 semaphore(%arg18 : memref<!tpu.dma_semaphore, #tpu.memory_space<semaphore_mem>>) src(%dma_wait3A_1526 : memref<32x128xf32, #tpu.memory_space<hbm>>) dst(%dma_wait3A_1523 : memref<32x128xf32, #tpu.memory_space<vmem>>)
      %dma_wait3A_1527 = arith.constant 0 : i32
      %dma_wait3A_1528 = arith.constant 0 : i32
      %dma_wait3A_1529 = arith.constant 0 : i32
      %dma_wait3A_1530 = tpu.memref_slice %arg10[%dma_wait3A_1527, %dma_wait3A_1528, %dma_wait3A_1529] : memref<4x32x128xf32, #tpu.memory_space<vmem>> -> memref<1x32x128xf32, #tpu.memory_space<vmem>>
      %dma_wait3A_1531 = tpu.memref_squeeze %dma_wait3A_1530 : memref<1x32x128xf32, #tpu.memory_space<vmem>> -> memref<32x128xf32, #tpu.memory_space<vmem>>
      %dma_wait3A_1532 = arith.constant 0 : i32
      %dma_wait3A_1533 = arith.constant 0 : i32
      %dma_wait3A_1534 = tpu.memref_slice %arg4[%dma_wait3A_1532, %dma_wait3A_1533] : memref<32x1000000xf32, #tpu.memory_space<hbm>> -> memref<32x128xf32, #tpu.memory_space<hbm>>
      %dma_wait3A_1535 = arith.constant 0 : i32
      %dma_wait3A_1536 = arith.constant 0 : i32
      %dma_wait3A_1537 = tpu.memref_slice %arg10[%dma_wait3A_1527, %dma_wait3A_1535, %dma_wait3A_1536] : memref<4x32x128xf32, #tpu.memory_space<vmem>> -> memref<1x32x128xf32, #tpu.memory_space<vmem>>
      %dma_wait3A_1538 = tpu.memref_squeeze %dma_wait3A_1537 : memref<1x32x128xf32, #tpu.memory_space<vmem>> -> memref<32x128xf32, #tpu.memory_space<vmem>>
      %dma_wait3A_1539 = arith.constant 0 : i32
      %dma_wait3A_1540 = arith.constant 0 : i32
      %dma_wait3A_1541 = tpu.memref_slice %arg4[%dma_wait3A_1539, %dma_wait3A_1540] : memref<32x1000000xf32, #tpu.memory_space<hbm>> -> memref<32x128xf32, #tpu.memory_space<hbm>>
      tpu.wait_dma2 semaphore(%arg18 : memref<!tpu.dma_semaphore, #tpu.memory_space<semaphore_mem>>) src(%dma_wait3A_1541 : memref<32x128xf32, #tpu.memory_space<hbm>>) dst(%dma_wait3A_1538 : memref<32x128xf32, #tpu.memory_space<vmem>>)
      %dma_wait3A_1542 = arith.constant 0 : i32
      %dma_wait3A_1543 = arith.constant 0 : i32
      %dma_wait3A_1544 = arith.constant 0 : i32
      %dma_wait3A_1545 = tpu.memref_slice %arg10[%dma_wait3A_1542, %dma_wait3A_1543, %dma_wait3A_1544] : memref<4x32x128xf32, #tpu.memory_space<vmem>> -> memref<1x32x128xf32, #tpu.memory_space<vmem>>
      %dma_wait3A_1546 = tpu.memref_squeeze %dma_wait3A_1545 : memref<1x32x128xf32, #tpu.memory_space<vmem>> -> memref<32x128xf32, #tpu.memory_space<vmem>>
      %dma_wait3A_1547 = arith.constant 0 : i32
      %dma_wait3A_1548 = arith.constant 0 : i32
      %dma_wait3A_1549 = tpu.memref_slice %arg4[%dma_wait3A_1547, %dma_wait3A_1548] : memref<32x1000000xf32, #tpu.memory_space<hbm>> -> memref<32x128xf32, #tpu.memory_space<hbm>>
      %dma_wait3A_1550 = arith.constant 0 : i32
      %dma_wait3A_1551 = arith.constant 0 : i32
      %dma_wait3A_1552 = tpu.memref_slice %arg10[%dma_wait3A_1542, %dma_wait3A_1550, %dma_wait3A_1551] : memref<4x32x128xf32, #tpu.memory_space<vmem>> -> memref<1x32x128xf32, #tpu.memory_space<vmem>>
      %dma_wait3A_1553 = tpu.memref_squeeze %dma_wait3A_1552 : memref<1x32x128xf32, #tpu.memory_space<vmem>> -> memref<32x128xf32, #tpu.memory_space<vmem>>
      %dma_wait3A_1554 = arith.constant 0 : i32
      %dma_wait3A_1555 = arith.constant 0 : i32
      %dma_wait3A_1556 = tpu.memref_slice %arg4[%dma_wait3A_1554, %dma_wait3A_1555] : memref<32x1000000xf32, #tpu.memory_space<hbm>> -> memref<32x128xf32, #tpu.memory_space<hbm>>
      tpu.wait_dma2 semaphore(%arg18 : memref<!tpu.dma_semaphore, #tpu.memory_space<semaphore_mem>>) src(%dma_wait3A_1556 : memref<32x128xf32, #tpu.memory_space<hbm>>) dst(%dma_wait3A_1553 : memref<32x128xf32, #tpu.memory_space<vmem>>)
      %dma_wait3A_1557 = arith.constant 0 : i32
      %dma_wait3A_1558 = arith.constant 0 : i32
      %dma_wait3A_1559 = arith.constant 0 : i32
      %dma_wait3A_1560 = tpu.memref_slice %arg10[%dma_wait3A_1557, %dma_wait3A_1558, %dma_wait3A_1559] : memref<4x32x128xf32, #tpu.memory_space<vmem>> -> memref<1x32x128xf32, #tpu.memory_space<vmem>>
      %dma_wait3A_1561 = tpu.memref_squeeze %dma_wait3A_1560 : memref<1x32x128xf32, #tpu.memory_space<vmem>> -> memref<32x128xf32, #tpu.memory_space<vmem>>
      %dma_wait3A_1562 = arith.constant 0 : i32
      %dma_wait3A_1563 = arith.constant 0 : i32
      %dma_wait3A_1564 = tpu.memref_slice %arg4[%dma_wait3A_1562, %dma_wait3A_1563] : memref<32x1000000xf32, #tpu.memory_space<hbm>> -> memref<32x128xf32, #tpu.memory_space<hbm>>
      %dma_wait3A_1565 = arith.constant 0 : i32
      %dma_wait3A_1566 = arith.constant 0 : i32
      %dma_wait3A_1567 = tpu.memref_slice %arg10[%dma_wait3A_1557, %dma_wait3A_1565, %dma_wait3A_1566] : memref<4x32x128xf32, #tpu.memory_space<vmem>> -> memref<1x32x128xf32, #tpu.memory_space<vmem>>
      %dma_wait3A_1568 = tpu.memref_squeeze %dma_wait3A_1567 : memref<1x32x128xf32, #tpu.memory_space<vmem>> -> memref<32x128xf32, #tpu.memory_space<vmem>>
      %dma_wait3A_1569 = arith.constant 0 : i32
      %dma_wait3A_1570 = arith.constant 0 : i32
      %dma_wait3A_1571 = tpu.memref_slice %arg4[%dma_wait3A_1569, %dma_wait3A_1570] : memref<32x1000000xf32, #tpu.memory_space<hbm>> -> memref<32x128xf32, #tpu.memory_space<hbm>>
      tpu.wait_dma2 semaphore(%arg18 : memref<!tpu.dma_semaphore, #tpu.memory_space<semaphore_mem>>) src(%dma_wait3A_1571 : memref<32x128xf32, #tpu.memory_space<hbm>>) dst(%dma_wait3A_1568 : memref<32x128xf32, #tpu.memory_space<vmem>>)
      %dma_wait3A_1572 = arith.constant 0 : i32
      %dma_wait3A_1573 = arith.constant 0 : i32
      %dma_wait3A_1574 = arith.constant 0 : i32
      %dma_wait3A_1575 = tpu.memref_slice %arg10[%dma_wait3A_1572, %dma_wait3A_1573, %dma_wait3A_1574] : memref<4x32x128xf32, #tpu.memory_space<vmem>> -> memref<1x32x128xf32, #tpu.memory_space<vmem>>
      %dma_wait3A_1576 = tpu.memref_squeeze %dma_wait3A_1575 : memref<1x32x128xf32, #tpu.memory_space<vmem>> -> memref<32x128xf32, #tpu.memory_space<vmem>>
      %dma_wait3A_1577 = arith.constant 0 : i32
      %dma_wait3A_1578 = arith.constant 0 : i32
      %dma_wait3A_1579 = tpu.memref_slice %arg4[%dma_wait3A_1577, %dma_wait3A_1578] : memref<32x1000000xf32, #tpu.memory_space<hbm>> -> memref<32x128xf32, #tpu.memory_space<hbm>>
      %dma_wait3A_1580 = arith.constant 0 : i32
      %dma_wait3A_1581 = arith.constant 0 : i32
      %dma_wait3A_1582 = tpu.memref_slice %arg10[%dma_wait3A_1572, %dma_wait3A_1580, %dma_wait3A_1581] : memref<4x32x128xf32, #tpu.memory_space<vmem>> -> memref<1x32x128xf32, #tpu.memory_space<vmem>>
      %dma_wait3A_1583 = tpu.memref_squeeze %dma_wait3A_1582 : memref<1x32x128xf32, #tpu.memory_space<vmem>> -> memref<32x128xf32, #tpu.memory_space<vmem>>
      %dma_wait3A_1584 = arith.constant 0 : i32
      %dma_wait3A_1585 = arith.constant 0 : i32
      %dma_wait3A_1586 = tpu.memref_slice %arg4[%dma_wait3A_1584, %dma_wait3A_1585] : memref<32x1000000xf32, #tpu.memory_space<hbm>> -> memref<32x128xf32, #tpu.memory_space<hbm>>
      tpu.wait_dma2 semaphore(%arg18 : memref<!tpu.dma_semaphore, #tpu.memory_space<semaphore_mem>>) src(%dma_wait3A_1586 : memref<32x128xf32, #tpu.memory_space<hbm>>) dst(%dma_wait3A_1583 : memref<32x128xf32, #tpu.memory_space<vmem>>)
      %mul3A_1587 = arith.constant 4 : i32
      %mul3A_1588 = arith.muli %add3A_1304, %mul3A_1587 : i32
      %get3A_1589 = arith.index_cast %mul3A_1588 : i32 to index
      %get3A_1590 = tpu.vector_load %arg7[%get3A_1589] {strides = array<i32>} : memref<528xi32, #tpu.memory_space<vmem>>, vector<16xi32>,
      %mul3A_1591 = arith.constant 4 : i32
      %mul3A_1592 = arith.muli %add3A_1304, %mul3A_1591 : i32
      %get3A_1593 = arith.index_cast %mul3A_1592 : i32 to index
      %get3A_1594 = tpu.vector_load %arg8[%get3A_1593] {strides = array<i32>} : memref<528xi32, #tpu.memory_space<vmem>>, vector<16xi32>,
      %broadcast_in_dim3A_1595 = arith.constant 0 : i32
      %broadcast_in_dim3A_1596 = vector.broadcast %broadcast_in_dim3A_1595 : i32 to vector<16xi32>
      %eq3A_1597 = arith.constant 0 : i32
      %eq3A_1598 = vector.broadcast %eq3A_1597 : i32 to vector<16xi32>
      %eq3A_1599 = arith.cmpi eq, %select_n3A, %eq3A_1598 : vector<16xi32>
      %slice3A_1600 = vector.extract_strided_slice %get3A_1590 {offsets = [0], sizes = [1], strides = [1]} : vector<16xi32> to vector<1xi32>
      %squeeze3A_1601 = vector.extract %slice3A_1600[0] : i32 from vector<1xi32>
      %and3A_1602 = arith.constant 127 : i32
      %and3A_1603 = arith.andi %squeeze3A_1601, %and3A_1602 : i32
      %broadcast_in_dim3A_1604 = vector.broadcast %and3A_1603 : i32 to vector<16xi32>
      %select_n3A_1605 = arith.select %eq3A_1599, %broadcast_in_dim3A_1604, %broadcast_in_dim3A_1596 : vector<16xi1>, vector<16xi32>
      %eq3A_1606 = arith.constant 1 : i32
      %eq3A_1607 = vector.broadcast %eq3A_1606 : i32 to vector<16xi32>
      %eq3A_1608 = arith.cmpi eq, %select_n3A, %eq3A_1607 : vector<16xi32>
      %slice3A_1609 = vector.extract_strided_slice %get3A_1590 {offsets = [1], sizes = [1], strides = [1]} : vector<16xi32> to vector<1xi32>
      %squeeze3A_1610 = vector.extract %slice3A_1609[0] : i32 from vector<1xi32>
      %and3A_1611 = arith.constant 127 : i32
      %and3A_1612 = arith.andi %squeeze3A_1610, %and3A_1611 : i32
      %broadcast_in_dim3A_1613 = vector.broadcast %and3A_1612 : i32 to vector<16xi32>
      %select_n3A_1614 = arith.select %eq3A_1608, %broadcast_in_dim3A_1613, %select_n3A_1605 : vector<16xi1>, vector<16xi32>
      %eq3A_1615 = arith.constant 2 : i32
      %eq3A_1616 = vector.broadcast %eq3A_1615 : i32 to vector<16xi32>
      %eq3A_1617 = arith.cmpi eq, %select_n3A, %eq3A_1616 : vector<16xi32>
      %slice3A_1618 = vector.extract_strided_slice %get3A_1590 {offsets = [2], sizes = [1], strides = [1]} : vector<16xi32> to vector<1xi32>
      %squeeze3A_1619 = vector.extract %slice3A_1618[0] : i32 from vector<1xi32>
      %and3A_1620 = arith.constant 127 : i32
      %and3A_1621 = arith.andi %squeeze3A_1619, %and3A_1620 : i32
      %broadcast_in_dim3A_1622 = vector.broadcast %and3A_1621 : i32 to vector<16xi32>
      %select_n3A_1623 = arith.select %eq3A_1617, %broadcast_in_dim3A_1622, %select_n3A_1614 : vector<16xi1>, vector<16xi32>
      %eq3A_1624 = arith.constant 3 : i32
      %eq3A_1625 = vector.broadcast %eq3A_1624 : i32 to vector<16xi32>
      %eq3A_1626 = arith.cmpi eq, %select_n3A, %eq3A_1625 : vector<16xi32>
      %slice3A_1627 = vector.extract_strided_slice %get3A_1590 {offsets = [3], sizes = [1], strides = [1]} : vector<16xi32> to vector<1xi32>
      %squeeze3A_1628 = vector.extract %slice3A_1627[0] : i32 from vector<1xi32>
      %and3A_1629 = arith.constant 127 : i32
      %and3A_1630 = arith.andi %squeeze3A_1628, %and3A_1629 : i32
      %broadcast_in_dim3A_1631 = vector.broadcast %and3A_1630 : i32 to vector<16xi32>
      %select_n3A_1632 = arith.select %eq3A_1626, %broadcast_in_dim3A_1631, %select_n3A_1623 : vector<16xi1>, vector<16xi32>
      %broadcast_in_dim3A_1633 = arith.constant 0 : i32
      %broadcast_in_dim3A_1634 = vector.broadcast %broadcast_in_dim3A_1633 : i32 to vector<16xi32>
      %eq3A_1635 = arith.constant 0 : i32
      %eq3A_1636 = vector.broadcast %eq3A_1635 : i32 to vector<16xi32>
      %eq3A_1637 = arith.cmpi eq, %select_n3A, %eq3A_1636 : vector<16xi32>
      %slice3A_1638 = vector.extract_strided_slice %get3A_1594 {offsets = [0], sizes = [1], strides = [1]} : vector<16xi32> to vector<1xi32>
      %squeeze3A_1639 = vector.extract %slice3A_1638[0] : i32 from vector<1xi32>
      %and3A_1640 = arith.constant 127 : i32
      %and3A_1641 = arith.andi %squeeze3A_1639, %and3A_1640 : i32
      %broadcast_in_dim3A_1642 = vector.broadcast %and3A_1641 : i32 to vector<16xi32>
      %select_n3A_1643 = arith.select %eq3A_1637, %broadcast_in_dim3A_1642, %broadcast_in_dim3A_1634 : vector<16xi1>, vector<16xi32>
      %eq3A_1644 = arith.constant 1 : i32
      %eq3A_1645 = vector.broadcast %eq3A_1644 : i32 to vector<16xi32>
      %eq3A_1646 = arith.cmpi eq, %select_n3A, %eq3A_1645 : vector<16xi32>
      %slice3A_1647 = vector.extract_strided_slice %get3A_1594 {offsets = [1], sizes = [1], strides = [1]} : vector<16xi32> to vector<1xi32>
      %squeeze3A_1648 = vector.extract %slice3A_1647[0] : i32 from vector<1xi32>
      %and3A_1649 = arith.constant 127 : i32
      %and3A_1650 = arith.andi %squeeze3A_1648, %and3A_1649 : i32
      %broadcast_in_dim3A_1651 = vector.broadcast %and3A_1650 : i32 to vector<16xi32>
      %select_n3A_1652 = arith.select %eq3A_1646, %broadcast_in_dim3A_1651, %select_n3A_1643 : vector<16xi1>, vector<16xi32>
      %eq3A_1653 = arith.constant 2 : i32
      %eq3A_1654 = vector.broadcast %eq3A_1653 : i32 to vector<16xi32>
      %eq3A_1655 = arith.cmpi eq, %select_n3A, %eq3A_1654 : vector<16xi32>
      %slice3A_1656 = vector.extract_strided_slice %get3A_1594 {offsets = [2], sizes = [1], strides = [1]} : vector<16xi32> to vector<1xi32>
      %squeeze3A_1657 = vector.extract %slice3A_1656[0] : i32 from vector<1xi32>
      %and3A_1658 = arith.constant 127 : i32
      %and3A_1659 = arith.andi %squeeze3A_1657, %and3A_1658 : i32
      %broadcast_in_dim3A_1660 = vector.broadcast %and3A_1659 : i32 to vector<16xi32>
      %select_n3A_1661 = arith.select %eq3A_1655, %broadcast_in_dim3A_1660, %select_n3A_1652 : vector<16xi1>, vector<16xi32>
      %eq3A_1662 = arith.constant 3 : i32
      %eq3A_1663 = vector.broadcast %eq3A_1662 : i32 to vector<16xi32>
      %eq3A_1664 = arith.cmpi eq, %select_n3A, %eq3A_1663 : vector<16xi32>
      %slice3A_1665 = vector.extract_strided_slice %get3A_1594 {offsets = [3], sizes = [1], strides = [1]} : vector<16xi32> to vector<1xi32>
      %squeeze3A_1666 = vector.extract %slice3A_1665[0] : i32 from vector<1xi32>
      %and3A_1667 = arith.constant 127 : i32
      %and3A_1668 = arith.andi %squeeze3A_1666, %and3A_1667 : i32
      %broadcast_in_dim3A_1669 = vector.broadcast %and3A_1668 : i32 to vector<16xi32>
      %select_n3A_1670 = arith.select %eq3A_1664, %broadcast_in_dim3A_1669, %select_n3A_1661 : vector<16xi1>, vector<16xi32>
      %broadcast_in_dim3A_1671 = arith.constant 0.000000e+00 : f32
      %broadcast_in_dim3A_1672 = vector.broadcast %broadcast_in_dim3A_1671 : f32 to vector<16xf32>
      %add3A_1673 = arith.constant 0 : i32
      %add3A_1674 = vector.broadcast %add3A_1673 : i32 to vector<16xi32>
      %add3A_1675 = arith.addi %sub3A_29, %add3A_1674 : vector<16xi32>
      %gather3A_1676 = tpu.vector_load_idx %arg10[%select_n3A, %add3A_1675, %select_n3A_1632] : memref<4x32x128xf32, #tpu.memory_space<vmem>>[vector<16xi32>, vector<16xi32>, vector<16xi32>], vector<16xf32>,
      %gather3A_1677 = tpu.vector_load_idx %arg13[%select_n3A, %add3A_1675, %select_n3A_1670] : memref<4x32x128xf32, #tpu.memory_space<vmem>>[vector<16xi32>, vector<16xi32>, vector<16xi32>], vector<16xf32>,
      %mul3A_1678 = arith.mulf %gather3A_1676, %gather3A_1677 : vector<16xf32>
      %add3A_1679 = arith.addf %broadcast_in_dim3A_1672, %mul3A_1678 : vector<16xf32>
      %add3A_1680 = arith.constant 4 : i32
      %add3A_1681 = vector.broadcast %add3A_1680 : i32 to vector<16xi32>
      %add3A_1682 = arith.addi %sub3A_29, %add3A_1681 : vector<16xi32>
      %gather3A_1683 = tpu.vector_load_idx %arg10[%select_n3A, %add3A_1682, %select_n3A_1632] : memref<4x32x128xf32, #tpu.memory_space<vmem>>[vector<16xi32>, vector<16xi32>, vector<16xi32>], vector<16xf32>,
      %gather3A_1684 = tpu.vector_load_idx %arg13[%select_n3A, %add3A_1682, %select_n3A_1670] : memref<4x32x128xf32, #tpu.memory_space<vmem>>[vector<16xi32>, vector<16xi32>, vector<16xi32>], vector<16xf32>,
      %mul3A_1685 = arith.mulf %gather3A_1683, %gather3A_1684 : vector<16xf32>
      %add3A_1686 = arith.addf %add3A_1679, %mul3A_1685 : vector<16xf32>
      %add3A_1687 = arith.constant 8 : i32
      %add3A_1688 = vector.broadcast %add3A_1687 : i32 to vector<16xi32>
      %add3A_1689 = arith.addi %sub3A_29, %add3A_1688 : vector<16xi32>
      %gather3A_1690 = tpu.vector_load_idx %arg10[%select_n3A, %add3A_1689, %select_n3A_1632] : memref<4x32x128xf32, #tpu.memory_space<vmem>>[vector<16xi32>, vector<16xi32>, vector<16xi32>], vector<16xf32>,
      %gather3A_1691 = tpu.vector_load_idx %arg13[%select_n3A, %add3A_1689, %select_n3A_1670] : memref<4x32x128xf32, #tpu.memory_space<vmem>>[vector<16xi32>, vector<16xi32>, vector<16xi32>], vector<16xf32>,
      %mul3A_1692 = arith.mulf %gather3A_1690, %gather3A_1691 : vector<16xf32>
      %add3A_1693 = arith.addf %add3A_1686, %mul3A_1692 : vector<16xf32>
      %add3A_1694 = arith.constant 12 : i32
      %add3A_1695 = vector.broadcast %add3A_1694 : i32 to vector<16xi32>
      %add3A_1696 = arith.addi %sub3A_29, %add3A_1695 : vector<16xi32>
      %gather3A_1697 = tpu.vector_load_idx %arg10[%select_n3A, %add3A_1696, %select_n3A_1632] : memref<4x32x128xf32, #tpu.memory_space<vmem>>[vector<16xi32>, vector<16xi32>, vector<16xi32>], vector<16xf32>,
      %gather3A_1698 = tpu.vector_load_idx %arg13[%select_n3A, %add3A_1696, %select_n3A_1670] : memref<4x32x128xf32, #tpu.memory_space<vmem>>[vector<16xi32>, vector<16xi32>, vector<16xi32>], vector<16xf32>,
      %mul3A_1699 = arith.mulf %gather3A_1697, %gather3A_1698 : vector<16xf32>
      %add3A_1700 = arith.addf %add3A_1693, %mul3A_1699 : vector<16xf32>
      %add3A_1701 = arith.constant 16 : i32
      %add3A_1702 = vector.broadcast %add3A_1701 : i32 to vector<16xi32>
      %add3A_1703 = arith.addi %sub3A_29, %add3A_1702 : vector<16xi32>
      %gather3A_1704 = tpu.vector_load_idx %arg10[%select_n3A, %add3A_1703, %select_n3A_1632] : memref<4x32x128xf32, #tpu.memory_space<vmem>>[vector<16xi32>, vector<16xi32>, vector<16xi32>], vector<16xf32>,
      %gather3A_1705 = tpu.vector_load_idx %arg13[%select_n3A, %add3A_1703, %select_n3A_1670] : memref<4x32x128xf32, #tpu.memory_space<vmem>>[vector<16xi32>, vector<16xi32>, vector<16xi32>], vector<16xf32>,
      %mul3A_1706 = arith.mulf %gather3A_1704, %gather3A_1705 : vector<16xf32>
      %add3A_1707 = arith.addf %add3A_1700, %mul3A_1706 : vector<16xf32>
      %add3A_1708 = arith.constant 20 : i32
      %add3A_1709 = vector.broadcast %add3A_1708 : i32 to vector<16xi32>
      %add3A_1710 = arith.addi %sub3A_29, %add3A_1709 : vector<16xi32>
      %gather3A_1711 = tpu.vector_load_idx %arg10[%select_n3A, %add3A_1710, %select_n3A_1632] : memref<4x32x128xf32, #tpu.memory_space<vmem>>[vector<16xi32>, vector<16xi32>, vector<16xi32>], vector<16xf32>,
      %gather3A_1712 = tpu.vector_load_idx %arg13[%select_n3A, %add3A_1710, %select_n3A_1670] : memref<4x32x128xf32, #tpu.memory_space<vmem>>[vector<16xi32>, vector<16xi32>, vector<16xi32>], vector<16xf32>,
      %mul3A_1713 = arith.mulf %gather3A_1711, %gather3A_1712 : vector<16xf32>
      %add3A_1714 = arith.addf %add3A_1707, %mul3A_1713 : vector<16xf32>
      %add3A_1715 = arith.constant 24 : i32
      %add3A_1716 = vector.broadcast %add3A_1715 : i32 to vector<16xi32>
      %add3A_1717 = arith.addi %sub3A_29, %add3A_1716 : vector<16xi32>
      %gather3A_1718 = tpu.vector_load_idx %arg10[%select_n3A, %add3A_1717, %select_n3A_1632] : memref<4x32x128xf32, #tpu.memory_space<vmem>>[vector<16xi32>, vector<16xi32>, vector<16xi32>], vector<16xf32>,
      %gather3A_1719 = tpu.vector_load_idx %arg13[%select_n3A, %add3A_1717, %select_n3A_1670] : memref<4x32x128xf32, #tpu.memory_space<vmem>>[vector<16xi32>, vector<16xi32>, vector<16xi32>], vector<16xf32>,
      %mul3A_1720 = arith.mulf %gather3A_1718, %gather3A_1719 : vector<16xf32>
      %add3A_1721 = arith.addf %add3A_1714, %mul3A_1720 : vector<16xf32>
      %add3A_1722 = arith.constant 28 : i32
      %add3A_1723 = vector.broadcast %add3A_1722 : i32 to vector<16xi32>
      %add3A_1724 = arith.addi %sub3A_29, %add3A_1723 : vector<16xi32>
      %gather3A_1725 = tpu.vector_load_idx %arg10[%select_n3A, %add3A_1724, %select_n3A_1632] : memref<4x32x128xf32, #tpu.memory_space<vmem>>[vector<16xi32>, vector<16xi32>, vector<16xi32>], vector<16xf32>,
      %gather3A_1726 = tpu.vector_load_idx %arg13[%select_n3A, %add3A_1724, %select_n3A_1670] : memref<4x32x128xf32, #tpu.memory_space<vmem>>[vector<16xi32>, vector<16xi32>, vector<16xi32>], vector<16xf32>,
      %mul3A_1727 = arith.mulf %gather3A_1725, %gather3A_1726 : vector<16xf32>
      %add3A_1728 = arith.addf %add3A_1721, %mul3A_1727 : vector<16xf32>
      %mul3A_1729 = arith.constant 16 : i32
      %mul3A_1730 = arith.muli %add3A_1304, %mul3A_1729 : i32
      %swap3A_1731 = arith.index_cast %mul3A_1730 : i32 to index
      %swap3A_1732 = tpu.vector_load %arg15[%swap3A_1731] {strides = array<i32>} : memref<2048xf32, #tpu.memory_space<vmem>>, vector<16xf32>,
      tpu.vector_store %arg15[%swap3A_1731], %add3A_1728 {strides = array<i32>} : memref<2048xf32, #tpu.memory_space<vmem>>, vector<16xf32>,
      %add3A_1733 = arith.constant 2 : i32
      %add3A_1734 = arith.addi %add3A_872, %add3A_1733 : i32
      %add3A_1735 = arith.constant 2 : i32
      %add3A_1736 = arith.addi %add3A_1734, %add3A_1735 : i32
      %mul3A_1737 = arith.constant 4 : i32
      %mul3A_1738 = arith.muli %add3A_1736, %mul3A_1737 : i32
      %get3A_1739 = arith.index_cast %mul3A_1738 : i32 to index
      %get3A_1740 = tpu.vector_load %arg7[%get3A_1739] {strides = array<i32>} : memref<528xi32, #tpu.memory_space<vmem>>, vector<16xi32>,
      %mul3A_1741 = arith.constant 4 : i32
      %mul3A_1742 = arith.muli %add3A_1736, %mul3A_1741 : i32
      %get3A_1743 = arith.index_cast %mul3A_1742 : i32 to index
      %get3A_1744 = tpu.vector_load %arg8[%get3A_1743] {strides = array<i32>} : memref<528xi32, #tpu.memory_space<vmem>>, vector<16xi32>,
      %slice3A_1745 = vector.extract_strided_slice %get3A_1740 {offsets = [0], sizes = [1], strides = [1]} : vector<16xi32> to vector<1xi32>
      %squeeze3A_1746 = vector.extract %slice3A_1745[0] : i32 from vector<1xi32>
      %slice3A_1747 = vector.extract_strided_slice %get3A_1744 {offsets = [0], sizes = [1], strides = [1]} : vector<16xi32> to vector<1xi32>
      %squeeze3A_1748 = vector.extract %slice3A_1747[0] : i32 from vector<1xi32>
      %shift_right_arithmetic3A_1749 = arith.constant 7 : i32
      %shift_right_arithmetic3A_1750 = arith.shrsi %squeeze3A_1746, %shift_right_arithmetic3A_1749 : i32
      %mul3A_1751 = arith.constant 128 : i32
      %mul3A_1752 = arith.muli %shift_right_arithmetic3A_1750, %mul3A_1751 : i32
      %dma_start3A_1753 = arith.constant 0 : i32
      %dma_start3A_1754 = arith.constant 0 : i32
      %dma_start3A_1755 = arith.constant 0 : i32
      %dma_start3A_1756 = tpu.memref_slice %arg10[%dma_start3A_1753, %dma_start3A_1754, %dma_start3A_1755] : memref<4x32x128xf32, #tpu.memory_space<vmem>> -> memref<1x32x128xf32, #tpu.memory_space<vmem>>
      %dma_start3A_1757 = tpu.memref_squeeze %dma_start3A_1756 : memref<1x32x128xf32, #tpu.memory_space<vmem>> -> memref<32x128xf32, #tpu.memory_space<vmem>>
      %dma_start3A_1758 = arith.constant 0 : i32
      %dma_start3A_1759 = tpu.memref_slice %arg4[%dma_start3A_1758, %mul3A_1752] : memref<32x1000000xf32, #tpu.memory_space<hbm>> -> memref<32x128xf32, #tpu.memory_space<hbm>>
      %dma_start3A_1760 = arith.constant 0 : i32
      %dma_start3A_1761 = arith.constant 0 : i32
      %dma_start3A_1762 = tpu.memref_slice %arg10[%dma_start3A_1753, %dma_start3A_1760, %dma_start3A_1761] : memref<4x32x128xf32, #tpu.memory_space<vmem>> -> memref<1x32x128xf32, #tpu.memory_space<vmem>>
      %dma_start3A_1763 = tpu.memref_squeeze %dma_start3A_1762 : memref<1x32x128xf32, #tpu.memory_space<vmem>> -> memref<32x128xf32, #tpu.memory_space<vmem>>
      %dma_start3A_1764 = arith.constant 0 : i32
      %dma_start3A_1765 = tpu.memref_slice %arg4[%dma_start3A_1764, %mul3A_1752] : memref<32x1000000xf32, #tpu.memory_space<hbm>> -> memref<32x128xf32, #tpu.memory_space<hbm>>
      tpu.enqueue_dma source(%dma_start3A_1765 : memref<32x128xf32, #tpu.memory_space<hbm>>) target(%dma_start3A_1763 : memref<32x128xf32, #tpu.memory_space<vmem>>) target_semaphore(%arg18 : memref<!tpu.dma_semaphore, #tpu.memory_space<semaphore_mem>>)
      %shift_right_arithmetic3A_1766 = arith.constant 7 : i32
      %shift_right_arithmetic3A_1767 = arith.shrsi %squeeze3A_1748, %shift_right_arithmetic3A_1766 : i32
      %mul3A_1768 = arith.constant 128 : i32
      %mul3A_1769 = arith.muli %shift_right_arithmetic3A_1767, %mul3A_1768 : i32
      %dma_start3A_1770 = arith.constant 0 : i32
      %dma_start3A_1771 = arith.constant 0 : i32
      %dma_start3A_1772 = arith.constant 0 : i32
      %dma_start3A_1773 = tpu.memref_slice %arg13[%dma_start3A_1770, %dma_start3A_1771, %dma_start3A_1772] : memref<4x32x128xf32, #tpu.memory_space<vmem>> -> memref<1x32x128xf32, #tpu.memory_space<vmem>>
      %dma_start3A_1774 = tpu.memref_squeeze %dma_start3A_1773 : memref<1x32x128xf32, #tpu.memory_space<vmem>> -> memref<32x128xf32, #tpu.memory_space<vmem>>
      %dma_start3A_1775 = arith.constant 0 : i32
      %dma_start3A_1776 = tpu.memref_slice %arg5[%dma_start3A_1775, %mul3A_1769] : memref<32x1000000xf32, #tpu.memory_space<hbm>> -> memref<32x128xf32, #tpu.memory_space<hbm>>
      %dma_start3A_1777 = arith.constant 0 : i32
      %dma_start3A_1778 = arith.constant 0 : i32
      %dma_start3A_1779 = tpu.memref_slice %arg13[%dma_start3A_1770, %dma_start3A_1777, %dma_start3A_1778] : memref<4x32x128xf32, #tpu.memory_space<vmem>> -> memref<1x32x128xf32, #tpu.memory_space<vmem>>
      %dma_start3A_1780 = tpu.memref_squeeze %dma_start3A_1779 : memref<1x32x128xf32, #tpu.memory_space<vmem>> -> memref<32x128xf32, #tpu.memory_space<vmem>>
      %dma_start3A_1781 = arith.constant 0 : i32
      %dma_start3A_1782 = tpu.memref_slice %arg5[%dma_start3A_1781, %mul3A_1769] : memref<32x1000000xf32, #tpu.memory_space<hbm>> -> memref<32x128xf32, #tpu.memory_space<hbm>>
      tpu.enqueue_dma source(%dma_start3A_1782 : memref<32x128xf32, #tpu.memory_space<hbm>>) target(%dma_start3A_1780 : memref<32x128xf32, #tpu.memory_space<vmem>>) target_semaphore(%arg18 : memref<!tpu.dma_semaphore, #tpu.memory_space<semaphore_mem>>)
      %slice3A_1783 = vector.extract_strided_slice %get3A_1740 {offsets = [1], sizes = [1], strides = [1]} : vector<16xi32> to vector<1xi32>
      %squeeze3A_1784 = vector.extract %slice3A_1783[0] : i32 from vector<1xi32>
      %slice3A_1785 = vector.extract_strided_slice %get3A_1744 {offsets = [1], sizes = [1], strides = [1]} : vector<16xi32> to vector<1xi32>
      %squeeze3A_1786 = vector.extract %slice3A_1785[0] : i32 from vector<1xi32>
      %shift_right_arithmetic3A_1787 = arith.constant 7 : i32
      %shift_right_arithmetic3A_1788 = arith.shrsi %squeeze3A_1784, %shift_right_arithmetic3A_1787 : i32
      %mul3A_1789 = arith.constant 128 : i32
      %mul3A_1790 = arith.muli %shift_right_arithmetic3A_1788, %mul3A_1789 : i32
      %dma_start3A_1791 = arith.constant 1 : i32
      %dma_start3A_1792 = arith.constant 0 : i32
      %dma_start3A_1793 = arith.constant 0 : i32
      %dma_start3A_1794 = tpu.memref_slice %arg10[%dma_start3A_1791, %dma_start3A_1792, %dma_start3A_1793] : memref<4x32x128xf32, #tpu.memory_space<vmem>> -> memref<1x32x128xf32, #tpu.memory_space<vmem>>
      %dma_start3A_1795 = tpu.memref_squeeze %dma_start3A_1794 : memref<1x32x128xf32, #tpu.memory_space<vmem>> -> memref<32x128xf32, #tpu.memory_space<vmem>>
      %dma_start3A_1796 = arith.constant 0 : i32
      %dma_start3A_1797 = tpu.memref_slice %arg4[%dma_start3A_1796, %mul3A_1790] : memref<32x1000000xf32, #tpu.memory_space<hbm>> -> memref<32x128xf32, #tpu.memory_space<hbm>>
      %dma_start3A_1798 = arith.constant 0 : i32
      %dma_start3A_1799 = arith.constant 0 : i32
      %dma_start3A_1800 = tpu.memref_slice %arg10[%dma_start3A_1791, %dma_start3A_1798, %dma_start3A_1799] : memref<4x32x128xf32, #tpu.memory_space<vmem>> -> memref<1x32x128xf32, #tpu.memory_space<vmem>>
      %dma_start3A_1801 = tpu.memref_squeeze %dma_start3A_1800 : memref<1x32x128xf32, #tpu.memory_space<vmem>> -> memref<32x128xf32, #tpu.memory_space<vmem>>
      %dma_start3A_1802 = arith.constant 0 : i32
      %dma_start3A_1803 = tpu.memref_slice %arg4[%dma_start3A_1802, %mul3A_1790] : memref<32x1000000xf32, #tpu.memory_space<hbm>> -> memref<32x128xf32, #tpu.memory_space<hbm>>
      tpu.enqueue_dma source(%dma_start3A_1803 : memref<32x128xf32, #tpu.memory_space<hbm>>) target(%dma_start3A_1801 : memref<32x128xf32, #tpu.memory_space<vmem>>) target_semaphore(%arg18 : memref<!tpu.dma_semaphore, #tpu.memory_space<semaphore_mem>>)
      %shift_right_arithmetic3A_1804 = arith.constant 7 : i32
      %shift_right_arithmetic3A_1805 = arith.shrsi %squeeze3A_1786, %shift_right_arithmetic3A_1804 : i32
      %mul3A_1806 = arith.constant 128 : i32
      %mul3A_1807 = arith.muli %shift_right_arithmetic3A_1805, %mul3A_1806 : i32
      %dma_start3A_1808 = arith.constant 1 : i32
      %dma_start3A_1809 = arith.constant 0 : i32
      %dma_start3A_1810 = arith.constant 0 : i32
      %dma_start3A_1811 = tpu.memref_slice %arg13[%dma_start3A_1808, %dma_start3A_1809, %dma_start3A_1810] : memref<4x32x128xf32, #tpu.memory_space<vmem>> -> memref<1x32x128xf32, #tpu.memory_space<vmem>>
      %dma_start3A_1812 = tpu.memref_squeeze %dma_start3A_1811 : memref<1x32x128xf32, #tpu.memory_space<vmem>> -> memref<32x128xf32, #tpu.memory_space<vmem>>
      %dma_start3A_1813 = arith.constant 0 : i32
      %dma_start3A_1814 = tpu.memref_slice %arg5[%dma_start3A_1813, %mul3A_1807] : memref<32x1000000xf32, #tpu.memory_space<hbm>> -> memref<32x128xf32, #tpu.memory_space<hbm>>
      %dma_start3A_1815 = arith.constant 0 : i32
      %dma_start3A_1816 = arith.constant 0 : i32
      %dma_start3A_1817 = tpu.memref_slice %arg13[%dma_start3A_1808, %dma_start3A_1815, %dma_start3A_1816] : memref<4x32x128xf32, #tpu.memory_space<vmem>> -> memref<1x32x128xf32, #tpu.memory_space<vmem>>
      %dma_start3A_1818 = tpu.memref_squeeze %dma_start3A_1817 : memref<1x32x128xf32, #tpu.memory_space<vmem>> -> memref<32x128xf32, #tpu.memory_space<vmem>>
      %dma_start3A_1819 = arith.constant 0 : i32
      %dma_start3A_1820 = tpu.memref_slice %arg5[%dma_start3A_1819, %mul3A_1807] : memref<32x1000000xf32, #tpu.memory_space<hbm>> -> memref<32x128xf32, #tpu.memory_space<hbm>>
      tpu.enqueue_dma source(%dma_start3A_1820 : memref<32x128xf32, #tpu.memory_space<hbm>>) target(%dma_start3A_1818 : memref<32x128xf32, #tpu.memory_space<vmem>>) target_semaphore(%arg18 : memref<!tpu.dma_semaphore, #tpu.memory_space<semaphore_mem>>)
      %slice3A_1821 = vector.extract_strided_slice %get3A_1740 {offsets = [2], sizes = [1], strides = [1]} : vector<16xi32> to vector<1xi32>
      %squeeze3A_1822 = vector.extract %slice3A_1821[0] : i32 from vector<1xi32>
      %slice3A_1823 = vector.extract_strided_slice %get3A_1744 {offsets = [2], sizes = [1], strides = [1]} : vector<16xi32> to vector<1xi32>
      %squeeze3A_1824 = vector.extract %slice3A_1823[0] : i32 from vector<1xi32>
      %shift_right_arithmetic3A_1825 = arith.constant 7 : i32
      %shift_right_arithmetic3A_1826 = arith.shrsi %squeeze3A_1822, %shift_right_arithmetic3A_1825 : i32
      %mul3A_1827 = arith.constant 128 : i32
      %mul3A_1828 = arith.muli %shift_right_arithmetic3A_1826, %mul3A_1827 : i32
      %dma_start3A_1829 = arith.constant 2 : i32
      %dma_start3A_1830 = arith.constant 0 : i32
      %dma_start3A_1831 = arith.constant 0 : i32
      %dma_start3A_1832 = tpu.memref_slice %arg10[%dma_start3A_1829, %dma_start3A_1830, %dma_start3A_1831] : memref<4x32x128xf32, #tpu.memory_space<vmem>> -> memref<1x32x128xf32, #tpu.memory_space<vmem>>
      %dma_start3A_1833 = tpu.memref_squeeze %dma_start3A_1832 : memref<1x32x128xf32, #tpu.memory_space<vmem>> -> memref<32x128xf32, #tpu.memory_space<vmem>>
      %dma_start3A_1834 = arith.constant 0 : i32
      %dma_start3A_1835 = tpu.memref_slice %arg4[%dma_start3A_1834, %mul3A_1828] : memref<32x1000000xf32, #tpu.memory_space<hbm>> -> memref<32x128xf32, #tpu.memory_space<hbm>>
      %dma_start3A_1836 = arith.constant 0 : i32
      %dma_start3A_1837 = arith.constant 0 : i32
      %dma_start3A_1838 = tpu.memref_slice %arg10[%dma_start3A_1829, %dma_start3A_1836, %dma_start3A_1837] : memref<4x32x128xf32, #tpu.memory_space<vmem>> -> memref<1x32x128xf32, #tpu.memory_space<vmem>>
      %dma_start3A_1839 = tpu.memref_squeeze %dma_start3A_1838 : memref<1x32x128xf32, #tpu.memory_space<vmem>> -> memref<32x128xf32, #tpu.memory_space<vmem>>
      %dma_start3A_1840 = arith.constant 0 : i32
      %dma_start3A_1841 = tpu.memref_slice %arg4[%dma_start3A_1840, %mul3A_1828] : memref<32x1000000xf32, #tpu.memory_space<hbm>> -> memref<32x128xf32, #tpu.memory_space<hbm>>
      tpu.enqueue_dma source(%dma_start3A_1841 : memref<32x128xf32, #tpu.memory_space<hbm>>) target(%dma_start3A_1839 : memref<32x128xf32, #tpu.memory_space<vmem>>) target_semaphore(%arg18 : memref<!tpu.dma_semaphore, #tpu.memory_space<semaphore_mem>>)
      %shift_right_arithmetic3A_1842 = arith.constant 7 : i32
      %shift_right_arithmetic3A_1843 = arith.shrsi %squeeze3A_1824, %shift_right_arithmetic3A_1842 : i32
      %mul3A_1844 = arith.constant 128 : i32
      %mul3A_1845 = arith.muli %shift_right_arithmetic3A_1843, %mul3A_1844 : i32
      %dma_start3A_1846 = arith.constant 2 : i32
      %dma_start3A_1847 = arith.constant 0 : i32
      %dma_start3A_1848 = arith.constant 0 : i32
      %dma_start3A_1849 = tpu.memref_slice %arg13[%dma_start3A_1846, %dma_start3A_1847, %dma_start3A_1848] : memref<4x32x128xf32, #tpu.memory_space<vmem>> -> memref<1x32x128xf32, #tpu.memory_space<vmem>>
      %dma_start3A_1850 = tpu.memref_squeeze %dma_start3A_1849 : memref<1x32x128xf32, #tpu.memory_space<vmem>> -> memref<32x128xf32, #tpu.memory_space<vmem>>
      %dma_start3A_1851 = arith.constant 0 : i32
      %dma_start3A_1852 = tpu.memref_slice %arg5[%dma_start3A_1851, %mul3A_1845] : memref<32x1000000xf32, #tpu.memory_space<hbm>> -> memref<32x128xf32, #tpu.memory_space<hbm>>
      %dma_start3A_1853 = arith.constant 0 : i32
      %dma_start3A_1854 = arith.constant 0 : i32
      %dma_start3A_1855 = tpu.memref_slice %arg13[%dma_start3A_1846, %dma_start3A_1853, %dma_start3A_1854] : memref<4x32x128xf32, #tpu.memory_space<vmem>> -> memref<1x32x128xf32, #tpu.memory_space<vmem>>
      %dma_start3A_1856 = tpu.memref_squeeze %dma_start3A_1855 : memref<1x32x128xf32, #tpu.memory_space<vmem>> -> memref<32x128xf32, #tpu.memory_space<vmem>>
      %dma_start3A_1857 = arith.constant 0 : i32
      %dma_start3A_1858 = tpu.memref_slice %arg5[%dma_start3A_1857, %mul3A_1845] : memref<32x1000000xf32, #tpu.memory_space<hbm>> -> memref<32x128xf32, #tpu.memory_space<hbm>>
      tpu.enqueue_dma source(%dma_start3A_1858 : memref<32x128xf32, #tpu.memory_space<hbm>>) target(%dma_start3A_1856 : memref<32x128xf32, #tpu.memory_space<vmem>>) target_semaphore(%arg18 : memref<!tpu.dma_semaphore, #tpu.memory_space<semaphore_mem>>)
      %slice3A_1859 = vector.extract_strided_slice %get3A_1740 {offsets = [3], sizes = [1], strides = [1]} : vector<16xi32> to vector<1xi32>
      %squeeze3A_1860 = vector.extract %slice3A_1859[0] : i32 from vector<1xi32>
      %slice3A_1861 = vector.extract_strided_slice %get3A_1744 {offsets = [3], sizes = [1], strides = [1]} : vector<16xi32> to vector<1xi32>
      %squeeze3A_1862 = vector.extract %slice3A_1861[0] : i32 from vector<1xi32>
      %shift_right_arithmetic3A_1863 = arith.constant 7 : i32
      %shift_right_arithmetic3A_1864 = arith.shrsi %squeeze3A_1860, %shift_right_arithmetic3A_1863 : i32
      %mul3A_1865 = arith.constant 128 : i32
      %mul3A_1866 = arith.muli %shift_right_arithmetic3A_1864, %mul3A_1865 : i32
      %dma_start3A_1867 = arith.constant 3 : i32
      %dma_start3A_1868 = arith.constant 0 : i32
      %dma_start3A_1869 = arith.constant 0 : i32
      %dma_start3A_1870 = tpu.memref_slice %arg10[%dma_start3A_1867, %dma_start3A_1868, %dma_start3A_1869] : memref<4x32x128xf32, #tpu.memory_space<vmem>> -> memref<1x32x128xf32, #tpu.memory_space<vmem>>
      %dma_start3A_1871 = tpu.memref_squeeze %dma_start3A_1870 : memref<1x32x128xf32, #tpu.memory_space<vmem>> -> memref<32x128xf32, #tpu.memory_space<vmem>>
      %dma_start3A_1872 = arith.constant 0 : i32
      %dma_start3A_1873 = tpu.memref_slice %arg4[%dma_start3A_1872, %mul3A_1866] : memref<32x1000000xf32, #tpu.memory_space<hbm>> -> memref<32x128xf32, #tpu.memory_space<hbm>>
      %dma_start3A_1874 = arith.constant 0 : i32
      %dma_start3A_1875 = arith.constant 0 : i32
      %dma_start3A_1876 = tpu.memref_slice %arg10[%dma_start3A_1867, %dma_start3A_1874, %dma_start3A_1875] : memref<4x32x128xf32, #tpu.memory_space<vmem>> -> memref<1x32x128xf32, #tpu.memory_space<vmem>>
      %dma_start3A_1877 = tpu.memref_squeeze %dma_start3A_1876 : memref<1x32x128xf32, #tpu.memory_space<vmem>> -> memref<32x128xf32, #tpu.memory_space<vmem>>
      %dma_start3A_1878 = arith.constant 0 : i32
      %dma_start3A_1879 = tpu.memref_slice %arg4[%dma_start3A_1878, %mul3A_1866] : memref<32x1000000xf32, #tpu.memory_space<hbm>> -> memref<32x128xf32, #tpu.memory_space<hbm>>
      tpu.enqueue_dma source(%dma_start3A_1879 : memref<32x128xf32, #tpu.memory_space<hbm>>) target(%dma_start3A_1877 : memref<32x128xf32, #tpu.memory_space<vmem>>) target_semaphore(%arg18 : memref<!tpu.dma_semaphore, #tpu.memory_space<semaphore_mem>>)
      %shift_right_arithmetic3A_1880 = arith.constant 7 : i32
      %shift_right_arithmetic3A_1881 = arith.shrsi %squeeze3A_1862, %shift_right_arithmetic3A_1880 : i32
      %mul3A_1882 = arith.constant 128 : i32
      %mul3A_1883 = arith.muli %shift_right_arithmetic3A_1881, %mul3A_1882 : i32
      %dma_start3A_1884 = arith.constant 3 : i32
      %dma_start3A_1885 = arith.constant 0 : i32
      %dma_start3A_1886 = arith.constant 0 : i32
      %dma_start3A_1887 = tpu.memref_slice %arg13[%dma_start3A_1884, %dma_start3A_1885, %dma_start3A_1886] : memref<4x32x128xf32, #tpu.memory_space<vmem>> -> memref<1x32x128xf32, #tpu.memory_space<vmem>>
      %dma_start3A_1888 = tpu.memref_squeeze %dma_start3A_1887 : memref<1x32x128xf32, #tpu.memory_space<vmem>> -> memref<32x128xf32, #tpu.memory_space<vmem>>
      %dma_start3A_1889 = arith.constant 0 : i32
      %dma_start3A_1890 = tpu.memref_slice %arg5[%dma_start3A_1889, %mul3A_1883] : memref<32x1000000xf32, #tpu.memory_space<hbm>> -> memref<32x128xf32, #tpu.memory_space<hbm>>
      %dma_start3A_1891 = arith.constant 0 : i32
      %dma_start3A_1892 = arith.constant 0 : i32
      %dma_start3A_1893 = tpu.memref_slice %arg13[%dma_start3A_1884, %dma_start3A_1891, %dma_start3A_1892] : memref<4x32x128xf32, #tpu.memory_space<vmem>> -> memref<1x32x128xf32, #tpu.memory_space<vmem>>
      %dma_start3A_1894 = tpu.memref_squeeze %dma_start3A_1893 : memref<1x32x128xf32, #tpu.memory_space<vmem>> -> memref<32x128xf32, #tpu.memory_space<vmem>>
      %dma_start3A_1895 = arith.constant 0 : i32
      %dma_start3A_1896 = tpu.memref_slice %arg5[%dma_start3A_1895, %mul3A_1883] : memref<32x1000000xf32, #tpu.memory_space<hbm>> -> memref<32x128xf32, #tpu.memory_space<hbm>>
      tpu.enqueue_dma source(%dma_start3A_1896 : memref<32x128xf32, #tpu.memory_space<hbm>>) target(%dma_start3A_1894 : memref<32x128xf32, #tpu.memory_space<vmem>>) target_semaphore(%arg18 : memref<!tpu.dma_semaphore, #tpu.memory_space<semaphore_mem>>)
      %dma_wait3A_1897 = arith.constant 0 : i32
      %dma_wait3A_1898 = arith.constant 0 : i32
      %dma_wait3A_1899 = arith.constant 0 : i32
      %dma_wait3A_1900 = tpu.memref_slice %arg11[%dma_wait3A_1897, %dma_wait3A_1898, %dma_wait3A_1899] : memref<4x32x128xf32, #tpu.memory_space<vmem>> -> memref<1x32x128xf32, #tpu.memory_space<vmem>>
      %dma_wait3A_1901 = tpu.memref_squeeze %dma_wait3A_1900 : memref<1x32x128xf32, #tpu.memory_space<vmem>> -> memref<32x128xf32, #tpu.memory_space<vmem>>
      %dma_wait3A_1902 = arith.constant 0 : i32
      %dma_wait3A_1903 = arith.constant 0 : i32
      %dma_wait3A_1904 = tpu.memref_slice %arg4[%dma_wait3A_1902, %dma_wait3A_1903] : memref<32x1000000xf32, #tpu.memory_space<hbm>> -> memref<32x128xf32, #tpu.memory_space<hbm>>
      %dma_wait3A_1905 = arith.constant 0 : i32
      %dma_wait3A_1906 = arith.constant 0 : i32
      %dma_wait3A_1907 = tpu.memref_slice %arg11[%dma_wait3A_1897, %dma_wait3A_1905, %dma_wait3A_1906] : memref<4x32x128xf32, #tpu.memory_space<vmem>> -> memref<1x32x128xf32, #tpu.memory_space<vmem>>
      %dma_wait3A_1908 = tpu.memref_squeeze %dma_wait3A_1907 : memref<1x32x128xf32, #tpu.memory_space<vmem>> -> memref<32x128xf32, #tpu.memory_space<vmem>>
      %dma_wait3A_1909 = arith.constant 0 : i32
      %dma_wait3A_1910 = arith.constant 0 : i32
      %dma_wait3A_1911 = tpu.memref_slice %arg4[%dma_wait3A_1909, %dma_wait3A_1910] : memref<32x1000000xf32, #tpu.memory_space<hbm>> -> memref<32x128xf32, #tpu.memory_space<hbm>>
      tpu.wait_dma2 semaphore(%arg19 : memref<!tpu.dma_semaphore, #tpu.memory_space<semaphore_mem>>) src(%dma_wait3A_1911 : memref<32x128xf32, #tpu.memory_space<hbm>>) dst(%dma_wait3A_1908 : memref<32x128xf32, #tpu.memory_space<vmem>>)
      %dma_wait3A_1912 = arith.constant 0 : i32
      %dma_wait3A_1913 = arith.constant 0 : i32
      %dma_wait3A_1914 = arith.constant 0 : i32
      %dma_wait3A_1915 = tpu.memref_slice %arg11[%dma_wait3A_1912, %dma_wait3A_1913, %dma_wait3A_1914] : memref<4x32x128xf32, #tpu.memory_space<vmem>> -> memref<1x32x128xf32, #tpu.memory_space<vmem>>
      %dma_wait3A_1916 = tpu.memref_squeeze %dma_wait3A_1915 : memref<1x32x128xf32, #tpu.memory_space<vmem>> -> memref<32x128xf32, #tpu.memory_space<vmem>>
      %dma_wait3A_1917 = arith.constant 0 : i32
      %dma_wait3A_1918 = arith.constant 0 : i32
      %dma_wait3A_1919 = tpu.memref_slice %arg4[%dma_wait3A_1917, %dma_wait3A_1918] : memref<32x1000000xf32, #tpu.memory_space<hbm>> -> memref<32x128xf32, #tpu.memory_space<hbm>>
      %dma_wait3A_1920 = arith.constant 0 : i32
      %dma_wait3A_1921 = arith.constant 0 : i32
      %dma_wait3A_1922 = tpu.memref_slice %arg11[%dma_wait3A_1912, %dma_wait3A_1920, %dma_wait3A_1921] : memref<4x32x128xf32, #tpu.memory_space<vmem>> -> memref<1x32x128xf32, #tpu.memory_space<vmem>>
      %dma_wait3A_1923 = tpu.memref_squeeze %dma_wait3A_1922 : memref<1x32x128xf32, #tpu.memory_space<vmem>> -> memref<32x128xf32, #tpu.memory_space<vmem>>
      %dma_wait3A_1924 = arith.constant 0 : i32
      %dma_wait3A_1925 = arith.constant 0 : i32
      %dma_wait3A_1926 = tpu.memref_slice %arg4[%dma_wait3A_1924, %dma_wait3A_1925] : memref<32x1000000xf32, #tpu.memory_space<hbm>> -> memref<32x128xf32, #tpu.memory_space<hbm>>
      tpu.wait_dma2 semaphore(%arg19 : memref<!tpu.dma_semaphore, #tpu.memory_space<semaphore_mem>>) src(%dma_wait3A_1926 : memref<32x128xf32, #tpu.memory_space<hbm>>) dst(%dma_wait3A_1923 : memref<32x128xf32, #tpu.memory_space<vmem>>)
      %dma_wait3A_1927 = arith.constant 0 : i32
      %dma_wait3A_1928 = arith.constant 0 : i32
      %dma_wait3A_1929 = arith.constant 0 : i32
      %dma_wait3A_1930 = tpu.memref_slice %arg11[%dma_wait3A_1927, %dma_wait3A_1928, %dma_wait3A_1929] : memref<4x32x128xf32, #tpu.memory_space<vmem>> -> memref<1x32x128xf32, #tpu.memory_space<vmem>>
      %dma_wait3A_1931 = tpu.memref_squeeze %dma_wait3A_1930 : memref<1x32x128xf32, #tpu.memory_space<vmem>> -> memref<32x128xf32, #tpu.memory_space<vmem>>
      %dma_wait3A_1932 = arith.constant 0 : i32
      %dma_wait3A_1933 = arith.constant 0 : i32
      %dma_wait3A_1934 = tpu.memref_slice %arg4[%dma_wait3A_1932, %dma_wait3A_1933] : memref<32x1000000xf32, #tpu.memory_space<hbm>> -> memref<32x128xf32, #tpu.memory_space<hbm>>
      %dma_wait3A_1935 = arith.constant 0 : i32
      %dma_wait3A_1936 = arith.constant 0 : i32
      %dma_wait3A_1937 = tpu.memref_slice %arg11[%dma_wait3A_1927, %dma_wait3A_1935, %dma_wait3A_1936] : memref<4x32x128xf32, #tpu.memory_space<vmem>> -> memref<1x32x128xf32, #tpu.memory_space<vmem>>
      %dma_wait3A_1938 = tpu.memref_squeeze %dma_wait3A_1937 : memref<1x32x128xf32, #tpu.memory_space<vmem>> -> memref<32x128xf32, #tpu.memory_space<vmem>>
      %dma_wait3A_1939 = arith.constant 0 : i32
      %dma_wait3A_1940 = arith.constant 0 : i32
      %dma_wait3A_1941 = tpu.memref_slice %arg4[%dma_wait3A_1939, %dma_wait3A_1940] : memref<32x1000000xf32, #tpu.memory_space<hbm>> -> memref<32x128xf32, #tpu.memory_space<hbm>>
      tpu.wait_dma2 semaphore(%arg19 : memref<!tpu.dma_semaphore, #tpu.memory_space<semaphore_mem>>) src(%dma_wait3A_1941 : memref<32x128xf32, #tpu.memory_space<hbm>>) dst(%dma_wait3A_1938 : memref<32x128xf32, #tpu.memory_space<vmem>>)
      %dma_wait3A_1942 = arith.constant 0 : i32
      %dma_wait3A_1943 = arith.constant 0 : i32
      %dma_wait3A_1944 = arith.constant 0 : i32
      %dma_wait3A_1945 = tpu.memref_slice %arg11[%dma_wait3A_1942, %dma_wait3A_1943, %dma_wait3A_1944] : memref<4x32x128xf32, #tpu.memory_space<vmem>> -> memref<1x32x128xf32, #tpu.memory_space<vmem>>
      %dma_wait3A_1946 = tpu.memref_squeeze %dma_wait3A_1945 : memref<1x32x128xf32, #tpu.memory_space<vmem>> -> memref<32x128xf32, #tpu.memory_space<vmem>>
      %dma_wait3A_1947 = arith.constant 0 : i32
      %dma_wait3A_1948 = arith.constant 0 : i32
      %dma_wait3A_1949 = tpu.memref_slice %arg4[%dma_wait3A_1947, %dma_wait3A_1948] : memref<32x1000000xf32, #tpu.memory_space<hbm>> -> memref<32x128xf32, #tpu.memory_space<hbm>>
      %dma_wait3A_1950 = arith.constant 0 : i32
      %dma_wait3A_1951 = arith.constant 0 : i32
      %dma_wait3A_1952 = tpu.memref_slice %arg11[%dma_wait3A_1942, %dma_wait3A_1950, %dma_wait3A_1951] : memref<4x32x128xf32, #tpu.memory_space<vmem>> -> memref<1x32x128xf32, #tpu.memory_space<vmem>>
      %dma_wait3A_1953 = tpu.memref_squeeze %dma_wait3A_1952 : memref<1x32x128xf32, #tpu.memory_space<vmem>> -> memref<32x128xf32, #tpu.memory_space<vmem>>
      %dma_wait3A_1954 = arith.constant 0 : i32
      %dma_wait3A_1955 = arith.constant 0 : i32
      %dma_wait3A_1956 = tpu.memref_slice %arg4[%dma_wait3A_1954, %dma_wait3A_1955] : memref<32x1000000xf32, #tpu.memory_space<hbm>> -> memref<32x128xf32, #tpu.memory_space<hbm>>
      tpu.wait_dma2 semaphore(%arg19 : memref<!tpu.dma_semaphore, #tpu.memory_space<semaphore_mem>>) src(%dma_wait3A_1956 : memref<32x128xf32, #tpu.memory_space<hbm>>) dst(%dma_wait3A_1953 : memref<32x128xf32, #tpu.memory_space<vmem>>)
      %dma_wait3A_1957 = arith.constant 0 : i32
      %dma_wait3A_1958 = arith.constant 0 : i32
      %dma_wait3A_1959 = arith.constant 0 : i32
      %dma_wait3A_1960 = tpu.memref_slice %arg11[%dma_wait3A_1957, %dma_wait3A_1958, %dma_wait3A_1959] : memref<4x32x128xf32, #tpu.memory_space<vmem>> -> memref<1x32x128xf32, #tpu.memory_space<vmem>>
      %dma_wait3A_1961 = tpu.memref_squeeze %dma_wait3A_1960 : memref<1x32x128xf32, #tpu.memory_space<vmem>> -> memref<32x128xf32, #tpu.memory_space<vmem>>
      %dma_wait3A_1962 = arith.constant 0 : i32
      %dma_wait3A_1963 = arith.constant 0 : i32
      %dma_wait3A_1964 = tpu.memref_slice %arg4[%dma_wait3A_1962, %dma_wait3A_1963] : memref<32x1000000xf32, #tpu.memory_space<hbm>> -> memref<32x128xf32, #tpu.memory_space<hbm>>
      %dma_wait3A_1965 = arith.constant 0 : i32
      %dma_wait3A_1966 = arith.constant 0 : i32
      %dma_wait3A_1967 = tpu.memref_slice %arg11[%dma_wait3A_1957, %dma_wait3A_1965, %dma_wait3A_1966] : memref<4x32x128xf32, #tpu.memory_space<vmem>> -> memref<1x32x128xf32, #tpu.memory_space<vmem>>
      %dma_wait3A_1968 = tpu.memref_squeeze %dma_wait3A_1967 : memref<1x32x128xf32, #tpu.memory_space<vmem>> -> memref<32x128xf32, #tpu.memory_space<vmem>>
      %dma_wait3A_1969 = arith.constant 0 : i32
      %dma_wait3A_1970 = arith.constant 0 : i32
      %dma_wait3A_1971 = tpu.memref_slice %arg4[%dma_wait3A_1969, %dma_wait3A_1970] : memref<32x1000000xf32, #tpu.memory_space<hbm>> -> memref<32x128xf32, #tpu.memory_space<hbm>>
      tpu.wait_dma2 semaphore(%arg19 : memref<!tpu.dma_semaphore, #tpu.memory_space<semaphore_mem>>) src(%dma_wait3A_1971 : memref<32x128xf32, #tpu.memory_space<hbm>>) dst(%dma_wait3A_1968 : memref<32x128xf32, #tpu.memory_space<vmem>>)
      %dma_wait3A_1972 = arith.constant 0 : i32
      %dma_wait3A_1973 = arith.constant 0 : i32
      %dma_wait3A_1974 = arith.constant 0 : i32
      %dma_wait3A_1975 = tpu.memref_slice %arg11[%dma_wait3A_1972, %dma_wait3A_1973, %dma_wait3A_1974] : memref<4x32x128xf32, #tpu.memory_space<vmem>> -> memref<1x32x128xf32, #tpu.memory_space<vmem>>
      %dma_wait3A_1976 = tpu.memref_squeeze %dma_wait3A_1975 : memref<1x32x128xf32, #tpu.memory_space<vmem>> -> memref<32x128xf32, #tpu.memory_space<vmem>>
      %dma_wait3A_1977 = arith.constant 0 : i32
      %dma_wait3A_1978 = arith.constant 0 : i32
      %dma_wait3A_1979 = tpu.memref_slice %arg4[%dma_wait3A_1977, %dma_wait3A_1978] : memref<32x1000000xf32, #tpu.memory_space<hbm>> -> memref<32x128xf32, #tpu.memory_space<hbm>>
      %dma_wait3A_1980 = arith.constant 0 : i32
      %dma_wait3A_1981 = arith.constant 0 : i32
      %dma_wait3A_1982 = tpu.memref_slice %arg11[%dma_wait3A_1972, %dma_wait3A_1980, %dma_wait3A_1981] : memref<4x32x128xf32, #tpu.memory_space<vmem>> -> memref<1x32x128xf32, #tpu.memory_space<vmem>>
      %dma_wait3A_1983 = tpu.memref_squeeze %dma_wait3A_1982 : memref<1x32x128xf32, #tpu.memory_space<vmem>> -> memref<32x128xf32, #tpu.memory_space<vmem>>
      %dma_wait3A_1984 = arith.constant 0 : i32
      %dma_wait3A_1985 = arith.constant 0 : i32
      %dma_wait3A_1986 = tpu.memref_slice %arg4[%dma_wait3A_1984, %dma_wait3A_1985] : memref<32x1000000xf32, #tpu.memory_space<hbm>> -> memref<32x128xf32, #tpu.memory_space<hbm>>
      tpu.wait_dma2 semaphore(%arg19 : memref<!tpu.dma_semaphore, #tpu.memory_space<semaphore_mem>>) src(%dma_wait3A_1986 : memref<32x128xf32, #tpu.memory_space<hbm>>) dst(%dma_wait3A_1983 : memref<32x128xf32, #tpu.memory_space<vmem>>)
      %dma_wait3A_1987 = arith.constant 0 : i32
      %dma_wait3A_1988 = arith.constant 0 : i32
      %dma_wait3A_1989 = arith.constant 0 : i32
      %dma_wait3A_1990 = tpu.memref_slice %arg11[%dma_wait3A_1987, %dma_wait3A_1988, %dma_wait3A_1989] : memref<4x32x128xf32, #tpu.memory_space<vmem>> -> memref<1x32x128xf32, #tpu.memory_space<vmem>>
      %dma_wait3A_1991 = tpu.memref_squeeze %dma_wait3A_1990 : memref<1x32x128xf32, #tpu.memory_space<vmem>> -> memref<32x128xf32, #tpu.memory_space<vmem>>
      %dma_wait3A_1992 = arith.constant 0 : i32
      %dma_wait3A_1993 = arith.constant 0 : i32
      %dma_wait3A_1994 = tpu.memref_slice %arg4[%dma_wait3A_1992, %dma_wait3A_1993] : memref<32x1000000xf32, #tpu.memory_space<hbm>> -> memref<32x128xf32, #tpu.memory_space<hbm>>
      %dma_wait3A_1995 = arith.constant 0 : i32
      %dma_wait3A_1996 = arith.constant 0 : i32
      %dma_wait3A_1997 = tpu.memref_slice %arg11[%dma_wait3A_1987, %dma_wait3A_1995, %dma_wait3A_1996] : memref<4x32x128xf32, #tpu.memory_space<vmem>> -> memref<1x32x128xf32, #tpu.memory_space<vmem>>
      %dma_wait3A_1998 = tpu.memref_squeeze %dma_wait3A_1997 : memref<1x32x128xf32, #tpu.memory_space<vmem>> -> memref<32x128xf32, #tpu.memory_space<vmem>>
      %dma_wait3A_1999 = arith.constant 0 : i32
      %dma_wait3A_2000 = arith.constant 0 : i32
      %dma_wait3A_2001 = tpu.memref_slice %arg4[%dma_wait3A_1999, %dma_wait3A_2000] : memref<32x1000000xf32, #tpu.memory_space<hbm>> -> memref<32x128xf32, #tpu.memory_space<hbm>>
      tpu.wait_dma2 semaphore(%arg19 : memref<!tpu.dma_semaphore, #tpu.memory_space<semaphore_mem>>) src(%dma_wait3A_2001 : memref<32x128xf32, #tpu.memory_space<hbm>>) dst(%dma_wait3A_1998 : memref<32x128xf32, #tpu.memory_space<vmem>>)
      %dma_wait3A_2002 = arith.constant 0 : i32
      %dma_wait3A_2003 = arith.constant 0 : i32
      %dma_wait3A_2004 = arith.constant 0 : i32
      %dma_wait3A_2005 = tpu.memref_slice %arg11[%dma_wait3A_2002, %dma_wait3A_2003, %dma_wait3A_2004] : memref<4x32x128xf32, #tpu.memory_space<vmem>> -> memref<1x32x128xf32, #tpu.memory_space<vmem>>
      %dma_wait3A_2006 = tpu.memref_squeeze %dma_wait3A_2005 : memref<1x32x128xf32, #tpu.memory_space<vmem>> -> memref<32x128xf32, #tpu.memory_space<vmem>>
      %dma_wait3A_2007 = arith.constant 0 : i32
      %dma_wait3A_2008 = arith.constant 0 : i32
      %dma_wait3A_2009 = tpu.memref_slice %arg4[%dma_wait3A_2007, %dma_wait3A_2008] : memref<32x1000000xf32, #tpu.memory_space<hbm>> -> memref<32x128xf32, #tpu.memory_space<hbm>>
      %dma_wait3A_2010 = arith.constant 0 : i32
      %dma_wait3A_2011 = arith.constant 0 : i32
      %dma_wait3A_2012 = tpu.memref_slice %arg11[%dma_wait3A_2002, %dma_wait3A_2010, %dma_wait3A_2011] : memref<4x32x128xf32, #tpu.memory_space<vmem>> -> memref<1x32x128xf32, #tpu.memory_space<vmem>>
      %dma_wait3A_2013 = tpu.memref_squeeze %dma_wait3A_2012 : memref<1x32x128xf32, #tpu.memory_space<vmem>> -> memref<32x128xf32, #tpu.memory_space<vmem>>
      %dma_wait3A_2014 = arith.constant 0 : i32
      %dma_wait3A_2015 = arith.constant 0 : i32
      %dma_wait3A_2016 = tpu.memref_slice %arg4[%dma_wait3A_2014, %dma_wait3A_2015] : memref<32x1000000xf32, #tpu.memory_space<hbm>> -> memref<32x128xf32, #tpu.memory_space<hbm>>
      tpu.wait_dma2 semaphore(%arg19 : memref<!tpu.dma_semaphore, #tpu.memory_space<semaphore_mem>>) src(%dma_wait3A_2016 : memref<32x128xf32, #tpu.memory_space<hbm>>) dst(%dma_wait3A_2013 : memref<32x128xf32, #tpu.memory_space<vmem>>)
      %mul3A_2017 = arith.constant 4 : i32
      %mul3A_2018 = arith.muli %add3A_1734, %mul3A_2017 : i32
      %get3A_2019 = arith.index_cast %mul3A_2018 : i32 to index
      %get3A_2020 = tpu.vector_load %arg7[%get3A_2019] {strides = array<i32>} : memref<528xi32, #tpu.memory_space<vmem>>, vector<16xi32>,
      %mul3A_2021 = arith.constant 4 : i32
      %mul3A_2022 = arith.muli %add3A_1734, %mul3A_2021 : i32
      %get3A_2023 = arith.index_cast %mul3A_2022 : i32 to index
      %get3A_2024 = tpu.vector_load %arg8[%get3A_2023] {strides = array<i32>} : memref<528xi32, #tpu.memory_space<vmem>>, vector<16xi32>,
      %broadcast_in_dim3A_2025 = arith.constant 0 : i32
      %broadcast_in_dim3A_2026 = vector.broadcast %broadcast_in_dim3A_2025 : i32 to vector<16xi32>
      %eq3A_2027 = arith.constant 0 : i32
      %eq3A_2028 = vector.broadcast %eq3A_2027 : i32 to vector<16xi32>
      %eq3A_2029 = arith.cmpi eq, %select_n3A, %eq3A_2028 : vector<16xi32>
      %slice3A_2030 = vector.extract_strided_slice %get3A_2020 {offsets = [0], sizes = [1], strides = [1]} : vector<16xi32> to vector<1xi32>
      %squeeze3A_2031 = vector.extract %slice3A_2030[0] : i32 from vector<1xi32>
      %and3A_2032 = arith.constant 127 : i32
      %and3A_2033 = arith.andi %squeeze3A_2031, %and3A_2032 : i32
      %broadcast_in_dim3A_2034 = vector.broadcast %and3A_2033 : i32 to vector<16xi32>
      %select_n3A_2035 = arith.select %eq3A_2029, %broadcast_in_dim3A_2034, %broadcast_in_dim3A_2026 : vector<16xi1>, vector<16xi32>
      %eq3A_2036 = arith.constant 1 : i32
      %eq3A_2037 = vector.broadcast %eq3A_2036 : i32 to vector<16xi32>
      %eq3A_2038 = arith.cmpi eq, %select_n3A, %eq3A_2037 : vector<16xi32>
      %slice3A_2039 = vector.extract_strided_slice %get3A_2020 {offsets = [1], sizes = [1], strides = [1]} : vector<16xi32> to vector<1xi32>
      %squeeze3A_2040 = vector.extract %slice3A_2039[0] : i32 from vector<1xi32>
      %and3A_2041 = arith.constant 127 : i32
      %and3A_2042 = arith.andi %squeeze3A_2040, %and3A_2041 : i32
      %broadcast_in_dim3A_2043 = vector.broadcast %and3A_2042 : i32 to vector<16xi32>
      %select_n3A_2044 = arith.select %eq3A_2038, %broadcast_in_dim3A_2043, %select_n3A_2035 : vector<16xi1>, vector<16xi32>
      %eq3A_2045 = arith.constant 2 : i32
      %eq3A_2046 = vector.broadcast %eq3A_2045 : i32 to vector<16xi32>
      %eq3A_2047 = arith.cmpi eq, %select_n3A, %eq3A_2046 : vector<16xi32>
      %slice3A_2048 = vector.extract_strided_slice %get3A_2020 {offsets = [2], sizes = [1], strides = [1]} : vector<16xi32> to vector<1xi32>
      %squeeze3A_2049 = vector.extract %slice3A_2048[0] : i32 from vector<1xi32>
      %and3A_2050 = arith.constant 127 : i32
      %and3A_2051 = arith.andi %squeeze3A_2049, %and3A_2050 : i32
      %broadcast_in_dim3A_2052 = vector.broadcast %and3A_2051 : i32 to vector<16xi32>
      %select_n3A_2053 = arith.select %eq3A_2047, %broadcast_in_dim3A_2052, %select_n3A_2044 : vector<16xi1>, vector<16xi32>
      %eq3A_2054 = arith.constant 3 : i32
      %eq3A_2055 = vector.broadcast %eq3A_2054 : i32 to vector<16xi32>
      %eq3A_2056 = arith.cmpi eq, %select_n3A, %eq3A_2055 : vector<16xi32>
      %slice3A_2057 = vector.extract_strided_slice %get3A_2020 {offsets = [3], sizes = [1], strides = [1]} : vector<16xi32> to vector<1xi32>
      %squeeze3A_2058 = vector.extract %slice3A_2057[0] : i32 from vector<1xi32>
      %and3A_2059 = arith.constant 127 : i32
      %and3A_2060 = arith.andi %squeeze3A_2058, %and3A_2059 : i32
      %broadcast_in_dim3A_2061 = vector.broadcast %and3A_2060 : i32 to vector<16xi32>
      %select_n3A_2062 = arith.select %eq3A_2056, %broadcast_in_dim3A_2061, %select_n3A_2053 : vector<16xi1>, vector<16xi32>
      %broadcast_in_dim3A_2063 = arith.constant 0 : i32
      %broadcast_in_dim3A_2064 = vector.broadcast %broadcast_in_dim3A_2063 : i32 to vector<16xi32>
      %eq3A_2065 = arith.constant 0 : i32
      %eq3A_2066 = vector.broadcast %eq3A_2065 : i32 to vector<16xi32>
      %eq3A_2067 = arith.cmpi eq, %select_n3A, %eq3A_2066 : vector<16xi32>
      %slice3A_2068 = vector.extract_strided_slice %get3A_2024 {offsets = [0], sizes = [1], strides = [1]} : vector<16xi32> to vector<1xi32>
      %squeeze3A_2069 = vector.extract %slice3A_2068[0] : i32 from vector<1xi32>
      %and3A_2070 = arith.constant 127 : i32
      %and3A_2071 = arith.andi %squeeze3A_2069, %and3A_2070 : i32
      %broadcast_in_dim3A_2072 = vector.broadcast %and3A_2071 : i32 to vector<16xi32>
      %select_n3A_2073 = arith.select %eq3A_2067, %broadcast_in_dim3A_2072, %broadcast_in_dim3A_2064 : vector<16xi1>, vector<16xi32>
      %eq3A_2074 = arith.constant 1 : i32
      %eq3A_2075 = vector.broadcast %eq3A_2074 : i32 to vector<16xi32>
      %eq3A_2076 = arith.cmpi eq, %select_n3A, %eq3A_2075 : vector<16xi32>
      %slice3A_2077 = vector.extract_strided_slice %get3A_2024 {offsets = [1], sizes = [1], strides = [1]} : vector<16xi32> to vector<1xi32>
      %squeeze3A_2078 = vector.extract %slice3A_2077[0] : i32 from vector<1xi32>
      %and3A_2079 = arith.constant 127 : i32
      %and3A_2080 = arith.andi %squeeze3A_2078, %and3A_2079 : i32
      %broadcast_in_dim3A_2081 = vector.broadcast %and3A_2080 : i32 to vector<16xi32>
      %select_n3A_2082 = arith.select %eq3A_2076, %broadcast_in_dim3A_2081, %select_n3A_2073 : vector<16xi1>, vector<16xi32>
      %eq3A_2083 = arith.constant 2 : i32
      %eq3A_2084 = vector.broadcast %eq3A_2083 : i32 to vector<16xi32>
      %eq3A_2085 = arith.cmpi eq, %select_n3A, %eq3A_2084 : vector<16xi32>
      %slice3A_2086 = vector.extract_strided_slice %get3A_2024 {offsets = [2], sizes = [1], strides = [1]} : vector<16xi32> to vector<1xi32>
      %squeeze3A_2087 = vector.extract %slice3A_2086[0] : i32 from vector<1xi32>
      %and3A_2088 = arith.constant 127 : i32
      %and3A_2089 = arith.andi %squeeze3A_2087, %and3A_2088 : i32
      %broadcast_in_dim3A_2090 = vector.broadcast %and3A_2089 : i32 to vector<16xi32>
      %select_n3A_2091 = arith.select %eq3A_2085, %broadcast_in_dim3A_2090, %select_n3A_2082 : vector<16xi1>, vector<16xi32>
      %eq3A_2092 = arith.constant 3 : i32
      %eq3A_2093 = vector.broadcast %eq3A_2092 : i32 to vector<16xi32>
      %eq3A_2094 = arith.cmpi eq, %select_n3A, %eq3A_2093 : vector<16xi32>
      %slice3A_2095 = vector.extract_strided_slice %get3A_2024 {offsets = [3], sizes = [1], strides = [1]} : vector<16xi32> to vector<1xi32>
      %squeeze3A_2096 = vector.extract %slice3A_2095[0] : i32 from vector<1xi32>
      %and3A_2097 = arith.constant 127 : i32
      %and3A_2098 = arith.andi %squeeze3A_2096, %and3A_2097 : i32
      %broadcast_in_dim3A_2099 = vector.broadcast %and3A_2098 : i32 to vector<16xi32>
      %select_n3A_2100 = arith.select %eq3A_2094, %broadcast_in_dim3A_2099, %select_n3A_2091 : vector<16xi1>, vector<16xi32>
      %broadcast_in_dim3A_2101 = arith.constant 0.000000e+00 : f32
      %broadcast_in_dim3A_2102 = vector.broadcast %broadcast_in_dim3A_2101 : f32 to vector<16xf32>
      %add3A_2103 = arith.constant 0 : i32
      %add3A_2104 = vector.broadcast %add3A_2103 : i32 to vector<16xi32>
      %add3A_2105 = arith.addi %sub3A_29, %add3A_2104 : vector<16xi32>
      %gather3A_2106 = tpu.vector_load_idx %arg11[%select_n3A, %add3A_2105, %select_n3A_2062] : memref<4x32x128xf32, #tpu.memory_space<vmem>>[vector<16xi32>, vector<16xi32>, vector<16xi32>], vector<16xf32>,
      %gather3A_2107 = tpu.vector_load_idx %arg14[%select_n3A, %add3A_2105, %select_n3A_2100] : memref<4x32x128xf32, #tpu.memory_space<vmem>>[vector<16xi32>, vector<16xi32>, vector<16xi32>], vector<16xf32>,
      %mul3A_2108 = arith.mulf %gather3A_2106, %gather3A_2107 : vector<16xf32>
      %add3A_2109 = arith.addf %broadcast_in_dim3A_2102, %mul3A_2108 : vector<16xf32>
      %add3A_2110 = arith.constant 4 : i32
      %add3A_2111 = vector.broadcast %add3A_2110 : i32 to vector<16xi32>
      %add3A_2112 = arith.addi %sub3A_29, %add3A_2111 : vector<16xi32>
      %gather3A_2113 = tpu.vector_load_idx %arg11[%select_n3A, %add3A_2112, %select_n3A_2062] : memref<4x32x128xf32, #tpu.memory_space<vmem>>[vector<16xi32>, vector<16xi32>, vector<16xi32>], vector<16xf32>,
      %gather3A_2114 = tpu.vector_load_idx %arg14[%select_n3A, %add3A_2112, %select_n3A_2100] : memref<4x32x128xf32, #tpu.memory_space<vmem>>[vector<16xi32>, vector<16xi32>, vector<16xi32>], vector<16xf32>,
      %mul3A_2115 = arith.mulf %gather3A_2113, %gather3A_2114 : vector<16xf32>
      %add3A_2116 = arith.addf %add3A_2109, %mul3A_2115 : vector<16xf32>
      %add3A_2117 = arith.constant 8 : i32
      %add3A_2118 = vector.broadcast %add3A_2117 : i32 to vector<16xi32>
      %add3A_2119 = arith.addi %sub3A_29, %add3A_2118 : vector<16xi32>
      %gather3A_2120 = tpu.vector_load_idx %arg11[%select_n3A, %add3A_2119, %select_n3A_2062] : memref<4x32x128xf32, #tpu.memory_space<vmem>>[vector<16xi32>, vector<16xi32>, vector<16xi32>], vector<16xf32>,
      %gather3A_2121 = tpu.vector_load_idx %arg14[%select_n3A, %add3A_2119, %select_n3A_2100] : memref<4x32x128xf32, #tpu.memory_space<vmem>>[vector<16xi32>, vector<16xi32>, vector<16xi32>], vector<16xf32>,
      %mul3A_2122 = arith.mulf %gather3A_2120, %gather3A_2121 : vector<16xf32>
      %add3A_2123 = arith.addf %add3A_2116, %mul3A_2122 : vector<16xf32>
      %add3A_2124 = arith.constant 12 : i32
      %add3A_2125 = vector.broadcast %add3A_2124 : i32 to vector<16xi32>
      %add3A_2126 = arith.addi %sub3A_29, %add3A_2125 : vector<16xi32>
      %gather3A_2127 = tpu.vector_load_idx %arg11[%select_n3A, %add3A_2126, %select_n3A_2062] : memref<4x32x128xf32, #tpu.memory_space<vmem>>[vector<16xi32>, vector<16xi32>, vector<16xi32>], vector<16xf32>,
      %gather3A_2128 = tpu.vector_load_idx %arg14[%select_n3A, %add3A_2126, %select_n3A_2100] : memref<4x32x128xf32, #tpu.memory_space<vmem>>[vector<16xi32>, vector<16xi32>, vector<16xi32>], vector<16xf32>,
      %mul3A_2129 = arith.mulf %gather3A_2127, %gather3A_2128 : vector<16xf32>
      %add3A_2130 = arith.addf %add3A_2123, %mul3A_2129 : vector<16xf32>
      %add3A_2131 = arith.constant 16 : i32
      %add3A_2132 = vector.broadcast %add3A_2131 : i32 to vector<16xi32>
      %add3A_2133 = arith.addi %sub3A_29, %add3A_2132 : vector<16xi32>
      %gather3A_2134 = tpu.vector_load_idx %arg11[%select_n3A, %add3A_2133, %select_n3A_2062] : memref<4x32x128xf32, #tpu.memory_space<vmem>>[vector<16xi32>, vector<16xi32>, vector<16xi32>], vector<16xf32>,
      %gather3A_2135 = tpu.vector_load_idx %arg14[%select_n3A, %add3A_2133, %select_n3A_2100] : memref<4x32x128xf32, #tpu.memory_space<vmem>>[vector<16xi32>, vector<16xi32>, vector<16xi32>], vector<16xf32>,
      %mul3A_2136 = arith.mulf %gather3A_2134, %gather3A_2135 : vector<16xf32>
      %add3A_2137 = arith.addf %add3A_2130, %mul3A_2136 : vector<16xf32>
      %add3A_2138 = arith.constant 20 : i32
      %add3A_2139 = vector.broadcast %add3A_2138 : i32 to vector<16xi32>
      %add3A_2140 = arith.addi %sub3A_29, %add3A_2139 : vector<16xi32>
      %gather3A_2141 = tpu.vector_load_idx %arg11[%select_n3A, %add3A_2140, %select_n3A_2062] : memref<4x32x128xf32, #tpu.memory_space<vmem>>[vector<16xi32>, vector<16xi32>, vector<16xi32>], vector<16xf32>,
      %gather3A_2142 = tpu.vector_load_idx %arg14[%select_n3A, %add3A_2140, %select_n3A_2100] : memref<4x32x128xf32, #tpu.memory_space<vmem>>[vector<16xi32>, vector<16xi32>, vector<16xi32>], vector<16xf32>,
      %mul3A_2143 = arith.mulf %gather3A_2141, %gather3A_2142 : vector<16xf32>
      %add3A_2144 = arith.addf %add3A_2137, %mul3A_2143 : vector<16xf32>
      %add3A_2145 = arith.constant 24 : i32
      %add3A_2146 = vector.broadcast %add3A_2145 : i32 to vector<16xi32>
      %add3A_2147 = arith.addi %sub3A_29, %add3A_2146 : vector<16xi32>
      %gather3A_2148 = tpu.vector_load_idx %arg11[%select_n3A, %add3A_2147, %select_n3A_2062] : memref<4x32x128xf32, #tpu.memory_space<vmem>>[vector<16xi32>, vector<16xi32>, vector<16xi32>], vector<16xf32>,
      %gather3A_2149 = tpu.vector_load_idx %arg14[%select_n3A, %add3A_2147, %select_n3A_2100] : memref<4x32x128xf32, #tpu.memory_space<vmem>>[vector<16xi32>, vector<16xi32>, vector<16xi32>], vector<16xf32>,
      %mul3A_2150 = arith.mulf %gather3A_2148, %gather3A_2149 : vector<16xf32>
      %add3A_2151 = arith.addf %add3A_2144, %mul3A_2150 : vector<16xf32>
      %add3A_2152 = arith.constant 28 : i32
      %add3A_2153 = vector.broadcast %add3A_2152 : i32 to vector<16xi32>
      %add3A_2154 = arith.addi %sub3A_29, %add3A_2153 : vector<16xi32>
      %gather3A_2155 = tpu.vector_load_idx %arg11[%select_n3A, %add3A_2154, %select_n3A_2062] : memref<4x32x128xf32, #tpu.memory_space<vmem>>[vector<16xi32>, vector<16xi32>, vector<16xi32>], vector<16xf32>,
      %gather3A_2156 = tpu.vector_load_idx %arg14[%select_n3A, %add3A_2154, %select_n3A_2100] : memref<4x32x128xf32, #tpu.memory_space<vmem>>[vector<16xi32>, vector<16xi32>, vector<16xi32>], vector<16xf32>,
      %mul3A_2157 = arith.mulf %gather3A_2155, %gather3A_2156 : vector<16xf32>
      %add3A_2158 = arith.addf %add3A_2151, %mul3A_2157 : vector<16xf32>
      %mul3A_2159 = arith.constant 16 : i32
      %mul3A_2160 = arith.muli %add3A_1734, %mul3A_2159 : i32
      %swap3A_2161 = arith.index_cast %mul3A_2160 : i32 to index
      %swap3A_2162 = tpu.vector_load %arg15[%swap3A_2161] {strides = array<i32>} : memref<2048xf32, #tpu.memory_space<vmem>>, vector<16xf32>,
      tpu.vector_store %arg15[%swap3A_2161], %add3A_2158 {strides = array<i32>} : memref<2048xf32, #tpu.memory_space<vmem>>, vector<16xf32>,
    }
    %scan3A_340 = arith.constant 42 : i32
    %dma_wait3A = arith.constant 0 : i32
    %dma_wait3A_341 = arith.constant 0 : i32
    %dma_wait3A_342 = arith.constant 0 : i32
    %dma_wait3A_343 = tpu.memref_slice %arg9[%dma_wait3A, %dma_wait3A_341, %dma_wait3A_342] : memref<4x32x128xf32, #tpu.memory_space<vmem>> -> memref<1x32x128xf32, #tpu.memory_space<vmem>>
    %dma_wait3A_344 = tpu.memref_squeeze %dma_wait3A_343 : memref<1x32x128xf32, #tpu.memory_space<vmem>> -> memref<32x128xf32, #tpu.memory_space<vmem>>
    %dma_wait3A_345 = arith.constant 0 : i32
    %dma_wait3A_346 = arith.constant 0 : i32
    %dma_wait3A_347 = tpu.memref_slice %arg4[%dma_wait3A_345, %dma_wait3A_346] : memref<32x1000000xf32, #tpu.memory_space<hbm>> -> memref<32x128xf32, #tpu.memory_space<hbm>>
    %dma_wait3A_348 = arith.constant 0 : i32
    %dma_wait3A_349 = arith.constant 0 : i32
    %dma_wait3A_350 = tpu.memref_slice %arg9[%dma_wait3A, %dma_wait3A_348, %dma_wait3A_349] : memref<4x32x128xf32, #tpu.memory_space<vmem>> -> memref<1x32x128xf32, #tpu.memory_space<vmem>>
    %dma_wait3A_351 = tpu.memref_squeeze %dma_wait3A_350 : memref<1x32x128xf32, #tpu.memory_space<vmem>> -> memref<32x128xf32, #tpu.memory_space<vmem>>
    %dma_wait3A_352 = arith.constant 0 : i32
    %dma_wait3A_353 = arith.constant 0 : i32
    %dma_wait3A_354 = tpu.memref_slice %arg4[%dma_wait3A_352, %dma_wait3A_353] : memref<32x1000000xf32, #tpu.memory_space<hbm>> -> memref<32x128xf32, #tpu.memory_space<hbm>>
    tpu.wait_dma2 semaphore(%arg17 : memref<!tpu.dma_semaphore, #tpu.memory_space<semaphore_mem>>) src(%dma_wait3A_354 : memref<32x128xf32, #tpu.memory_space<hbm>>) dst(%dma_wait3A_351 : memref<32x128xf32, #tpu.memory_space<vmem>>)
    %dma_wait3A_355 = arith.constant 0 : i32
    %dma_wait3A_356 = arith.constant 0 : i32
    %dma_wait3A_357 = arith.constant 0 : i32
    %dma_wait3A_358 = tpu.memref_slice %arg9[%dma_wait3A_355, %dma_wait3A_356, %dma_wait3A_357] : memref<4x32x128xf32, #tpu.memory_space<vmem>> -> memref<1x32x128xf32, #tpu.memory_space<vmem>>
    %dma_wait3A_359 = tpu.memref_squeeze %dma_wait3A_358 : memref<1x32x128xf32, #tpu.memory_space<vmem>> -> memref<32x128xf32, #tpu.memory_space<vmem>>
    %dma_wait3A_360 = arith.constant 0 : i32
    %dma_wait3A_361 = arith.constant 0 : i32
    %dma_wait3A_362 = tpu.memref_slice %arg4[%dma_wait3A_360, %dma_wait3A_361] : memref<32x1000000xf32, #tpu.memory_space<hbm>> -> memref<32x128xf32, #tpu.memory_space<hbm>>
    %dma_wait3A_363 = arith.constant 0 : i32
    %dma_wait3A_364 = arith.constant 0 : i32
    %dma_wait3A_365 = tpu.memref_slice %arg9[%dma_wait3A_355, %dma_wait3A_363, %dma_wait3A_364] : memref<4x32x128xf32, #tpu.memory_space<vmem>> -> memref<1x32x128xf32, #tpu.memory_space<vmem>>
    %dma_wait3A_366 = tpu.memref_squeeze %dma_wait3A_365 : memref<1x32x128xf32, #tpu.memory_space<vmem>> -> memref<32x128xf32, #tpu.memory_space<vmem>>
    %dma_wait3A_367 = arith.constant 0 : i32
    %dma_wait3A_368 = arith.constant 0 : i32
    %dma_wait3A_369 = tpu.memref_slice %arg4[%dma_wait3A_367, %dma_wait3A_368] : memref<32x1000000xf32, #tpu.memory_space<hbm>> -> memref<32x128xf32, #tpu.memory_space<hbm>>
    tpu.wait_dma2 semaphore(%arg17 : memref<!tpu.dma_semaphore, #tpu.memory_space<semaphore_mem>>) src(%dma_wait3A_369 : memref<32x128xf32, #tpu.memory_space<hbm>>) dst(%dma_wait3A_366 : memref<32x128xf32, #tpu.memory_space<vmem>>)
    %dma_wait3A_370 = arith.constant 0 : i32
    %dma_wait3A_371 = arith.constant 0 : i32
    %dma_wait3A_372 = arith.constant 0 : i32
    %dma_wait3A_373 = tpu.memref_slice %arg9[%dma_wait3A_370, %dma_wait3A_371, %dma_wait3A_372] : memref<4x32x128xf32, #tpu.memory_space<vmem>> -> memref<1x32x128xf32, #tpu.memory_space<vmem>>
    %dma_wait3A_374 = tpu.memref_squeeze %dma_wait3A_373 : memref<1x32x128xf32, #tpu.memory_space<vmem>> -> memref<32x128xf32, #tpu.memory_space<vmem>>
    %dma_wait3A_375 = arith.constant 0 : i32
    %dma_wait3A_376 = arith.constant 0 : i32
    %dma_wait3A_377 = tpu.memref_slice %arg4[%dma_wait3A_375, %dma_wait3A_376] : memref<32x1000000xf32, #tpu.memory_space<hbm>> -> memref<32x128xf32, #tpu.memory_space<hbm>>
    %dma_wait3A_378 = arith.constant 0 : i32
    %dma_wait3A_379 = arith.constant 0 : i32
    %dma_wait3A_380 = tpu.memref_slice %arg9[%dma_wait3A_370, %dma_wait3A_378, %dma_wait3A_379] : memref<4x32x128xf32, #tpu.memory_space<vmem>> -> memref<1x32x128xf32, #tpu.memory_space<vmem>>
    %dma_wait3A_381 = tpu.memref_squeeze %dma_wait3A_380 : memref<1x32x128xf32, #tpu.memory_space<vmem>> -> memref<32x128xf32, #tpu.memory_space<vmem>>
    %dma_wait3A_382 = arith.constant 0 : i32
    %dma_wait3A_383 = arith.constant 0 : i32
    %dma_wait3A_384 = tpu.memref_slice %arg4[%dma_wait3A_382, %dma_wait3A_383] : memref<32x1000000xf32, #tpu.memory_space<hbm>> -> memref<32x128xf32, #tpu.memory_space<hbm>>
    tpu.wait_dma2 semaphore(%arg17 : memref<!tpu.dma_semaphore, #tpu.memory_space<semaphore_mem>>) src(%dma_wait3A_384 : memref<32x128xf32, #tpu.memory_space<hbm>>) dst(%dma_wait3A_381 : memref<32x128xf32, #tpu.memory_space<vmem>>)
    %dma_wait3A_385 = arith.constant 0 : i32
    %dma_wait3A_386 = arith.constant 0 : i32
    %dma_wait3A_387 = arith.constant 0 : i32
    %dma_wait3A_388 = tpu.memref_slice %arg9[%dma_wait3A_385, %dma_wait3A_386, %dma_wait3A_387] : memref<4x32x128xf32, #tpu.memory_space<vmem>> -> memref<1x32x128xf32, #tpu.memory_space<vmem>>
    %dma_wait3A_389 = tpu.memref_squeeze %dma_wait3A_388 : memref<1x32x128xf32, #tpu.memory_space<vmem>> -> memref<32x128xf32, #tpu.memory_space<vmem>>
    %dma_wait3A_390 = arith.constant 0 : i32
    %dma_wait3A_391 = arith.constant 0 : i32
    %dma_wait3A_392 = tpu.memref_slice %arg4[%dma_wait3A_390, %dma_wait3A_391] : memref<32x1000000xf32, #tpu.memory_space<hbm>> -> memref<32x128xf32, #tpu.memory_space<hbm>>
    %dma_wait3A_393 = arith.constant 0 : i32
    %dma_wait3A_394 = arith.constant 0 : i32
    %dma_wait3A_395 = tpu.memref_slice %arg9[%dma_wait3A_385, %dma_wait3A_393, %dma_wait3A_394] : memref<4x32x128xf32, #tpu.memory_space<vmem>> -> memref<1x32x128xf32, #tpu.memory_space<vmem>>
    %dma_wait3A_396 = tpu.memref_squeeze %dma_wait3A_395 : memref<1x32x128xf32, #tpu.memory_space<vmem>> -> memref<32x128xf32, #tpu.memory_space<vmem>>
    %dma_wait3A_397 = arith.constant 0 : i32
    %dma_wait3A_398 = arith.constant 0 : i32
    %dma_wait3A_399 = tpu.memref_slice %arg4[%dma_wait3A_397, %dma_wait3A_398] : memref<32x1000000xf32, #tpu.memory_space<hbm>> -> memref<32x128xf32, #tpu.memory_space<hbm>>
    tpu.wait_dma2 semaphore(%arg17 : memref<!tpu.dma_semaphore, #tpu.memory_space<semaphore_mem>>) src(%dma_wait3A_399 : memref<32x128xf32, #tpu.memory_space<hbm>>) dst(%dma_wait3A_396 : memref<32x128xf32, #tpu.memory_space<vmem>>)
    %dma_wait3A_400 = arith.constant 0 : i32
    %dma_wait3A_401 = arith.constant 0 : i32
    %dma_wait3A_402 = arith.constant 0 : i32
    %dma_wait3A_403 = tpu.memref_slice %arg9[%dma_wait3A_400, %dma_wait3A_401, %dma_wait3A_402] : memref<4x32x128xf32, #tpu.memory_space<vmem>> -> memref<1x32x128xf32, #tpu.memory_space<vmem>>
    %dma_wait3A_404 = tpu.memref_squeeze %dma_wait3A_403 : memref<1x32x128xf32, #tpu.memory_space<vmem>> -> memref<32x128xf32, #tpu.memory_space<vmem>>
    %dma_wait3A_405 = arith.constant 0 : i32
    %dma_wait3A_406 = arith.constant 0 : i32
    %dma_wait3A_407 = tpu.memref_slice %arg4[%dma_wait3A_405, %dma_wait3A_406] : memref<32x1000000xf32, #tpu.memory_space<hbm>> -> memref<32x128xf32, #tpu.memory_space<hbm>>
    %dma_wait3A_408 = arith.constant 0 : i32
    %dma_wait3A_409 = arith.constant 0 : i32
    %dma_wait3A_410 = tpu.memref_slice %arg9[%dma_wait3A_400, %dma_wait3A_408, %dma_wait3A_409] : memref<4x32x128xf32, #tpu.memory_space<vmem>> -> memref<1x32x128xf32, #tpu.memory_space<vmem>>
    %dma_wait3A_411 = tpu.memref_squeeze %dma_wait3A_410 : memref<1x32x128xf32, #tpu.memory_space<vmem>> -> memref<32x128xf32, #tpu.memory_space<vmem>>
    %dma_wait3A_412 = arith.constant 0 : i32
    %dma_wait3A_413 = arith.constant 0 : i32
    %dma_wait3A_414 = tpu.memref_slice %arg4[%dma_wait3A_412, %dma_wait3A_413] : memref<32x1000000xf32, #tpu.memory_space<hbm>> -> memref<32x128xf32, #tpu.memory_space<hbm>>
    tpu.wait_dma2 semaphore(%arg17 : memref<!tpu.dma_semaphore, #tpu.memory_space<semaphore_mem>>) src(%dma_wait3A_414 : memref<32x128xf32, #tpu.memory_space<hbm>>) dst(%dma_wait3A_411 : memref<32x128xf32, #tpu.memory_space<vmem>>)
    %dma_wait3A_415 = arith.constant 0 : i32
    %dma_wait3A_416 = arith.constant 0 : i32
    %dma_wait3A_417 = arith.constant 0 : i32
    %dma_wait3A_418 = tpu.memref_slice %arg9[%dma_wait3A_415, %dma_wait3A_416, %dma_wait3A_417] : memref<4x32x128xf32, #tpu.memory_space<vmem>> -> memref<1x32x128xf32, #tpu.memory_space<vmem>>
    %dma_wait3A_419 = tpu.memref_squeeze %dma_wait3A_418 : memref<1x32x128xf32, #tpu.memory_space<vmem>> -> memref<32x128xf32, #tpu.memory_space<vmem>>
    %dma_wait3A_420 = arith.constant 0 : i32
    %dma_wait3A_421 = arith.constant 0 : i32
    %dma_wait3A_422 = tpu.memref_slice %arg4[%dma_wait3A_420, %dma_wait3A_421] : memref<32x1000000xf32, #tpu.memory_space<hbm>> -> memref<32x128xf32, #tpu.memory_space<hbm>>
    %dma_wait3A_423 = arith.constant 0 : i32
    %dma_wait3A_424 = arith.constant 0 : i32
    %dma_wait3A_425 = tpu.memref_slice %arg9[%dma_wait3A_415, %dma_wait3A_423, %dma_wait3A_424] : memref<4x32x128xf32, #tpu.memory_space<vmem>> -> memref<1x32x128xf32, #tpu.memory_space<vmem>>
    %dma_wait3A_426 = tpu.memref_squeeze %dma_wait3A_425 : memref<1x32x128xf32, #tpu.memory_space<vmem>> -> memref<32x128xf32, #tpu.memory_space<vmem>>
    %dma_wait3A_427 = arith.constant 0 : i32
    %dma_wait3A_428 = arith.constant 0 : i32
    %dma_wait3A_429 = tpu.memref_slice %arg4[%dma_wait3A_427, %dma_wait3A_428] : memref<32x1000000xf32, #tpu.memory_space<hbm>> -> memref<32x128xf32, #tpu.memory_space<hbm>>
    tpu.wait_dma2 semaphore(%arg17 : memref<!tpu.dma_semaphore, #tpu.memory_space<semaphore_mem>>) src(%dma_wait3A_429 : memref<32x128xf32, #tpu.memory_space<hbm>>) dst(%dma_wait3A_426 : memref<32x128xf32, #tpu.memory_space<vmem>>)
    %dma_wait3A_430 = arith.constant 0 : i32
    %dma_wait3A_431 = arith.constant 0 : i32
    %dma_wait3A_432 = arith.constant 0 : i32
    %dma_wait3A_433 = tpu.memref_slice %arg9[%dma_wait3A_430, %dma_wait3A_431, %dma_wait3A_432] : memref<4x32x128xf32, #tpu.memory_space<vmem>> -> memref<1x32x128xf32, #tpu.memory_space<vmem>>
    %dma_wait3A_434 = tpu.memref_squeeze %dma_wait3A_433 : memref<1x32x128xf32, #tpu.memory_space<vmem>> -> memref<32x128xf32, #tpu.memory_space<vmem>>
    %dma_wait3A_435 = arith.constant 0 : i32
    %dma_wait3A_436 = arith.constant 0 : i32
    %dma_wait3A_437 = tpu.memref_slice %arg4[%dma_wait3A_435, %dma_wait3A_436] : memref<32x1000000xf32, #tpu.memory_space<hbm>> -> memref<32x128xf32, #tpu.memory_space<hbm>>
    %dma_wait3A_438 = arith.constant 0 : i32
    %dma_wait3A_439 = arith.constant 0 : i32
    %dma_wait3A_440 = tpu.memref_slice %arg9[%dma_wait3A_430, %dma_wait3A_438, %dma_wait3A_439] : memref<4x32x128xf32, #tpu.memory_space<vmem>> -> memref<1x32x128xf32, #tpu.memory_space<vmem>>
    %dma_wait3A_441 = tpu.memref_squeeze %dma_wait3A_440 : memref<1x32x128xf32, #tpu.memory_space<vmem>> -> memref<32x128xf32, #tpu.memory_space<vmem>>
    %dma_wait3A_442 = arith.constant 0 : i32
    %dma_wait3A_443 = arith.constant 0 : i32
    %dma_wait3A_444 = tpu.memref_slice %arg4[%dma_wait3A_442, %dma_wait3A_443] : memref<32x1000000xf32, #tpu.memory_space<hbm>> -> memref<32x128xf32, #tpu.memory_space<hbm>>
    tpu.wait_dma2 semaphore(%arg17 : memref<!tpu.dma_semaphore, #tpu.memory_space<semaphore_mem>>) src(%dma_wait3A_444 : memref<32x128xf32, #tpu.memory_space<hbm>>) dst(%dma_wait3A_441 : memref<32x128xf32, #tpu.memory_space<vmem>>)
    %dma_wait3A_445 = arith.constant 0 : i32
    %dma_wait3A_446 = arith.constant 0 : i32
    %dma_wait3A_447 = arith.constant 0 : i32
    %dma_wait3A_448 = tpu.memref_slice %arg9[%dma_wait3A_445, %dma_wait3A_446, %dma_wait3A_447] : memref<4x32x128xf32, #tpu.memory_space<vmem>> -> memref<1x32x128xf32, #tpu.memory_space<vmem>>
    %dma_wait3A_449 = tpu.memref_squeeze %dma_wait3A_448 : memref<1x32x128xf32, #tpu.memory_space<vmem>> -> memref<32x128xf32, #tpu.memory_space<vmem>>
    %dma_wait3A_450 = arith.constant 0 : i32
    %dma_wait3A_451 = arith.constant 0 : i32
    %dma_wait3A_452 = tpu.memref_slice %arg4[%dma_wait3A_450, %dma_wait3A_451] : memref<32x1000000xf32, #tpu.memory_space<hbm>> -> memref<32x128xf32, #tpu.memory_space<hbm>>
    %dma_wait3A_453 = arith.constant 0 : i32
    %dma_wait3A_454 = arith.constant 0 : i32
    %dma_wait3A_455 = tpu.memref_slice %arg9[%dma_wait3A_445, %dma_wait3A_453, %dma_wait3A_454] : memref<4x32x128xf32, #tpu.memory_space<vmem>> -> memref<1x32x128xf32, #tpu.memory_space<vmem>>
    %dma_wait3A_456 = tpu.memref_squeeze %dma_wait3A_455 : memref<1x32x128xf32, #tpu.memory_space<vmem>> -> memref<32x128xf32, #tpu.memory_space<vmem>>
    %dma_wait3A_457 = arith.constant 0 : i32
    %dma_wait3A_458 = arith.constant 0 : i32
    %dma_wait3A_459 = tpu.memref_slice %arg4[%dma_wait3A_457, %dma_wait3A_458] : memref<32x1000000xf32, #tpu.memory_space<hbm>> -> memref<32x128xf32, #tpu.memory_space<hbm>>
    tpu.wait_dma2 semaphore(%arg17 : memref<!tpu.dma_semaphore, #tpu.memory_space<semaphore_mem>>) src(%dma_wait3A_459 : memref<32x128xf32, #tpu.memory_space<hbm>>) dst(%dma_wait3A_456 : memref<32x128xf32, #tpu.memory_space<vmem>>)
    %get3A_460 = arith.constant 504 : index
    %get3A_461 = tpu.vector_load %arg7[%get3A_460] {strides = array<i32>} : memref<528xi32, #tpu.memory_space<vmem>>, vector<16xi32>,
    %get3A_462 = arith.constant 504 : index
    %get3A_463 = tpu.vector_load %arg8[%get3A_462] {strides = array<i32>} : memref<528xi32, #tpu.memory_space<vmem>>, vector<16xi32>,
    %broadcast_in_dim3A = arith.constant 0 : i32
    %broadcast_in_dim3A_464 = vector.broadcast %broadcast_in_dim3A : i32 to vector<16xi32>
    %eq3A = arith.constant 0 : i32
    %eq3A_465 = vector.broadcast %eq3A : i32 to vector<16xi32>
    %eq3A_466 = arith.cmpi eq, %select_n3A, %eq3A_465 : vector<16xi32>
    %slice3A_467 = vector.extract_strided_slice %get3A_461 {offsets = [0], sizes = [1], strides = [1]} : vector<16xi32> to vector<1xi32>
    %squeeze3A_468 = vector.extract %slice3A_467[0] : i32 from vector<1xi32>
    %and3A_469 = arith.constant 127 : i32
    %and3A_470 = arith.andi %squeeze3A_468, %and3A_469 : i32
    %broadcast_in_dim3A_471 = vector.broadcast %and3A_470 : i32 to vector<16xi32>
    %select_n3A_472 = arith.select %eq3A_466, %broadcast_in_dim3A_471, %broadcast_in_dim3A_464 : vector<16xi1>, vector<16xi32>
    %eq3A_473 = arith.constant 1 : i32
    %eq3A_474 = vector.broadcast %eq3A_473 : i32 to vector<16xi32>
    %eq3A_475 = arith.cmpi eq, %select_n3A, %eq3A_474 : vector<16xi32>
    %slice3A_476 = vector.extract_strided_slice %get3A_461 {offsets = [1], sizes = [1], strides = [1]} : vector<16xi32> to vector<1xi32>
    %squeeze3A_477 = vector.extract %slice3A_476[0] : i32 from vector<1xi32>
    %and3A_478 = arith.constant 127 : i32
    %and3A_479 = arith.andi %squeeze3A_477, %and3A_478 : i32
    %broadcast_in_dim3A_480 = vector.broadcast %and3A_479 : i32 to vector<16xi32>
    %select_n3A_481 = arith.select %eq3A_475, %broadcast_in_dim3A_480, %select_n3A_472 : vector<16xi1>, vector<16xi32>
    %eq3A_482 = arith.constant 2 : i32
    %eq3A_483 = vector.broadcast %eq3A_482 : i32 to vector<16xi32>
    %eq3A_484 = arith.cmpi eq, %select_n3A, %eq3A_483 : vector<16xi32>
    %slice3A_485 = vector.extract_strided_slice %get3A_461 {offsets = [2], sizes = [1], strides = [1]} : vector<16xi32> to vector<1xi32>
    %squeeze3A_486 = vector.extract %slice3A_485[0] : i32 from vector<1xi32>
    %and3A_487 = arith.constant 127 : i32
    %and3A_488 = arith.andi %squeeze3A_486, %and3A_487 : i32
    %broadcast_in_dim3A_489 = vector.broadcast %and3A_488 : i32 to vector<16xi32>
    %select_n3A_490 = arith.select %eq3A_484, %broadcast_in_dim3A_489, %select_n3A_481 : vector<16xi1>, vector<16xi32>
    %eq3A_491 = arith.constant 3 : i32
    %eq3A_492 = vector.broadcast %eq3A_491 : i32 to vector<16xi32>
    %eq3A_493 = arith.cmpi eq, %select_n3A, %eq3A_492 : vector<16xi32>
    %slice3A_494 = vector.extract_strided_slice %get3A_461 {offsets = [3], sizes = [1], strides = [1]} : vector<16xi32> to vector<1xi32>
    %squeeze3A_495 = vector.extract %slice3A_494[0] : i32 from vector<1xi32>
    %and3A_496 = arith.constant 127 : i32
    %and3A_497 = arith.andi %squeeze3A_495, %and3A_496 : i32
    %broadcast_in_dim3A_498 = vector.broadcast %and3A_497 : i32 to vector<16xi32>
    %select_n3A_499 = arith.select %eq3A_493, %broadcast_in_dim3A_498, %select_n3A_490 : vector<16xi1>, vector<16xi32>
    %broadcast_in_dim3A_500 = arith.constant 0 : i32
    %broadcast_in_dim3A_501 = vector.broadcast %broadcast_in_dim3A_500 : i32 to vector<16xi32>
    %eq3A_502 = arith.constant 0 : i32
    %eq3A_503 = vector.broadcast %eq3A_502 : i32 to vector<16xi32>
    %eq3A_504 = arith.cmpi eq, %select_n3A, %eq3A_503 : vector<16xi32>
    %slice3A_505 = vector.extract_strided_slice %get3A_463 {offsets = [0], sizes = [1], strides = [1]} : vector<16xi32> to vector<1xi32>
    %squeeze3A_506 = vector.extract %slice3A_505[0] : i32 from vector<1xi32>
    %and3A_507 = arith.constant 127 : i32
    %and3A_508 = arith.andi %squeeze3A_506, %and3A_507 : i32
    %broadcast_in_dim3A_509 = vector.broadcast %and3A_508 : i32 to vector<16xi32>
    %select_n3A_510 = arith.select %eq3A_504, %broadcast_in_dim3A_509, %broadcast_in_dim3A_501 : vector<16xi1>, vector<16xi32>
    %eq3A_511 = arith.constant 1 : i32
    %eq3A_512 = vector.broadcast %eq3A_511 : i32 to vector<16xi32>
    %eq3A_513 = arith.cmpi eq, %select_n3A, %eq3A_512 : vector<16xi32>
    %slice3A_514 = vector.extract_strided_slice %get3A_463 {offsets = [1], sizes = [1], strides = [1]} : vector<16xi32> to vector<1xi32>
    %squeeze3A_515 = vector.extract %slice3A_514[0] : i32 from vector<1xi32>
    %and3A_516 = arith.constant 127 : i32
    %and3A_517 = arith.andi %squeeze3A_515, %and3A_516 : i32
    %broadcast_in_dim3A_518 = vector.broadcast %and3A_517 : i32 to vector<16xi32>
    %select_n3A_519 = arith.select %eq3A_513, %broadcast_in_dim3A_518, %select_n3A_510 : vector<16xi1>, vector<16xi32>
    %eq3A_520 = arith.constant 2 : i32
    %eq3A_521 = vector.broadcast %eq3A_520 : i32 to vector<16xi32>
    %eq3A_522 = arith.cmpi eq, %select_n3A, %eq3A_521 : vector<16xi32>
    %slice3A_523 = vector.extract_strided_slice %get3A_463 {offsets = [2], sizes = [1], strides = [1]} : vector<16xi32> to vector<1xi32>
    %squeeze3A_524 = vector.extract %slice3A_523[0] : i32 from vector<1xi32>
    %and3A_525 = arith.constant 127 : i32
    %and3A_526 = arith.andi %squeeze3A_524, %and3A_525 : i32
    %broadcast_in_dim3A_527 = vector.broadcast %and3A_526 : i32 to vector<16xi32>
    %select_n3A_528 = arith.select %eq3A_522, %broadcast_in_dim3A_527, %select_n3A_519 : vector<16xi1>, vector<16xi32>
    %eq3A_529 = arith.constant 3 : i32
    %eq3A_530 = vector.broadcast %eq3A_529 : i32 to vector<16xi32>
    %eq3A_531 = arith.cmpi eq, %select_n3A, %eq3A_530 : vector<16xi32>
    %slice3A_532 = vector.extract_strided_slice %get3A_463 {offsets = [3], sizes = [1], strides = [1]} : vector<16xi32> to vector<1xi32>
    %squeeze3A_533 = vector.extract %slice3A_532[0] : i32 from vector<1xi32>
    %and3A_534 = arith.constant 127 : i32
    %and3A_535 = arith.andi %squeeze3A_533, %and3A_534 : i32
    %broadcast_in_dim3A_536 = vector.broadcast %and3A_535 : i32 to vector<16xi32>
    %select_n3A_537 = arith.select %eq3A_531, %broadcast_in_dim3A_536, %select_n3A_528 : vector<16xi1>, vector<16xi32>
    %broadcast_in_dim3A_538 = arith.constant 0.000000e+00 : f32
    %broadcast_in_dim3A_539 = vector.broadcast %broadcast_in_dim3A_538 : f32 to vector<16xf32>
    %add3A_540 = arith.constant 0 : i32
    %add3A_541 = vector.broadcast %add3A_540 : i32 to vector<16xi32>
    %add3A_542 = arith.addi %sub3A_29, %add3A_541 : vector<16xi32>
    %gather3A = tpu.vector_load_idx %arg9[%select_n3A, %add3A_542, %select_n3A_499] : memref<4x32x128xf32, #tpu.memory_space<vmem>>[vector<16xi32>, vector<16xi32>, vector<16xi32>], vector<16xf32>,
    %gather3A_543 = tpu.vector_load_idx %arg12[%select_n3A, %add3A_542, %select_n3A_537] : memref<4x32x128xf32, #tpu.memory_space<vmem>>[vector<16xi32>, vector<16xi32>, vector<16xi32>], vector<16xf32>,
    %mul3A_544 = arith.mulf %gather3A, %gather3A_543 : vector<16xf32>
    %add3A_545 = arith.addf %broadcast_in_dim3A_539, %mul3A_544 : vector<16xf32>
    %add3A_546 = arith.constant 4 : i32
    %add3A_547 = vector.broadcast %add3A_546 : i32 to vector<16xi32>
    %add3A_548 = arith.addi %sub3A_29, %add3A_547 : vector<16xi32>
    %gather3A_549 = tpu.vector_load_idx %arg9[%select_n3A, %add3A_548, %select_n3A_499] : memref<4x32x128xf32, #tpu.memory_space<vmem>>[vector<16xi32>, vector<16xi32>, vector<16xi32>], vector<16xf32>,
    %gather3A_550 = tpu.vector_load_idx %arg12[%select_n3A, %add3A_548, %select_n3A_537] : memref<4x32x128xf32, #tpu.memory_space<vmem>>[vector<16xi32>, vector<16xi32>, vector<16xi32>], vector<16xf32>,
    %mul3A_551 = arith.mulf %gather3A_549, %gather3A_550 : vector<16xf32>
    %add3A_552 = arith.addf %add3A_545, %mul3A_551 : vector<16xf32>
    %add3A_553 = arith.constant 8 : i32
    %add3A_554 = vector.broadcast %add3A_553 : i32 to vector<16xi32>
    %add3A_555 = arith.addi %sub3A_29, %add3A_554 : vector<16xi32>
    %gather3A_556 = tpu.vector_load_idx %arg9[%select_n3A, %add3A_555, %select_n3A_499] : memref<4x32x128xf32, #tpu.memory_space<vmem>>[vector<16xi32>, vector<16xi32>, vector<16xi32>], vector<16xf32>,
    %gather3A_557 = tpu.vector_load_idx %arg12[%select_n3A, %add3A_555, %select_n3A_537] : memref<4x32x128xf32, #tpu.memory_space<vmem>>[vector<16xi32>, vector<16xi32>, vector<16xi32>], vector<16xf32>,
    %mul3A_558 = arith.mulf %gather3A_556, %gather3A_557 : vector<16xf32>
    %add3A_559 = arith.addf %add3A_552, %mul3A_558 : vector<16xf32>
    %add3A_560 = arith.constant 12 : i32
    %add3A_561 = vector.broadcast %add3A_560 : i32 to vector<16xi32>
    %add3A_562 = arith.addi %sub3A_29, %add3A_561 : vector<16xi32>
    %gather3A_563 = tpu.vector_load_idx %arg9[%select_n3A, %add3A_562, %select_n3A_499] : memref<4x32x128xf32, #tpu.memory_space<vmem>>[vector<16xi32>, vector<16xi32>, vector<16xi32>], vector<16xf32>,
    %gather3A_564 = tpu.vector_load_idx %arg12[%select_n3A, %add3A_562, %select_n3A_537] : memref<4x32x128xf32, #tpu.memory_space<vmem>>[vector<16xi32>, vector<16xi32>, vector<16xi32>], vector<16xf32>,
    %mul3A_565 = arith.mulf %gather3A_563, %gather3A_564 : vector<16xf32>
    %add3A_566 = arith.addf %add3A_559, %mul3A_565 : vector<16xf32>
    %add3A_567 = arith.constant 16 : i32
    %add3A_568 = vector.broadcast %add3A_567 : i32 to vector<16xi32>
    %add3A_569 = arith.addi %sub3A_29, %add3A_568 : vector<16xi32>
    %gather3A_570 = tpu.vector_load_idx %arg9[%select_n3A, %add3A_569, %select_n3A_499] : memref<4x32x128xf32, #tpu.memory_space<vmem>>[vector<16xi32>, vector<16xi32>, vector<16xi32>], vector<16xf32>,
    %gather3A_571 = tpu.vector_load_idx %arg12[%select_n3A, %add3A_569, %select_n3A_537] : memref<4x32x128xf32, #tpu.memory_space<vmem>>[vector<16xi32>, vector<16xi32>, vector<16xi32>], vector<16xf32>,
    %mul3A_572 = arith.mulf %gather3A_570, %gather3A_571 : vector<16xf32>
    %add3A_573 = arith.addf %add3A_566, %mul3A_572 : vector<16xf32>
    %add3A_574 = arith.constant 20 : i32
    %add3A_575 = vector.broadcast %add3A_574 : i32 to vector<16xi32>
    %add3A_576 = arith.addi %sub3A_29, %add3A_575 : vector<16xi32>
    %gather3A_577 = tpu.vector_load_idx %arg9[%select_n3A, %add3A_576, %select_n3A_499] : memref<4x32x128xf32, #tpu.memory_space<vmem>>[vector<16xi32>, vector<16xi32>, vector<16xi32>], vector<16xf32>,
    %gather3A_578 = tpu.vector_load_idx %arg12[%select_n3A, %add3A_576, %select_n3A_537] : memref<4x32x128xf32, #tpu.memory_space<vmem>>[vector<16xi32>, vector<16xi32>, vector<16xi32>], vector<16xf32>,
    %mul3A_579 = arith.mulf %gather3A_577, %gather3A_578 : vector<16xf32>
    %add3A_580 = arith.addf %add3A_573, %mul3A_579 : vector<16xf32>
    %add3A_581 = arith.constant 24 : i32
    %add3A_582 = vector.broadcast %add3A_581 : i32 to vector<16xi32>
    %add3A_583 = arith.addi %sub3A_29, %add3A_582 : vector<16xi32>
    %gather3A_584 = tpu.vector_load_idx %arg9[%select_n3A, %add3A_583, %select_n3A_499] : memref<4x32x128xf32, #tpu.memory_space<vmem>>[vector<16xi32>, vector<16xi32>, vector<16xi32>], vector<16xf32>,
    %gather3A_585 = tpu.vector_load_idx %arg12[%select_n3A, %add3A_583, %select_n3A_537] : memref<4x32x128xf32, #tpu.memory_space<vmem>>[vector<16xi32>, vector<16xi32>, vector<16xi32>], vector<16xf32>,
    %mul3A_586 = arith.mulf %gather3A_584, %gather3A_585 : vector<16xf32>
    %add3A_587 = arith.addf %add3A_580, %mul3A_586 : vector<16xf32>
    %add3A_588 = arith.constant 28 : i32
    %add3A_589 = vector.broadcast %add3A_588 : i32 to vector<16xi32>
    %add3A_590 = arith.addi %sub3A_29, %add3A_589 : vector<16xi32>
    %gather3A_591 = tpu.vector_load_idx %arg9[%select_n3A, %add3A_590, %select_n3A_499] : memref<4x32x128xf32, #tpu.memory_space<vmem>>[vector<16xi32>, vector<16xi32>, vector<16xi32>], vector<16xf32>,
    %gather3A_592 = tpu.vector_load_idx %arg12[%select_n3A, %add3A_590, %select_n3A_537] : memref<4x32x128xf32, #tpu.memory_space<vmem>>[vector<16xi32>, vector<16xi32>, vector<16xi32>], vector<16xf32>,
    %mul3A_593 = arith.mulf %gather3A_591, %gather3A_592 : vector<16xf32>
    %add3A_594 = arith.addf %add3A_587, %mul3A_593 : vector<16xf32>
    %swap3A = arith.constant 2016 : index
    %swap3A_595 = tpu.vector_load %arg15[%swap3A] {strides = array<i32>} : memref<2048xf32, #tpu.memory_space<vmem>>, vector<16xf32>,
    tpu.vector_store %arg15[%swap3A], %add3A_594 {strides = array<i32>} : memref<2048xf32, #tpu.memory_space<vmem>>, vector<16xf32>,
    %dma_wait3A_596 = arith.constant 0 : i32
    %dma_wait3A_597 = arith.constant 0 : i32
    %dma_wait3A_598 = arith.constant 0 : i32
    %dma_wait3A_599 = tpu.memref_slice %arg10[%dma_wait3A_596, %dma_wait3A_597, %dma_wait3A_598] : memref<4x32x128xf32, #tpu.memory_space<vmem>> -> memref<1x32x128xf32, #tpu.memory_space<vmem>>
    %dma_wait3A_600 = tpu.memref_squeeze %dma_wait3A_599 : memref<1x32x128xf32, #tpu.memory_space<vmem>> -> memref<32x128xf32, #tpu.memory_space<vmem>>
    %dma_wait3A_601 = arith.constant 0 : i32
    %dma_wait3A_602 = arith.constant 0 : i32
    %dma_wait3A_603 = tpu.memref_slice %arg4[%dma_wait3A_601, %dma_wait3A_602] : memref<32x1000000xf32, #tpu.memory_space<hbm>> -> memref<32x128xf32, #tpu.memory_space<hbm>>
    %dma_wait3A_604 = arith.constant 0 : i32
    %dma_wait3A_605 = arith.constant 0 : i32
    %dma_wait3A_606 = tpu.memref_slice %arg10[%dma_wait3A_596, %dma_wait3A_604, %dma_wait3A_605] : memref<4x32x128xf32, #tpu.memory_space<vmem>> -> memref<1x32x128xf32, #tpu.memory_space<vmem>>
    %dma_wait3A_607 = tpu.memref_squeeze %dma_wait3A_606 : memref<1x32x128xf32, #tpu.memory_space<vmem>> -> memref<32x128xf32, #tpu.memory_space<vmem>>
    %dma_wait3A_608 = arith.constant 0 : i32
    %dma_wait3A_609 = arith.constant 0 : i32
    %dma_wait3A_610 = tpu.memref_slice %arg4[%dma_wait3A_608, %dma_wait3A_609] : memref<32x1000000xf32, #tpu.memory_space<hbm>> -> memref<32x128xf32, #tpu.memory_space<hbm>>
    tpu.wait_dma2 semaphore(%arg18 : memref<!tpu.dma_semaphore, #tpu.memory_space<semaphore_mem>>) src(%dma_wait3A_610 : memref<32x128xf32, #tpu.memory_space<hbm>>) dst(%dma_wait3A_607 : memref<32x128xf32, #tpu.memory_space<vmem>>)
    %dma_wait3A_611 = arith.constant 0 : i32
    %dma_wait3A_612 = arith.constant 0 : i32
    %dma_wait3A_613 = arith.constant 0 : i32
    %dma_wait3A_614 = tpu.memref_slice %arg10[%dma_wait3A_611, %dma_wait3A_612, %dma_wait3A_613] : memref<4x32x128xf32, #tpu.memory_space<vmem>> -> memref<1x32x128xf32, #tpu.memory_space<vmem>>
    %dma_wait3A_615 = tpu.memref_squeeze %dma_wait3A_614 : memref<1x32x128xf32, #tpu.memory_space<vmem>> -> memref<32x128xf32, #tpu.memory_space<vmem>>
    %dma_wait3A_616 = arith.constant 0 : i32
    %dma_wait3A_617 = arith.constant 0 : i32
    %dma_wait3A_618 = tpu.memref_slice %arg4[%dma_wait3A_616, %dma_wait3A_617] : memref<32x1000000xf32, #tpu.memory_space<hbm>> -> memref<32x128xf32, #tpu.memory_space<hbm>>
    %dma_wait3A_619 = arith.constant 0 : i32
    %dma_wait3A_620 = arith.constant 0 : i32
    %dma_wait3A_621 = tpu.memref_slice %arg10[%dma_wait3A_611, %dma_wait3A_619, %dma_wait3A_620] : memref<4x32x128xf32, #tpu.memory_space<vmem>> -> memref<1x32x128xf32, #tpu.memory_space<vmem>>
    %dma_wait3A_622 = tpu.memref_squeeze %dma_wait3A_621 : memref<1x32x128xf32, #tpu.memory_space<vmem>> -> memref<32x128xf32, #tpu.memory_space<vmem>>
    %dma_wait3A_623 = arith.constant 0 : i32
    %dma_wait3A_624 = arith.constant 0 : i32
    %dma_wait3A_625 = tpu.memref_slice %arg4[%dma_wait3A_623, %dma_wait3A_624] : memref<32x1000000xf32, #tpu.memory_space<hbm>> -> memref<32x128xf32, #tpu.memory_space<hbm>>
    tpu.wait_dma2 semaphore(%arg18 : memref<!tpu.dma_semaphore, #tpu.memory_space<semaphore_mem>>) src(%dma_wait3A_625 : memref<32x128xf32, #tpu.memory_space<hbm>>) dst(%dma_wait3A_622 : memref<32x128xf32, #tpu.memory_space<vmem>>)
    %dma_wait3A_626 = arith.constant 0 : i32
    %dma_wait3A_627 = arith.constant 0 : i32
    %dma_wait3A_628 = arith.constant 0 : i32
    %dma_wait3A_629 = tpu.memref_slice %arg10[%dma_wait3A_626, %dma_wait3A_627, %dma_wait3A_628] : memref<4x32x128xf32, #tpu.memory_space<vmem>> -> memref<1x32x128xf32, #tpu.memory_space<vmem>>
    %dma_wait3A_630 = tpu.memref_squeeze %dma_wait3A_629 : memref<1x32x128xf32, #tpu.memory_space<vmem>> -> memref<32x128xf32, #tpu.memory_space<vmem>>
    %dma_wait3A_631 = arith.constant 0 : i32
    %dma_wait3A_632 = arith.constant 0 : i32
    %dma_wait3A_633 = tpu.memref_slice %arg4[%dma_wait3A_631, %dma_wait3A_632] : memref<32x1000000xf32, #tpu.memory_space<hbm>> -> memref<32x128xf32, #tpu.memory_space<hbm>>
    %dma_wait3A_634 = arith.constant 0 : i32
    %dma_wait3A_635 = arith.constant 0 : i32
    %dma_wait3A_636 = tpu.memref_slice %arg10[%dma_wait3A_626, %dma_wait3A_634, %dma_wait3A_635] : memref<4x32x128xf32, #tpu.memory_space<vmem>> -> memref<1x32x128xf32, #tpu.memory_space<vmem>>
    %dma_wait3A_637 = tpu.memref_squeeze %dma_wait3A_636 : memref<1x32x128xf32, #tpu.memory_space<vmem>> -> memref<32x128xf32, #tpu.memory_space<vmem>>
    %dma_wait3A_638 = arith.constant 0 : i32
    %dma_wait3A_639 = arith.constant 0 : i32
    %dma_wait3A_640 = tpu.memref_slice %arg4[%dma_wait3A_638, %dma_wait3A_639] : memref<32x1000000xf32, #tpu.memory_space<hbm>> -> memref<32x128xf32, #tpu.memory_space<hbm>>
    tpu.wait_dma2 semaphore(%arg18 : memref<!tpu.dma_semaphore, #tpu.memory_space<semaphore_mem>>) src(%dma_wait3A_640 : memref<32x128xf32, #tpu.memory_space<hbm>>) dst(%dma_wait3A_637 : memref<32x128xf32, #tpu.memory_space<vmem>>)
    %dma_wait3A_641 = arith.constant 0 : i32
    %dma_wait3A_642 = arith.constant 0 : i32
    %dma_wait3A_643 = arith.constant 0 : i32
    %dma_wait3A_644 = tpu.memref_slice %arg10[%dma_wait3A_641, %dma_wait3A_642, %dma_wait3A_643] : memref<4x32x128xf32, #tpu.memory_space<vmem>> -> memref<1x32x128xf32, #tpu.memory_space<vmem>>
    %dma_wait3A_645 = tpu.memref_squeeze %dma_wait3A_644 : memref<1x32x128xf32, #tpu.memory_space<vmem>> -> memref<32x128xf32, #tpu.memory_space<vmem>>
    %dma_wait3A_646 = arith.constant 0 : i32
    %dma_wait3A_647 = arith.constant 0 : i32
    %dma_wait3A_648 = tpu.memref_slice %arg4[%dma_wait3A_646, %dma_wait3A_647] : memref<32x1000000xf32, #tpu.memory_space<hbm>> -> memref<32x128xf32, #tpu.memory_space<hbm>>
    %dma_wait3A_649 = arith.constant 0 : i32
    %dma_wait3A_650 = arith.constant 0 : i32
    %dma_wait3A_651 = tpu.memref_slice %arg10[%dma_wait3A_641, %dma_wait3A_649, %dma_wait3A_650] : memref<4x32x128xf32, #tpu.memory_space<vmem>> -> memref<1x32x128xf32, #tpu.memory_space<vmem>>
    %dma_wait3A_652 = tpu.memref_squeeze %dma_wait3A_651 : memref<1x32x128xf32, #tpu.memory_space<vmem>> -> memref<32x128xf32, #tpu.memory_space<vmem>>
    %dma_wait3A_653 = arith.constant 0 : i32
    %dma_wait3A_654 = arith.constant 0 : i32
    %dma_wait3A_655 = tpu.memref_slice %arg4[%dma_wait3A_653, %dma_wait3A_654] : memref<32x1000000xf32, #tpu.memory_space<hbm>> -> memref<32x128xf32, #tpu.memory_space<hbm>>
    tpu.wait_dma2 semaphore(%arg18 : memref<!tpu.dma_semaphore, #tpu.memory_space<semaphore_mem>>) src(%dma_wait3A_655 : memref<32x128xf32, #tpu.memory_space<hbm>>) dst(%dma_wait3A_652 : memref<32x128xf32, #tpu.memory_space<vmem>>)
    %dma_wait3A_656 = arith.constant 0 : i32
    %dma_wait3A_657 = arith.constant 0 : i32
    %dma_wait3A_658 = arith.constant 0 : i32
    %dma_wait3A_659 = tpu.memref_slice %arg10[%dma_wait3A_656, %dma_wait3A_657, %dma_wait3A_658] : memref<4x32x128xf32, #tpu.memory_space<vmem>> -> memref<1x32x128xf32, #tpu.memory_space<vmem>>
    %dma_wait3A_660 = tpu.memref_squeeze %dma_wait3A_659 : memref<1x32x128xf32, #tpu.memory_space<vmem>> -> memref<32x128xf32, #tpu.memory_space<vmem>>
    %dma_wait3A_661 = arith.constant 0 : i32
    %dma_wait3A_662 = arith.constant 0 : i32
    %dma_wait3A_663 = tpu.memref_slice %arg4[%dma_wait3A_661, %dma_wait3A_662] : memref<32x1000000xf32, #tpu.memory_space<hbm>> -> memref<32x128xf32, #tpu.memory_space<hbm>>
    %dma_wait3A_664 = arith.constant 0 : i32
    %dma_wait3A_665 = arith.constant 0 : i32
    %dma_wait3A_666 = tpu.memref_slice %arg10[%dma_wait3A_656, %dma_wait3A_664, %dma_wait3A_665] : memref<4x32x128xf32, #tpu.memory_space<vmem>> -> memref<1x32x128xf32, #tpu.memory_space<vmem>>
    %dma_wait3A_667 = tpu.memref_squeeze %dma_wait3A_666 : memref<1x32x128xf32, #tpu.memory_space<vmem>> -> memref<32x128xf32, #tpu.memory_space<vmem>>
    %dma_wait3A_668 = arith.constant 0 : i32
    %dma_wait3A_669 = arith.constant 0 : i32
    %dma_wait3A_670 = tpu.memref_slice %arg4[%dma_wait3A_668, %dma_wait3A_669] : memref<32x1000000xf32, #tpu.memory_space<hbm>> -> memref<32x128xf32, #tpu.memory_space<hbm>>
    tpu.wait_dma2 semaphore(%arg18 : memref<!tpu.dma_semaphore, #tpu.memory_space<semaphore_mem>>) src(%dma_wait3A_670 : memref<32x128xf32, #tpu.memory_space<hbm>>) dst(%dma_wait3A_667 : memref<32x128xf32, #tpu.memory_space<vmem>>)
    %dma_wait3A_671 = arith.constant 0 : i32
    %dma_wait3A_672 = arith.constant 0 : i32
    %dma_wait3A_673 = arith.constant 0 : i32
    %dma_wait3A_674 = tpu.memref_slice %arg10[%dma_wait3A_671, %dma_wait3A_672, %dma_wait3A_673] : memref<4x32x128xf32, #tpu.memory_space<vmem>> -> memref<1x32x128xf32, #tpu.memory_space<vmem>>
    %dma_wait3A_675 = tpu.memref_squeeze %dma_wait3A_674 : memref<1x32x128xf32, #tpu.memory_space<vmem>> -> memref<32x128xf32, #tpu.memory_space<vmem>>
    %dma_wait3A_676 = arith.constant 0 : i32
    %dma_wait3A_677 = arith.constant 0 : i32
    %dma_wait3A_678 = tpu.memref_slice %arg4[%dma_wait3A_676, %dma_wait3A_677] : memref<32x1000000xf32, #tpu.memory_space<hbm>> -> memref<32x128xf32, #tpu.memory_space<hbm>>
    %dma_wait3A_679 = arith.constant 0 : i32
    %dma_wait3A_680 = arith.constant 0 : i32
    %dma_wait3A_681 = tpu.memref_slice %arg10[%dma_wait3A_671, %dma_wait3A_679, %dma_wait3A_680] : memref<4x32x128xf32, #tpu.memory_space<vmem>> -> memref<1x32x128xf32, #tpu.memory_space<vmem>>
    %dma_wait3A_682 = tpu.memref_squeeze %dma_wait3A_681 : memref<1x32x128xf32, #tpu.memory_space<vmem>> -> memref<32x128xf32, #tpu.memory_space<vmem>>
    %dma_wait3A_683 = arith.constant 0 : i32
    %dma_wait3A_684 = arith.constant 0 : i32
    %dma_wait3A_685 = tpu.memref_slice %arg4[%dma_wait3A_683, %dma_wait3A_684] : memref<32x1000000xf32, #tpu.memory_space<hbm>> -> memref<32x128xf32, #tpu.memory_space<hbm>>
    tpu.wait_dma2 semaphore(%arg18 : memref<!tpu.dma_semaphore, #tpu.memory_space<semaphore_mem>>) src(%dma_wait3A_685 : memref<32x128xf32, #tpu.memory_space<hbm>>) dst(%dma_wait3A_682 : memref<32x128xf32, #tpu.memory_space<vmem>>)
    %dma_wait3A_686 = arith.constant 0 : i32
    %dma_wait3A_687 = arith.constant 0 : i32
    %dma_wait3A_688 = arith.constant 0 : i32
    %dma_wait3A_689 = tpu.memref_slice %arg10[%dma_wait3A_686, %dma_wait3A_687, %dma_wait3A_688] : memref<4x32x128xf32, #tpu.memory_space<vmem>> -> memref<1x32x128xf32, #tpu.memory_space<vmem>>
    %dma_wait3A_690 = tpu.memref_squeeze %dma_wait3A_689 : memref<1x32x128xf32, #tpu.memory_space<vmem>> -> memref<32x128xf32, #tpu.memory_space<vmem>>
    %dma_wait3A_691 = arith.constant 0 : i32
    %dma_wait3A_692 = arith.constant 0 : i32
    %dma_wait3A_693 = tpu.memref_slice %arg4[%dma_wait3A_691, %dma_wait3A_692] : memref<32x1000000xf32, #tpu.memory_space<hbm>> -> memref<32x128xf32, #tpu.memory_space<hbm>>
    %dma_wait3A_694 = arith.constant 0 : i32
    %dma_wait3A_695 = arith.constant 0 : i32
    %dma_wait3A_696 = tpu.memref_slice %arg10[%dma_wait3A_686, %dma_wait3A_694, %dma_wait3A_695] : memref<4x32x128xf32, #tpu.memory_space<vmem>> -> memref<1x32x128xf32, #tpu.memory_space<vmem>>
    %dma_wait3A_697 = tpu.memref_squeeze %dma_wait3A_696 : memref<1x32x128xf32, #tpu.memory_space<vmem>> -> memref<32x128xf32, #tpu.memory_space<vmem>>
    %dma_wait3A_698 = arith.constant 0 : i32
    %dma_wait3A_699 = arith.constant 0 : i32
    %dma_wait3A_700 = tpu.memref_slice %arg4[%dma_wait3A_698, %dma_wait3A_699] : memref<32x1000000xf32, #tpu.memory_space<hbm>> -> memref<32x128xf32, #tpu.memory_space<hbm>>
    tpu.wait_dma2 semaphore(%arg18 : memref<!tpu.dma_semaphore, #tpu.memory_space<semaphore_mem>>) src(%dma_wait3A_700 : memref<32x128xf32, #tpu.memory_space<hbm>>) dst(%dma_wait3A_697 : memref<32x128xf32, #tpu.memory_space<vmem>>)
    %dma_wait3A_701 = arith.constant 0 : i32
    %dma_wait3A_702 = arith.constant 0 : i32
    %dma_wait3A_703 = arith.constant 0 : i32
    %dma_wait3A_704 = tpu.memref_slice %arg10[%dma_wait3A_701, %dma_wait3A_702, %dma_wait3A_703] : memref<4x32x128xf32, #tpu.memory_space<vmem>> -> memref<1x32x128xf32, #tpu.memory_space<vmem>>
    %dma_wait3A_705 = tpu.memref_squeeze %dma_wait3A_704 : memref<1x32x128xf32, #tpu.memory_space<vmem>> -> memref<32x128xf32, #tpu.memory_space<vmem>>
    %dma_wait3A_706 = arith.constant 0 : i32
    %dma_wait3A_707 = arith.constant 0 : i32
    %dma_wait3A_708 = tpu.memref_slice %arg4[%dma_wait3A_706, %dma_wait3A_707] : memref<32x1000000xf32, #tpu.memory_space<hbm>> -> memref<32x128xf32, #tpu.memory_space<hbm>>
    %dma_wait3A_709 = arith.constant 0 : i32
    %dma_wait3A_710 = arith.constant 0 : i32
    %dma_wait3A_711 = tpu.memref_slice %arg10[%dma_wait3A_701, %dma_wait3A_709, %dma_wait3A_710] : memref<4x32x128xf32, #tpu.memory_space<vmem>> -> memref<1x32x128xf32, #tpu.memory_space<vmem>>
    %dma_wait3A_712 = tpu.memref_squeeze %dma_wait3A_711 : memref<1x32x128xf32, #tpu.memory_space<vmem>> -> memref<32x128xf32, #tpu.memory_space<vmem>>
    %dma_wait3A_713 = arith.constant 0 : i32
    %dma_wait3A_714 = arith.constant 0 : i32
    %dma_wait3A_715 = tpu.memref_slice %arg4[%dma_wait3A_713, %dma_wait3A_714] : memref<32x1000000xf32, #tpu.memory_space<hbm>> -> memref<32x128xf32, #tpu.memory_space<hbm>>
    tpu.wait_dma2 semaphore(%arg18 : memref<!tpu.dma_semaphore, #tpu.memory_space<semaphore_mem>>) src(%dma_wait3A_715 : memref<32x128xf32, #tpu.memory_space<hbm>>) dst(%dma_wait3A_712 : memref<32x128xf32, #tpu.memory_space<vmem>>)
    %get3A_716 = arith.constant 508 : index
    %get3A_717 = tpu.vector_load %arg7[%get3A_716] {strides = array<i32>} : memref<528xi32, #tpu.memory_space<vmem>>, vector<16xi32>,
    %get3A_718 = arith.constant 508 : index
    %get3A_719 = tpu.vector_load %arg8[%get3A_718] {strides = array<i32>} : memref<528xi32, #tpu.memory_space<vmem>>, vector<16xi32>,
    %broadcast_in_dim3A_720 = arith.constant 0 : i32
    %broadcast_in_dim3A_721 = vector.broadcast %broadcast_in_dim3A_720 : i32 to vector<16xi32>
    %eq3A_722 = arith.constant 0 : i32
    %eq3A_723 = vector.broadcast %eq3A_722 : i32 to vector<16xi32>
    %eq3A_724 = arith.cmpi eq, %select_n3A, %eq3A_723 : vector<16xi32>
    %slice3A_725 = vector.extract_strided_slice %get3A_717 {offsets = [0], sizes = [1], strides = [1]} : vector<16xi32> to vector<1xi32>
    %squeeze3A_726 = vector.extract %slice3A_725[0] : i32 from vector<1xi32>
    %and3A_727 = arith.constant 127 : i32
    %and3A_728 = arith.andi %squeeze3A_726, %and3A_727 : i32
    %broadcast_in_dim3A_729 = vector.broadcast %and3A_728 : i32 to vector<16xi32>
    %select_n3A_730 = arith.select %eq3A_724, %broadcast_in_dim3A_729, %broadcast_in_dim3A_721 : vector<16xi1>, vector<16xi32>
    %eq3A_731 = arith.constant 1 : i32
    %eq3A_732 = vector.broadcast %eq3A_731 : i32 to vector<16xi32>
    %eq3A_733 = arith.cmpi eq, %select_n3A, %eq3A_732 : vector<16xi32>
    %slice3A_734 = vector.extract_strided_slice %get3A_717 {offsets = [1], sizes = [1], strides = [1]} : vector<16xi32> to vector<1xi32>
    %squeeze3A_735 = vector.extract %slice3A_734[0] : i32 from vector<1xi32>
    %and3A_736 = arith.constant 127 : i32
    %and3A_737 = arith.andi %squeeze3A_735, %and3A_736 : i32
    %broadcast_in_dim3A_738 = vector.broadcast %and3A_737 : i32 to vector<16xi32>
    %select_n3A_739 = arith.select %eq3A_733, %broadcast_in_dim3A_738, %select_n3A_730 : vector<16xi1>, vector<16xi32>
    %eq3A_740 = arith.constant 2 : i32
    %eq3A_741 = vector.broadcast %eq3A_740 : i32 to vector<16xi32>
    %eq3A_742 = arith.cmpi eq, %select_n3A, %eq3A_741 : vector<16xi32>
    %slice3A_743 = vector.extract_strided_slice %get3A_717 {offsets = [2], sizes = [1], strides = [1]} : vector<16xi32> to vector<1xi32>
    %squeeze3A_744 = vector.extract %slice3A_743[0] : i32 from vector<1xi32>
    %and3A_745 = arith.constant 127 : i32
    %and3A_746 = arith.andi %squeeze3A_744, %and3A_745 : i32
    %broadcast_in_dim3A_747 = vector.broadcast %and3A_746 : i32 to vector<16xi32>
    %select_n3A_748 = arith.select %eq3A_742, %broadcast_in_dim3A_747, %select_n3A_739 : vector<16xi1>, vector<16xi32>
    %eq3A_749 = arith.constant 3 : i32
    %eq3A_750 = vector.broadcast %eq3A_749 : i32 to vector<16xi32>
    %eq3A_751 = arith.cmpi eq, %select_n3A, %eq3A_750 : vector<16xi32>
    %slice3A_752 = vector.extract_strided_slice %get3A_717 {offsets = [3], sizes = [1], strides = [1]} : vector<16xi32> to vector<1xi32>
    %squeeze3A_753 = vector.extract %slice3A_752[0] : i32 from vector<1xi32>
    %and3A_754 = arith.constant 127 : i32
    %and3A_755 = arith.andi %squeeze3A_753, %and3A_754 : i32
    %broadcast_in_dim3A_756 = vector.broadcast %and3A_755 : i32 to vector<16xi32>
    %select_n3A_757 = arith.select %eq3A_751, %broadcast_in_dim3A_756, %select_n3A_748 : vector<16xi1>, vector<16xi32>
    %broadcast_in_dim3A_758 = arith.constant 0 : i32
    %broadcast_in_dim3A_759 = vector.broadcast %broadcast_in_dim3A_758 : i32 to vector<16xi32>
    %eq3A_760 = arith.constant 0 : i32
    %eq3A_761 = vector.broadcast %eq3A_760 : i32 to vector<16xi32>
    %eq3A_762 = arith.cmpi eq, %select_n3A, %eq3A_761 : vector<16xi32>
    %slice3A_763 = vector.extract_strided_slice %get3A_719 {offsets = [0], sizes = [1], strides = [1]} : vector<16xi32> to vector<1xi32>
    %squeeze3A_764 = vector.extract %slice3A_763[0] : i32 from vector<1xi32>
    %and3A_765 = arith.constant 127 : i32
    %and3A_766 = arith.andi %squeeze3A_764, %and3A_765 : i32
    %broadcast_in_dim3A_767 = vector.broadcast %and3A_766 : i32 to vector<16xi32>
    %select_n3A_768 = arith.select %eq3A_762, %broadcast_in_dim3A_767, %broadcast_in_dim3A_759 : vector<16xi1>, vector<16xi32>
    %eq3A_769 = arith.constant 1 : i32
    %eq3A_770 = vector.broadcast %eq3A_769 : i32 to vector<16xi32>
    %eq3A_771 = arith.cmpi eq, %select_n3A, %eq3A_770 : vector<16xi32>
    %slice3A_772 = vector.extract_strided_slice %get3A_719 {offsets = [1], sizes = [1], strides = [1]} : vector<16xi32> to vector<1xi32>
    %squeeze3A_773 = vector.extract %slice3A_772[0] : i32 from vector<1xi32>
    %and3A_774 = arith.constant 127 : i32
    %and3A_775 = arith.andi %squeeze3A_773, %and3A_774 : i32
    %broadcast_in_dim3A_776 = vector.broadcast %and3A_775 : i32 to vector<16xi32>
    %select_n3A_777 = arith.select %eq3A_771, %broadcast_in_dim3A_776, %select_n3A_768 : vector<16xi1>, vector<16xi32>
    %eq3A_778 = arith.constant 2 : i32
    %eq3A_779 = vector.broadcast %eq3A_778 : i32 to vector<16xi32>
    %eq3A_780 = arith.cmpi eq, %select_n3A, %eq3A_779 : vector<16xi32>
    %slice3A_781 = vector.extract_strided_slice %get3A_719 {offsets = [2], sizes = [1], strides = [1]} : vector<16xi32> to vector<1xi32>
    %squeeze3A_782 = vector.extract %slice3A_781[0] : i32 from vector<1xi32>
    %and3A_783 = arith.constant 127 : i32
    %and3A_784 = arith.andi %squeeze3A_782, %and3A_783 : i32
    %broadcast_in_dim3A_785 = vector.broadcast %and3A_784 : i32 to vector<16xi32>
    %select_n3A_786 = arith.select %eq3A_780, %broadcast_in_dim3A_785, %select_n3A_777 : vector<16xi1>, vector<16xi32>
    %eq3A_787 = arith.constant 3 : i32
    %eq3A_788 = vector.broadcast %eq3A_787 : i32 to vector<16xi32>
    %eq3A_789 = arith.cmpi eq, %select_n3A, %eq3A_788 : vector<16xi32>
    %slice3A_790 = vector.extract_strided_slice %get3A_719 {offsets = [3], sizes = [1], strides = [1]} : vector<16xi32> to vector<1xi32>
    %squeeze3A_791 = vector.extract %slice3A_790[0] : i32 from vector<1xi32>
    %and3A_792 = arith.constant 127 : i32
    %and3A_793 = arith.andi %squeeze3A_791, %and3A_792 : i32
    %broadcast_in_dim3A_794 = vector.broadcast %and3A_793 : i32 to vector<16xi32>
    %select_n3A_795 = arith.select %eq3A_789, %broadcast_in_dim3A_794, %select_n3A_786 : vector<16xi1>, vector<16xi32>
    %broadcast_in_dim3A_796 = arith.constant 0.000000e+00 : f32
    %broadcast_in_dim3A_797 = vector.broadcast %broadcast_in_dim3A_796 : f32 to vector<16xf32>
    %add3A_798 = arith.constant 0 : i32
    %add3A_799 = vector.broadcast %add3A_798 : i32 to vector<16xi32>
    %add3A_800 = arith.addi %sub3A_29, %add3A_799 : vector<16xi32>
    %gather3A_801 = tpu.vector_load_idx %arg10[%select_n3A, %add3A_800, %select_n3A_757] : memref<4x32x128xf32, #tpu.memory_space<vmem>>[vector<16xi32>, vector<16xi32>, vector<16xi32>], vector<16xf32>,
    %gather3A_802 = tpu.vector_load_idx %arg13[%select_n3A, %add3A_800, %select_n3A_795] : memref<4x32x128xf32, #tpu.memory_space<vmem>>[vector<16xi32>, vector<16xi32>, vector<16xi32>], vector<16xf32>,
    %mul3A_803 = arith.mulf %gather3A_801, %gather3A_802 : vector<16xf32>
    %add3A_804 = arith.addf %broadcast_in_dim3A_797, %mul3A_803 : vector<16xf32>
    %add3A_805 = arith.constant 4 : i32
    %add3A_806 = vector.broadcast %add3A_805 : i32 to vector<16xi32>
    %add3A_807 = arith.addi %sub3A_29, %add3A_806 : vector<16xi32>
    %gather3A_808 = tpu.vector_load_idx %arg10[%select_n3A, %add3A_807, %select_n3A_757] : memref<4x32x128xf32, #tpu.memory_space<vmem>>[vector<16xi32>, vector<16xi32>, vector<16xi32>], vector<16xf32>,
    %gather3A_809 = tpu.vector_load_idx %arg13[%select_n3A, %add3A_807, %select_n3A_795] : memref<4x32x128xf32, #tpu.memory_space<vmem>>[vector<16xi32>, vector<16xi32>, vector<16xi32>], vector<16xf32>,
    %mul3A_810 = arith.mulf %gather3A_808, %gather3A_809 : vector<16xf32>
    %add3A_811 = arith.addf %add3A_804, %mul3A_810 : vector<16xf32>
    %add3A_812 = arith.constant 8 : i32
    %add3A_813 = vector.broadcast %add3A_812 : i32 to vector<16xi32>
    %add3A_814 = arith.addi %sub3A_29, %add3A_813 : vector<16xi32>
    %gather3A_815 = tpu.vector_load_idx %arg10[%select_n3A, %add3A_814, %select_n3A_757] : memref<4x32x128xf32, #tpu.memory_space<vmem>>[vector<16xi32>, vector<16xi32>, vector<16xi32>], vector<16xf32>,
    %gather3A_816 = tpu.vector_load_idx %arg13[%select_n3A, %add3A_814, %select_n3A_795] : memref<4x32x128xf32, #tpu.memory_space<vmem>>[vector<16xi32>, vector<16xi32>, vector<16xi32>], vector<16xf32>,
    %mul3A_817 = arith.mulf %gather3A_815, %gather3A_816 : vector<16xf32>
    %add3A_818 = arith.addf %add3A_811, %mul3A_817 : vector<16xf32>
    %add3A_819 = arith.constant 12 : i32
    %add3A_820 = vector.broadcast %add3A_819 : i32 to vector<16xi32>
    %add3A_821 = arith.addi %sub3A_29, %add3A_820 : vector<16xi32>
    %gather3A_822 = tpu.vector_load_idx %arg10[%select_n3A, %add3A_821, %select_n3A_757] : memref<4x32x128xf32, #tpu.memory_space<vmem>>[vector<16xi32>, vector<16xi32>, vector<16xi32>], vector<16xf32>,
    %gather3A_823 = tpu.vector_load_idx %arg13[%select_n3A, %add3A_821, %select_n3A_795] : memref<4x32x128xf32, #tpu.memory_space<vmem>>[vector<16xi32>, vector<16xi32>, vector<16xi32>], vector<16xf32>,
    %mul3A_824 = arith.mulf %gather3A_822, %gather3A_823 : vector<16xf32>
    %add3A_825 = arith.addf %add3A_818, %mul3A_824 : vector<16xf32>
    %add3A_826 = arith.constant 16 : i32
    %add3A_827 = vector.broadcast %add3A_826 : i32 to vector<16xi32>
    %add3A_828 = arith.addi %sub3A_29, %add3A_827 : vector<16xi32>
    %gather3A_829 = tpu.vector_load_idx %arg10[%select_n3A, %add3A_828, %select_n3A_757] : memref<4x32x128xf32, #tpu.memory_space<vmem>>[vector<16xi32>, vector<16xi32>, vector<16xi32>], vector<16xf32>,
    %gather3A_830 = tpu.vector_load_idx %arg13[%select_n3A, %add3A_828, %select_n3A_795] : memref<4x32x128xf32, #tpu.memory_space<vmem>>[vector<16xi32>, vector<16xi32>, vector<16xi32>], vector<16xf32>,
    %mul3A_831 = arith.mulf %gather3A_829, %gather3A_830 : vector<16xf32>
    %add3A_832 = arith.addf %add3A_825, %mul3A_831 : vector<16xf32>
    %add3A_833 = arith.constant 20 : i32
    %add3A_834 = vector.broadcast %add3A_833 : i32 to vector<16xi32>
    %add3A_835 = arith.addi %sub3A_29, %add3A_834 : vector<16xi32>
    %gather3A_836 = tpu.vector_load_idx %arg10[%select_n3A, %add3A_835, %select_n3A_757] : memref<4x32x128xf32, #tpu.memory_space<vmem>>[vector<16xi32>, vector<16xi32>, vector<16xi32>], vector<16xf32>,
    %gather3A_837 = tpu.vector_load_idx %arg13[%select_n3A, %add3A_835, %select_n3A_795] : memref<4x32x128xf32, #tpu.memory_space<vmem>>[vector<16xi32>, vector<16xi32>, vector<16xi32>], vector<16xf32>,
    %mul3A_838 = arith.mulf %gather3A_836, %gather3A_837 : vector<16xf32>
    %add3A_839 = arith.addf %add3A_832, %mul3A_838 : vector<16xf32>
    %add3A_840 = arith.constant 24 : i32
    %add3A_841 = vector.broadcast %add3A_840 : i32 to vector<16xi32>
    %add3A_842 = arith.addi %sub3A_29, %add3A_841 : vector<16xi32>
    %gather3A_843 = tpu.vector_load_idx %arg10[%select_n3A, %add3A_842, %select_n3A_757] : memref<4x32x128xf32, #tpu.memory_space<vmem>>[vector<16xi32>, vector<16xi32>, vector<16xi32>], vector<16xf32>,
    %gather3A_844 = tpu.vector_load_idx %arg13[%select_n3A, %add3A_842, %select_n3A_795] : memref<4x32x128xf32, #tpu.memory_space<vmem>>[vector<16xi32>, vector<16xi32>, vector<16xi32>], vector<16xf32>,
    %mul3A_845 = arith.mulf %gather3A_843, %gather3A_844 : vector<16xf32>
    %add3A_846 = arith.addf %add3A_839, %mul3A_845 : vector<16xf32>
    %add3A_847 = arith.constant 28 : i32
    %add3A_848 = vector.broadcast %add3A_847 : i32 to vector<16xi32>
    %add3A_849 = arith.addi %sub3A_29, %add3A_848 : vector<16xi32>
    %gather3A_850 = tpu.vector_load_idx %arg10[%select_n3A, %add3A_849, %select_n3A_757] : memref<4x32x128xf32, #tpu.memory_space<vmem>>[vector<16xi32>, vector<16xi32>, vector<16xi32>], vector<16xf32>,
    %gather3A_851 = tpu.vector_load_idx %arg13[%select_n3A, %add3A_849, %select_n3A_795] : memref<4x32x128xf32, #tpu.memory_space<vmem>>[vector<16xi32>, vector<16xi32>, vector<16xi32>], vector<16xf32>,
    %mul3A_852 = arith.mulf %gather3A_850, %gather3A_851 : vector<16xf32>
    %add3A_853 = arith.addf %add3A_846, %mul3A_852 : vector<16xf32>
    %swap3A_854 = arith.constant 2032 : index
    %swap3A_855 = tpu.vector_load %arg15[%swap3A_854] {strides = array<i32>} : memref<2048xf32, #tpu.memory_space<vmem>>, vector<16xf32>,
    tpu.vector_store %arg15[%swap3A_854], %add3A_853 {strides = array<i32>} : memref<2048xf32, #tpu.memory_space<vmem>>, vector<16xf32>,
    %mul3A_856 = arith.constant 16 : i32
    %mul3A_857 = vector.broadcast %mul3A_856 : i32 to vector<16xi32>
    %mul3A_858 = arith.muli %select_n3A, %mul3A_857 : vector<16xi32>
    %mul3A_859 = arith.constant 4 : i32
    %mul3A_860 = vector.broadcast %mul3A_859 : i32 to vector<16xi32>
    %mul3A_861 = arith.muli %sub3A_29, %mul3A_860 : vector<16xi32>
    %add3A_862 = arith.addi %mul3A_858, %mul3A_861 : vector<16xi32>
    %scan3A_863 = arith.constant 0 : i32
    %scan3A_864 = arith.constant 32 : i32
    %scan3A_865 = arith.addi %scan3A_863, %scan3A_864 : i32
    %scan3A_866 = arith.constant 1 : i32
    scf.for %scan3A_868 = %scan3A_863 to %scan3A_865 step %scan3A_866  : i32 {
      %mul3A_869 = arith.constant 1 : i32
      %mul3A_870 = arith.muli %scan3A_868, %mul3A_869 : i32
      %add3A_871 = arith.constant 0 : i32
      %add3A_872 = arith.addi %add3A_871, %mul3A_870 : i32
      %broadcast_in_dim3A_873 = arith.constant 0.000000e+00 : f32
      %broadcast_in_dim3A_874 = vector.broadcast %broadcast_in_dim3A_873 : f32 to vector<16xf32>
      %mul3A_875 = arith.constant 64 : i32
      %mul3A_876 = arith.muli %add3A_872, %mul3A_875 : i32
      %add3A_877 = vector.broadcast %mul3A_876 : i32 to vector<16xi32>
      %add3A_878 = arith.addi %add3A_877, %add3A_862 : vector<16xi32>
      %add3A_879 = arith.constant 0 : i32
      %add3A_880 = vector.broadcast %add3A_879 : i32 to vector<16xi32>
      %add3A_881 = arith.addi %add3A_878, %add3A_880 : vector<16xi32>
      %gather3A_882 = tpu.vector_load_idx %arg15[%add3A_881] : memref<2048xf32, #tpu.memory_space<vmem>>[vector<16xi32>], vector<16xf32>,
      %add3A_883 = arith.addf %broadcast_in_dim3A_874, %gather3A_882 : vector<16xf32>
      %mul3A_884 = arith.constant 64 : i32
      %mul3A_885 = arith.muli %add3A_872, %mul3A_884 : i32
      %add3A_886 = vector.broadcast %mul3A_885 : i32 to vector<16xi32>
      %add3A_887 = arith.addi %add3A_886, %add3A_862 : vector<16xi32>
      %add3A_888 = arith.constant 1 : i32
      %add3A_889 = vector.broadcast %add3A_888 : i32 to vector<16xi32>
      %add3A_890 = arith.addi %add3A_887, %add3A_889 : vector<16xi32>
      %gather3A_891 = tpu.vector_load_idx %arg15[%add3A_890] : memref<2048xf32, #tpu.memory_space<vmem>>[vector<16xi32>], vector<16xf32>,
      %add3A_892 = arith.addf %add3A_883, %gather3A_891 : vector<16xf32>
      %mul3A_893 = arith.constant 64 : i32
      %mul3A_894 = arith.muli %add3A_872, %mul3A_893 : i32
      %add3A_895 = vector.broadcast %mul3A_894 : i32 to vector<16xi32>
      %add3A_896 = arith.addi %add3A_895, %add3A_862 : vector<16xi32>
      %add3A_897 = arith.constant 2 : i32
      %add3A_898 = vector.broadcast %add3A_897 : i32 to vector<16xi32>
      %add3A_899 = arith.addi %add3A_896, %add3A_898 : vector<16xi32>
      %gather3A_900 = tpu.vector_load_idx %arg15[%add3A_899] : memref<2048xf32, #tpu.memory_space<vmem>>[vector<16xi32>], vector<16xf32>,
      %add3A_901 = arith.addf %add3A_892, %gather3A_900 : vector<16xf32>
      %mul3A_902 = arith.constant 64 : i32
      %mul3A_903 = arith.muli %add3A_872, %mul3A_902 : i32
      %add3A_904 = vector.broadcast %mul3A_903 : i32 to vector<16xi32>
      %add3A_905 = arith.addi %add3A_904, %add3A_862 : vector<16xi32>
      %add3A_906 = arith.constant 3 : i32
      %add3A_907 = vector.broadcast %add3A_906 : i32 to vector<16xi32>
      %add3A_908 = arith.addi %add3A_905, %add3A_907 : vector<16xi32>
      %gather3A_909 = tpu.vector_load_idx %arg15[%add3A_908] : memref<2048xf32, #tpu.memory_space<vmem>>[vector<16xi32>], vector<16xf32>,
      %add3A_910 = arith.addf %add3A_901, %gather3A_909 : vector<16xf32>
      %mul3A_911 = arith.constant 16 : i32
      %mul3A_912 = arith.muli %add3A_872, %mul3A_911 : i32
      %swap3A_913 = arith.index_cast %mul3A_912 : i32 to index
      %swap3A_914 = tpu.vector_load %arg16[%swap3A_913] {strides = array<i32>} : memref<512xf32, #tpu.memory_space<vmem>>, vector<16xf32>,
      tpu.vector_store %arg16[%swap3A_913], %add3A_910 {strides = array<i32>} : memref<512xf32, #tpu.memory_space<vmem>>, vector<16xf32>,
    }
    %scan3A_867 = arith.constant 32 : i32
    "tpu.region"() ({
      %run_scoped3A = tpu.sem_alloc : memref<!tpu.dma_semaphore, #tpu.memory_space<semaphore_mem>>
      %dma_start3A_868 = tpu.memref_slice %arg6[%mul3A_2] : memref<16384xf32, #tpu.memory_space<hbm>> -> memref<512xf32, #tpu.memory_space<hbm>>
      %dma_start3A_869 = tpu.memref_slice %arg6[%mul3A_2] : memref<16384xf32, #tpu.memory_space<hbm>> -> memref<512xf32, #tpu.memory_space<hbm>>
      tpu.enqueue_dma source(%arg16 : memref<512xf32, #tpu.memory_space<vmem>>) target(%dma_start3A_869 : memref<512xf32, #tpu.memory_space<hbm>>) target_semaphore(%run_scoped3A : memref<!tpu.dma_semaphore, #tpu.memory_space<semaphore_mem>>)
      %dma_wait3A_870 = tpu.memref_slice %arg6[%mul3A_2] : memref<16384xf32, #tpu.memory_space<hbm>> -> memref<512xf32, #tpu.memory_space<hbm>>
      %dma_wait3A_871 = tpu.memref_slice %arg6[%mul3A_2] : memref<16384xf32, #tpu.memory_space<hbm>> -> memref<512xf32, #tpu.memory_space<hbm>>
      tpu.wait_dma2 semaphore(%run_scoped3A : memref<!tpu.dma_semaphore, #tpu.memory_space<semaphore_mem>>) src(%arg16 : memref<512xf32, #tpu.memory_space<vmem>>) dst(%dma_wait3A_871 : memref<512xf32, #tpu.memory_space<hbm>>)
      tpu.yield
    }) : () -> ()
    return
  }
}

</mosaic_0001>

<sc_bundles>
// kernel: kernel.3.cloned.1.call-start
scs
__scs_entry_jumppad:
0x0: {  	(pc) =	sbr.rel $0x88, $3  }
0x1: {  	(tag) =	ssettag $0x0;
	lr =	simm.s32 $0x1  }
0x2: {  	[smem:$0x3F9D] =	sst lr;
	_ =	strace $0xD0000000  }
0x3: {  	_ = 	snop  }
0x4: {  	_ = 	snop  }
0x5: {  	_ = 	snop  }
0x6: {  	_ = 	snop  }
0x7: {  	_ = 	snop  }
__scs_overlays_trampoline_lowered:
0x8: {  	[smem:$0x3FAC] =	sst s0  }
0x9: {  	[smem:$0x3FAD] =	sst s1  }
0xa: {  	[smem:$0x3FAE] =	sst s2  }
0xb: {  	[smem:$0x3FAF] =	sst s3  }
0xc: {  	[smem:$0x3FB0] =	sst s4  }
0xd: {  	[smem:$0x3FB1] =	sst s5  }
0xe: {  	[smem:$0x3FB2] =	sst s6  }
0xf: {  	[smem:$0x3FB3] =	sst s7  }
0x10: {  	[smem:$0x3FB4] =	sst s8  }
0x11: {  	[smem:$0x3FB5] =	sst s9;
	s0 =	simm.s32 @!p0 $0x0  }
0x12: {  	s1 =	sld [smem:$0x3F9B];
	s0 =	simm.s32 @p0 $0x1  }
0x13: {  	[smem:$0x3FB6] =	sst s0;
	s0 =	simm.s32 @!p1 $0x0  }
0x14: {  	s2 =	sld [smem:$0x3F9A];
	s0 =	simm.s32 @p1 $0x1  }
0x15: {  	[smem:$0x3FB7] =	sst s0;
	s0 =	simm.s32 @!p2 $0x0  }
0x16: {  	s3 =	sld [smem:$0x3FDB];
	s0 =	simm.s32 @p2 $0x1  }
0x17: {  	s4 =	simm.s32 $0x1BF5;
	[smem:$0x3FB9] =	sst s0  }
0x18: {  	s0 =	sld [smem:$0x3F9C];
	_ =	swait.ge [sflag:s4], $0x0  }
0x19: {  	s7 =	sld [smem:$0x3F9D]  }
0x1a: {  	s8 =	sadd.s32 $0xFFFFE003, lr  }
0x1b: {  	s9 =	sadd.s32 $0xFFFFFEF7, lr;
	s5 =	simm.s32 $0xFFFFFFFF;
	p2 =	slt.u32 s8, $0xFFFFF086  }
0x1c: {  	p1 =	slt.u32 s9, $0xF7A;
	s5 =	simm.s32 @!p2 $0x0  }
0x1d: {  	s5 =	simm.s32 @p1 $0x1;
	p0 =	seq.s32 s7, s2  }
0x1e: {  	s7 =	smul.u32 @!p0 $0xF7A, s2;
	p2 =	seq.s32 @!p0 s5, $0x0  }
0x1f: {  	s9 =	smul.u32 $0xF7A, s1;
	s8 =	simm.s32 @!p0 $0x1BF5;
	p2 =	por !p2, p0  }
0x20: {  	[sflag:s8] =	ssyncset.s32 @!p0 $0xFFFFF086;
	s6 =	sadd.s32 @!p0 s3, s7;
	s7 =	simm.s32 @!p0 $0x108  }
0x21: {  	s3 =	sadd.s32 s3, s9;
	s6 =	sadd.s32 @!p0 $0x88, s6;
	s7 =	simm.s32 @p2 $0x1082  }
0x22: {  	[simem:s7], [sflag:s8] =	dma.local @!p0 [hbm:s6], $0xF7A  }
0x23: {  	s9 =	sor.u32 $0xD0000000, s2;
	s6 =	simm.s32 $0x108;
	_ =	swait.ge @!p0 [sflag:s8], $0x0  }
0x24: {  	s3 =	sadd.s32 $0x88, s3;
	s6 =	simm.s32 @!p1 $0x1082;
	[sflag:s4] =	ssyncset.s32 $0xFFFFF086  }
0x25: {  	[simem:s6], [sflag:s4] =	dma.local [hbm:s3], $0xF7A  }
0x26: {  	[smem:$0x3F9D] =	sst s1;
	(tag) =	ssettag s2;
	_ =	strace s9  }
0x27: {  	s1 =	sld [smem:$0x3FAD]  }
0x28: {  	s2 =	sld [smem:$0x3FAE]  }
0x29: {  	s4 =	sld [smem:$0x3FB0]  }
0x2a: {  	p0 =	seq.s32 s5, $0x0;
	s5 =	sld [smem:$0x3FB1]  }
0x2b: {  	s6 =	sld [smem:$0x3FB2]  }
0x2c: {  	s7 =	sld [smem:$0x3FB3]  }
0x2d: {  	s3 =	simm.s32 $0x108;
	s8 =	sld [smem:$0x3FB4]  }
0x2e: {  	s3 =	simm.s32 @!p0 $0x1082;
	s9 =	sld [smem:$0x3FB5]  }
0x2f: {  	lr =	sadd.s32 s0, s3;
	s0 =	sld [smem:$0x3FAC]  }
0x30: {  	s3 =	sld [smem:$0x3FAF]  }
0x31: {  	[smem:$0x3FB8] =	sst s10  }
0x32: {  	s10 =	sld [smem:$0x3FB6];
	_ =	sdelay $0x3  }
0x33: {  	p0 =	seq.s32 s10, $0x1;
	s10 =	sld [smem:$0x3FB8];
	_ =	sdelay $0x3  }
0x34: {  	[smem:$0x3FB8] =	sst s10  }
0x35: {  	s10 =	sld [smem:$0x3FB7];
	_ =	sdelay $0x3  }
0x36: {  	p1 =	seq.s32 s10, $0x1;
	s10 =	sld [smem:$0x3FB8];
	_ =	sdelay $0x3  }
0x37: {  	[smem:$0x3FB8] =	sst s10  }
0x38: {  	s10 =	sld [smem:$0x3FB9]  }
0x39: {  	_ = 	snop;
	(pc) =	sbr.ind lr, $3  }
0x3a: {  	_ = 	snop  }
0x3b: {  	_ = 	snop  }
0x3c: {  	p2 =	seq.s32 s10, $0x1;
	s10 =	sld [smem:$0x3FB8]  }
0x3d: {  	_ =	shalt  }
0x3e: {  	_ =	shalt  }
0x3f: {  	_ =	shalt  }
0x40: {  	_ =	shalt  }
0x41: {  	_ =	shalt  }
0x42: {  	_ =	shalt  }
0x43: {  	_ =	shalt  }
0x44: {  	_ =	shalt  }
0x45: {  	_ =	shalt  }
0x46: {  	_ =	shalt  }
0x47: {  	_ =	shalt  }
0x48: {  	_ =	shalt  }
0x49: {  	_ =	shalt  }
0x4a: {  	_ =	shalt  }
0x4b: {  	_ =	shalt  }
0x4c: {  	_ =	shalt  }
0x4d: {  	_ =	shalt  }
0x4e: {  	_ =	shalt  }
0x4f: {  	_ =	shalt  }
0x50: {  	_ =	shalt  }
0x51: {  	_ =	shalt  }
0x52: {  	_ =	shalt  }
0x53: {  	_ =	shalt  }
0x54: {  	_ =	shalt  }
0x55: {  	_ =	shalt  }
0x56: {  	_ =	shalt  }
0x57: {  	_ =	shalt  }
0x58: {  	_ =	shalt  }
0x59: {  	_ =	shalt  }
0x5a: {  	_ =	shalt  }
0x5b: {  	_ =	shalt  }
0x5c: {  	_ =	shalt  }
0x5d: {  	_ =	shalt  }
0x5e: {  	_ =	shalt  }
0x5f: {  	_ =	shalt  }
0x60: {  	_ =	shalt  }
0x61: {  	_ =	shalt  }
0x62: {  	_ =	shalt  }
0x63: {  	_ =	shalt  }
0x64: {  	_ =	shalt  }
0x65: {  	_ =	shalt  }
0x66: {  	_ =	shalt  }
0x67: {  	_ =	shalt  }
0x68: {  	_ =	shalt  }
0x69: {  	_ =	shalt  }
0x6a: {  	_ =	shalt  }
0x6b: {  	_ =	shalt  }
0x6c: {  	_ =	shalt  }
0x6d: {  	_ =	shalt  }
0x6e: {  	_ =	shalt  }
0x6f: {  	_ =	shalt  }
0x70: {  	_ =	shalt  }
0x71: {  	_ =	shalt  }
0x72: {  	_ =	shalt  }
0x73: {  	_ =	shalt  }
0x74: {  	_ =	shalt  }
0x75: {  	_ =	shalt  }
0x76: {  	_ =	shalt  }
0x77: {  	_ =	shalt  }
0x78: {  	_ =	shalt  }
0x79: {  	_ =	shalt  }
0x7a: {  	_ =	shalt  }
0x7b: {  	_ =	shalt  }
0x7c: {  	_ =	shalt  }
0x7d: {  	_ =	shalt  }
0x7e: {  	_ =	shalt  }
0x7f: {  	_ =	shalt  }
0x80: {  	_ =	shalt  }
0x81: {  	_ =	shalt  }
0x82: {  	_ =	shalt  }
0x83: {  	_ =	shalt  }
0x84: {  	_ =	shalt  }
0x85: {  	_ =	shalt  }
0x86: {  	_ =	shalt  }
0x87: {  	_ =	shalt  }
.Lfunc_end0:
.L_simem_size_0:
called_computation_lowered:
.L_overlay_start_0:
0x88: {  	s2 =	sld [smem:$0x3FD9]  }
0x89: {  	s3 =	sld [smem:$0x3FFE];
	_ =	sdelay $0x1  }
0x8a: {  	s1 =	srdreg.scid  }
0x8b: {  	s0 =	sand.u32 $0x1, s1  }
0x8c: {  	s17 =	sshll.u32 s0, $0xA;
	s2 =	sadd.s32 s3, s2  }
0x8d: {  	s2 =	sadd.s32 s2, s17  }
0x8e: {  	[smem:$0x3FC4] =	sst s2  }
0x8f: {  	_ = 	snop  }
0x90: {  	s2 =	sld [smem:$0x3FC7]  }
0x91: {  	s18 =	sld [smem:$0x3FC6]  }
0x92: {  	s4 =	sld [smem:$0x3FD0];
	(tm) =	ssettm $0x1  }
0x93: {  	s5 =	sld [smem:$0x3FFB];
	_ =	sdelay $0x3  }
0x94: {  	_ =	strace s5  }
0x95: {  	s5 =	sld [smem:$0x3FFC];
	_ =	sdelay $0x3  }
0x96: {  	_ =	strace s5  }
0x97: {  	s5 =	sld [smem:$0x3FFD];
	_ =	sdelay $0x3  }
0x98: {  	_ =	strace s5  }
0x99: {  	_ =	strace $0x8FFFFFFF  }
0x9a: {  	s19 =	sld [smem:$0x3FDB];
	_ =	sdelay $0x1  }
0x9b: {  	s6 =	simm.s32 $_scs_section_size  }
0x9c: {  	s7 =	simm.s32 $_size__tile_overlayer_lowered;
	s8 =	simm.s32 $_tile_overlayer_lowered  }
0x9d: {  	s22 =	simm.s32 $0x1BFF;
	s21 =	sshll.u32 s8, $0x1;
	s5 =	sadd.s32 s6, s19  }
0x9e: {  	s9 =	simm.s32 $0x0;
	s20 =	sshll.u32 s7, $0x1;
	s7 =	sadd.s32 s21, s5  }
0x9f: {  	[timem:s9], [sflag:s22] =	dma.local [hbm:s7], s20  }
0xa0: {  	_ =	swait.ge [sflag:s22], s20  }
0xa1: {  	s6 =	ssub.s32 $0x0, s20;
	[sflag:s22] =	ssyncset.done $0x0  }
0xa2: {  	[sflag:s22] =	ssyncadd.s32 s6;
	_ =	sdelay $0x1  }
0xa3: {  	s23 =	simm.s32 $0x1B8B  }
0xa4: {  	_ =	swait.ge [sflag:s23], $0x1  }
0xa5: {  	[sflag:s23] =	ssyncset.done $0x0  }
0xa6: {  	s25 =	simm.s32 $0x1B8E;
	s24 =	sld [smem:$0x3FFE];
	[sflag:s23] =	ssyncadd.s32 $0xFFFFFFFF  }
0xa7: {  	s26 =	simm.s32 $execute0_lowered;
	[smem:$0x3FD2] =	sst s25  }
0xa8: {  	s7 =	sshll.u32 s26, $0x1;
	_ =	strace $0x80000046;
	[dreg:$0x1] =	wrdreg $0xFFFFFFFF  }
0xa9: {  	s28 =	simm.s32 $_size_execute0_lowered;
	s5 =	sadd.s32 s5, s7;
	[dreg:$0x0] =	wrdreg $0x0  }
0xaa: {  	s7 =	sshll.u32 s28, $0x1;
	[dreg:$0x2] =	wrdreg s5  }
0xab: {  	[dreg:$0x3] =	wrdreg s7  }
0xac: {  	[dreg:$0x4] =	wrdreg $0xC0  }
0xad: {  	_ =	task [dreg:s9], $0x5FFFF  }
0xae: {  	[dreg:$0x1] =	wrdreg $0xFFFFFFFF  }
0xaf: {  	[dreg:$0x0] =	wrdreg $0x60  }
0xb0: {  	[dreg:$0x2] =	wrdreg s24  }
0xb1: {  	[dreg:$0x3] =	wrdreg s18  }
0xb2: {  	[dreg:$0x4] =	wrdreg s2  }
0xb3: {  	[dreg:$0x5] =	wrdreg s4  }
0xb4: {  	[dreg:$0x6] =	wrdreg $0x9  }
0xb5: {  	_ =	task.clear_ibuf [dreg:s9], $0x7FFFF;
	_ =	strace $0x90000046  }
0xb6: {  	s29 =	simm.s32 $0x9;
	_ =	strace $0x80000048  }
0xb7: {  	_ =	swait.ge [sflag:s29], $0x1  }
0xb8: {  	[sflag:s29] =	ssyncadd.s32 $0xFFFFFFFF  }
0xb9: {  	_ =	strace $0x90000048  }
0xba: {  	_ =	sfence  }
0xbb: {  	s30 =	sld [smem:$0x0];
	_ =	sdelay $0x2  }
0xbc: {  	s31 =	sshll.u32 s1, $0xD;
	s1 =	sshrl.u32 s1, $0x2  }
0xbd: {  	s3 =	sand.u32 $0x4000, s31;
	s1 =	sadd.s32 s1, s30  }
0xbe: {  	s0 =	sor.u32 s3, s0;
	s1 =	sshll.u32 s1, $0x11  }
0xbf: {  	s0 =	sor.u32 s1, s0  }
0xc0: {  	s0 =	sadd.s32 $0x8F2B, s0  }
0xc1: {  	[sflag:s0] =	ssyncadd.remote.s32 $0x1  }
0xc2: {  	_ =	sfence.sel $0xFFFF  }
0xc3: {  	[dreg:$0x0] =	wrdreg $0xFFFFFFFF;
	(pc) =	sbr.abs _section_cstart, $3  }
0xc4: {  	[dreg:$0x1] =	wrdreg $0xFFFFFFFF  }
0xc5: {  	_ =	task.clear_ibuf [dreg:s9], $0x2FFFF;
	_ =	strace $0x9FFFFFFF  }
0xc6: {  	(tm) =	ssettm $0x7FFFFFFF  }
0xc7: {  	_ =	shalt  }
tec
execute0_lowered:
.L_overlay_start_1:
0x0: {  	(tag) =	ssettag $0x1  }
0x1: {  	v0 =	vimm.s32 $0x3180  }
0x2: {  	vm1 =	vcmask $0x300;
	vm2 =	vcmask $0x704;
	vm0 =	vcmask $0xB08  }
0x3: {  	v1 =	vimm.s32 $0x3380;
	v2 =	vimm.s32 $0x3580;
	v3 =	vimm.s32 $0x3780  }
0x4: {  	v4 =	vimm.s32 $0x3980;
	v5 =	vimm.s32 $0x3B80;
	v6 =	vimm.s32 $0x3D80  }
0x5: {  	v7 =	vimm.s32 $0x3F80;
	vm3 =	vcmask $0x3B38;
	v0 =	vsel vm1, $0x0, v0  }
0x6: {  	v1 =	vsel vm1, $0x200, v1;
	v2 =	vsel vm1, $0x400, v2;
	v3 =	vsel vm1, $0x600, v3  }
0x7: {  	v4 =	vsel vm1, $0x800, v4;
	v5 =	vsel vm1, $0xA00, v5;
	v6 =	vsel vm1, $0xC00, v6  }
0x8: {  	v7 =	vsel vm1, $0xE00, v7;
	vm1 =	vcmask $0xF0C;
	v0 =	vsel vm2, $0x80, v0  }
0x9: {  	v1 =	vsel vm2, $0x280, v1;
	v2 =	vsel vm2, $0x480, v2;
	v3 =	vsel vm2, $0x680, v3  }
0xa: {  	v4 =	vsel vm2, $0x880, v4;
	v5 =	vsel vm2, $0xA80, v5;
	v6 =	vsel vm2, $0xC80, v6  }
0xb: {  	v7 =	vsel vm2, $0xE80, v7;
	vm2 =	vcmask $0x1310;
	v0 =	vsel vm0, $0x100, v0  }
0xc: {  	v1 =	vsel vm0, $0x300, v1;
	v2 =	vsel vm0, $0x500, v2;
	v3 =	vsel vm0, $0x700, v3  }
0xd: {  	v4 =	vsel vm0, $0x900, v4;
	v5 =	vsel vm0, $0xB00, v5;
	v6 =	vsel vm0, $0xD00, v6  }
0xe: {  	v7 =	vsel vm0, $0xF00, v7;
	vm0 =	vcmask $0x1714;
	v0 =	vsel vm1, $0x180, v0  }
0xf: {  	v1 =	vsel vm1, $0x380, v1;
	v2 =	vsel vm1, $0x580, v2;
	v3 =	vsel vm1, $0x780, v3  }
0x10: {  	v4 =	vsel vm1, $0x980, v4;
	v5 =	vsel vm1, $0xB80, v5;
	v6 =	vsel vm1, $0xD80, v6  }
0x11: {  	v7 =	vsel vm1, $0xF80, v7;
	vm1 =	vcmask $0x1B18;
	v0 =	vsel vm2, $0x1000, v0  }
0x12: {  	v1 =	vsel vm2, $0x1200, v1;
	v2 =	vsel vm2, $0x1400, v2;
	v3 =	vsel vm2, $0x1600, v3  }
0x13: {  	v4 =	vsel vm2, $0x1800, v4;
	v5 =	vsel vm2, $0x1A00, v5;
	v6 =	vsel vm2, $0x1C00, v6  }
0x14: {  	v7 =	vsel vm2, $0x1E00, v7;
	vm2 =	vcmask $0x1F1C;
	v0 =	vsel vm0, $0x1080, v0  }
0x15: {  	v1 =	vsel vm0, $0x1280, v1;
	v2 =	vsel vm0, $0x1480, v2;
	v3 =	vsel vm0, $0x1680, v3  }
0x16: {  	v4 =	vsel vm0, $0x1880, v4;
	v5 =	vsel vm0, $0x1A80, v5;
	v6 =	vsel vm0, $0x1C80, v6  }
0x17: {  	v7 =	vsel vm0, $0x1E80, v7;
	vm0 =	vcmask $0x2320;
	v0 =	vsel vm1, $0x1100, v0  }
0x18: {  	v1 =	vsel vm1, $0x1300, v1;
	v2 =	vsel vm1, $0x1500, v2;
	v3 =	vsel vm1, $0x1700, v3  }
0x19: {  	v4 =	vsel vm1, $0x1900, v4;
	v5 =	vsel vm1, $0x1B00, v5;
	v6 =	vsel vm1, $0x1D00, v6  }
0x1a: {  	v7 =	vsel vm1, $0x1F00, v7;
	vm1 =	vcmask $0x2724;
	v0 =	vsel vm2, $0x1180, v0  }
0x1b: {  	v1 =	vsel vm2, $0x1380, v1;
	v2 =	vsel vm2, $0x1580, v2;
	v3 =	vsel vm2, $0x1780, v3  }
0x1c: {  	s2 =	rddreg [dreg:$0x0];
	v4 =	vsel vm2, $0x1980, v4;
	v5 =	vsel vm2, $0x1B80, v5;
	v6 =	vsel vm2, $0x1D80, v6  }
0x1d: {  	s0 =	rddreg [dreg:$0x1];
	v7 =	vsel vm2, $0x1F80, v7;
	vm2 =	vcmask $0x2B28;
	v0 =	vsel vm0, $0x2000, v0  }
0x1e: {  	s1 =	rddreg [dreg:$0x2];
	v1 =	vsel vm0, $0x2200, v1;
	v2 =	vsel vm0, $0x2400, v2;
	v3 =	vsel vm0, $0x2600, v3  }
0x1f: {  	s3 =	rddreg [dreg:$0x3];
	v4 =	vsel vm0, $0x2800, v4;
	v5 =	vsel vm0, $0x2A00, v5;
	v6 =	vsel vm0, $0x2C00, v6  }
0x20: {  	s4 =	srdreg.scid;
	s5 =	stileid.u32;
	s7 =	simm.s32 $0x0;
	v7 =	vsel vm0, $0x2E00, v7;
	vm0 =	vcmask $0x2F2C;
	v0 =	vsel vm1, $0x2080, v0  }
0x21: {  	s8 =	simm.s32 $0x4;
	s11 =	simm.s32 $0x400;
	s12 =	simm.s32 $0x7A1400;
	v1 =	vsel vm1, $0x2280, v1;
	v2 =	vsel vm1, $0x2480, v2;
	v3 =	vsel vm1, $0x2680, v3  }
0x22: {  	s13 =	simm.s32 $0x500;
	s14 =	simm.s32 $0xC500;
	s10 =	simm.s32 $0x1500;
	v4 =	vsel vm1, $0x2880, v4;
	v5 =	vsel vm1, $0x2A80, v5;
	v6 =	vsel vm1, $0x2C80, v6  }
0x23: {  	s15 =	simm.s32 $0xD500;
	s16 =	simm.s32 $0x2500;
	s21 =	simm.s32 $0x9500;
	v7 =	vsel vm1, $0x2E80, v7;
	vm1 =	vcmask $0x3330;
	v0 =	vsel vm2, $0x2100, v0  }
0x24: {  	s22 =	simm.s32 $0x15500;
	s23 =	simm.s32 $0xA500;
	s24 =	simm.s32 $0x16500;
	v1 =	vsel vm2, $0x2300, v1;
	v2 =	vsel vm2, $0x2500, v2;
	v3 =	vsel vm2, $0x2700, v3  }
0x25: {  	s25 =	simm.s32 $0xB500;
	s26 =	simm.s32 $0x17500;
	s28 =	simm.s32 $0x13500;
	v4 =	vsel vm2, $0x2900, v4;
	v5 =	vsel vm2, $0x2B00, v5;
	v6 =	vsel vm2, $0x2D00, v6  }
0x26: {  	s30 =	simm.s32 $0x8500;
	s31 =	simm.s32 $0x14500;
	[smem:$0x7FF] =	sst s7;
	v7 =	vsel vm2, $0x2F00, v7;
	vm2 =	vcmask $0x3734;
	v0 =	vsel vm0, $0x2180, v0  }
0x27: {  	s9 =	simm.s32 $0x3;
	_ =	strace $0x80000047;
	[dreg:$0x5] =	wrdreg s21;
	v1 =	vsel vm0, $0x2380, v1;
	v2 =	vsel vm0, $0x2580, v2;
	v3 =	vsel vm0, $0x2780, v3  }
0x28: {  	s29 =	simm.s32 $0x11500;
	s4 =	sand.u32 $0x1, s4;
	[dreg:$0x6] =	wrdreg s22;
	v4 =	vsel vm0, $0x2980, v4;
	v5 =	vsel vm0, $0x2B80, v5;
	v6 =	vsel vm0, $0x2D80, v6  }
0x29: {  	s5 =	sshll.u32 s5, $0x7;
	s6 =	sshll.u32 s4, $0x6;
	[dreg:$0x7] =	wrdreg s23;
	v7 =	vsel vm0, $0x2F80, v7;
	vm0 =	vmmov $0xf;
	v0 =	vsel vm1, $0x3000, v0  }
0x2a: {  	s4 =	ssub.s32 $0x2, s4;
	s21 =	simm.s32 $0x4500;
	[dreg:$0x8] =	wrdreg s24;
	v1 =	vsel vm1, $0x3200, v1;
	v2 =	vsel vm1, $0x3400, v2;
	v3 =	vsel vm1, $0x3600, v3  }
0x2b: {  	s22 =	simm.s32 $0x10500;
	[dreg:$0x9] =	wrdreg s25;
	s23 =	simm.s32 $0x11500;
	v4 =	vsel vm1, $0x3800, v4;
	v5 =	vsel vm1, $0x3A00, v5;
	v6 =	vsel vm1, $0x3C00, v6  }
0x2c: {  	[dreg:$0xa] =	wrdreg s26;
	s24 =	simm.s32 $0x6500;
	s25 =	simm.s32 $0x12500;
	v7 =	vsel vm1, $0x3E00, v7;
	vm1 =	vmmov $0xff;
	v0 =	vsel vm2, $0x3080, v0  }
0x2d: {  	s26 =	simm.s32 $0x7500;
	s5 =	sor.u32 s6, s5;
	s17 =	sshrl.u32 s4, $0x1;
	v1 =	vsel vm2, $0x3280, v1;
	v2 =	vsel vm2, $0x3480, v2;
	v3 =	vsel vm2, $0x3680, v3  }
0x2e: {  	s6 =	simm.s32 $0x0;
	s2 =	sadd.s32 s5, s2;
	s19 =	sadd.s32 s3, s5;
	v4 =	vsel vm2, $0x3880, v4;
	v5 =	vsel vm2, $0x3A80, v5;
	v8 =	vsel vm2, $0x3C80, v6  }
0x2f: {  	s4 =	ssub.s32 s4, s17;
	s18 =	sadd.s32 $0x400, s2;
	[dreg:$0xd] =	wrdreg s19;
	v9 =	vsel vm2, $0x3E80, v7;
	v6 =	vlaneseq.u32;
	vm2 =	vmmov $0xfff  }
0x30: {  	s17 =	simm.s32 $0xE500;
	s2 =	sadd.s32 $0xE00, s2;
	[dreg:$0xb] =	wrdreg s18;
	v0 =	vsel vm3, $0x3100, v0;
	v1 =	vsel vm3, $0x3300, v1;
	v2 =	vsel vm3, $0x3500, v2  }
0x31: {  	s3 =	simm.s32 $0x2;
	s20 =	smax.u32 s4, $0x1;
	[dreg:$0xc] =	wrdreg s2;
	v3 =	vsel vm3, $0x3700, v3;
	v4 =	vsel vm3, $0x3900, v4;
	v6 =	vmul.u32 $0x4, v6  }
0x32: {  	s5 =	simm.s32 $0x18500;
	s19 =	simm.s32 $0xF500;
	[dreg:$0xe] =	wrdreg s20;
	v5 =	vsel vm3, $0x3B00, v5;
	v7 =	vsel vm3, $0x3D00, v8;
	v8 =	vsel vm3, $0x3F00, v9  }
0x33: {  	s18 =	simm.s32 $0x3500;
	s20 =	simm.s32 $0x5500;
	s2 =	simm.s32 $0x1;
	v9 =	vor.u32 $0x1, v6;
	v10 =	vor.u32 $0x2, v6;
	v11 =	vor.u32 $0x3, v6  }
.LBB2_1:
0x34: {  	[dreg:$0xf] =	wrdreg s6  }
0x35: {  	s4 =	rddreg [dreg:$0xb]  }
0x36: {  	[tilespmem:s7], [sflag:$0x4] =	stream.linear.gather [hbm4b:s4+s7], $0x210, $0x38;
	[tilespmem:$0x18F00] =	vst v63  }
0x37: {  	_ =	swait.ge [sflag:s8], $0x210  }
0x38: {  	[sflag:s8] =	ssyncset.done $0x0  }
0x39: {  	s6 =	simm.s32 $0x280;
	s4 =	rddreg [dreg:$0xc];
	[sflag:s8] =	ssyncadd.s32 $0xFFFFFDF0  }
0x3a: {  	[tilespmem:s6], [sflag:$0x4] =	stream.linear.gather [hbm4b:s4+s7], $0x210, $0x38;
	[tilespmem:$0x18F00] =	vst v63  }
0x3b: {  	_ =	swait.ge [sflag:s8], $0x210  }
0x3c: {  	[sflag:s8] =	ssyncset.done $0x0  }
0x3d: {  	[sflag:s8] =	ssyncadd.s32 $0xFFFFFDF0  }
0x3e: {  	v12 =	vld [tilespmem:$0x0];
	_ =	sdelay $0x2  }
0x3f: {  	v13 =	vld [tilespmem:$0x280];
	_ =	sdelay $0x1  }
0x40: {  	(v2sf) =	vpush v12, $0x0;
	_ =	sdelay $0x2  }
0x41: {  	(v2sf) =	vpush v13, $0x0;
	_ =	sdelay $0x2  }
0x42: {  	(v2sf) =	vpush v12, $0x1;
	_ =	sdelay $0x4  }
0x43: {  	(v2sf) =	vpush v13, $0x1;
	_ =	sdelay $0x3  }
0x44: {  	s6 =	spop (v2sf);
	(v2sf) =	vpush v12, $0x2;
	_ =	sdelay $0x1  }
0x45: {  	s4 =	sand.u32 $0xFFFFF80, s6  }
0x46: {  	s7 =	spop (v2sf);
	s4 =	sadd.s32 s0, s4  }
0x47: {  	(v2sf) =	vpush v13, $0x2;
	[tilespmem:s13], [sflag:$0x1] =	stream.strided.gather [hbm4b:s4+s11], $0x1000, s12, s11, $0x38;
	[tilespmem:$0x18F00] =	vst v63  }
0x48: {  	s4 =	sand.u32 $0xFFFFF80, s7  }
0x49: {  	s8 =	spop (v2sf);
	(v2sf) =	vpush v12, $0x3;
	s4 =	sadd.s32 s1, s4  }
0x4a: {  	[tilespmem:s14], [sflag:$0x1] =	stream.strided.gather [hbm4b:s4+s11], $0x1000, s12, s11, $0x38;
	[tilespmem:$0x18F00] =	vst v63  }
0x4b: {  	s4 =	sand.u32 $0xFFFFF80, s8  }
0x4c: {  	(v2sf) =	vpush v13, $0x3;
	s4 =	sadd.s32 s0, s4  }
0x4d: {  	[tilespmem:s10], [sflag:$0x1] =	stream.strided.gather [hbm4b:s4+s11], $0x1000, s12, s11, $0x38;
	[tilespmem:$0x18F00] =	vst v63  }
0x4e: {  	s10 =	spop (v2sf)  }
0x4f: {  	s4 =	sand.u32 $0xFFFFF80, s10  }
0x50: {  	s4 =	sadd.s32 s1, s4  }
0x51: {  	[tilespmem:s15], [sflag:$0x1] =	stream.strided.gather [hbm4b:s4+s11], $0x1000, s12, s11, $0x38;
	[tilespmem:$0x18F00] =	vst v63  }
0x52: {  	s15 =	spop (v2sf)  }
0x53: {  	s4 =	sand.u32 $0xFFFFF80, s15  }
0x54: {  	s4 =	sadd.s32 s0, s4  }
0x55: {  	[tilespmem:s16], [sflag:$0x1] =	stream.strided.gather [hbm4b:s4+s11], $0x1000, s12, s11, $0x38;
	[tilespmem:$0x18F00] =	vst v63  }
0x56: {  	s16 =	spop (v2sf)  }
0x57: {  	s4 =	sand.u32 $0xFFFFF80, s16  }
0x58: {  	s6 =	spop (v2sf);
	s4 =	sadd.s32 s1, s4  }
0x59: {  	[tilespmem:s17], [sflag:$0x1] =	stream.strided.gather [hbm4b:s4+s11], $0x1000, s12, s11, $0x38;
	[tilespmem:$0x18F00] =	vst v63  }
0x5a: {  	s4 =	sand.u32 $0xFFFFF80, s6  }
0x5b: {  	s7 =	spop (v2sf);
	s4 =	sadd.s32 s0, s4  }
0x5c: {  	[tilespmem:s18], [sflag:$0x1] =	stream.strided.gather [hbm4b:s4+s11], $0x1000, s12, s11, $0x38;
	[tilespmem:$0x18F00] =	vst v63  }
0x5d: {  	s4 =	sand.u32 $0xFFFFF80, s7  }
0x5e: {  	s4 =	sadd.s32 s1, s4  }
0x5f: {  	[tilespmem:s19], [sflag:$0x1] =	stream.strided.gather [hbm4b:s4+s11], $0x1000, s12, s11, $0x38;
	[tilespmem:$0x18F00] =	vst v63  }
0x60: {  	v62 =	vld [tilespmem:$0x4];
	_ =	sdelay $0x1  }
0x61: {  	v63 =	vld [tilespmem:$0x284];
	_ =	sdelay $0x2  }
0x62: {  	(v2sf) =	vpush v62, $0x0;
	_ =	sdelay $0x1  }
0x63: {  	(v2sf) =	vpush v63, $0x0;
	_ =	sdelay $0x3  }
0x64: {  	(v2sf) =	vpush v62, $0x1;
	_ =	sdelay $0x1  }
0x65: {  	(v2sf) =	vpush v63, $0x1  }
0x66: {  	(v2sf) =	vpush v62, $0x2;
	_ =	sdelay $0x5  }
0x67: {  	s8 =	spop (v2sf);
	(v2sf) =	vpush v63, $0x2;
	_ =	sdelay $0x1  }
0x68: {  	s4 =	sand.u32 $0xFFFFF80, s8;
	s10 =	spop (v2sf);
	(v2sf) =	vpush v62, $0x3  }
0x69: {  	s4 =	sadd.s32 s0, s4  }
0x6a: {  	[tilespmem:s21], [sflag:$0x2] =	stream.strided.gather [hbm4b:s4+s11], $0x1000, s12, s11, $0x38;
	[tilespmem:$0x18F00] =	vst v63  }
0x6b: {  	s4 =	sand.u32 $0xFFFFF80, s10  }
0x6c: {  	s15 =	spop (v2sf);
	s4 =	sadd.s32 s1, s4  }
0x6d: {  	(v2sf) =	vpush v63, $0x3;
	[tilespmem:s22], [sflag:$0x2] =	stream.strided.gather [hbm4b:s4+s11], $0x1000, s12, s11, $0x38;
	[tilespmem:$0x18F00] =	vst v63  }
0x6e: {  	s16 =	spop (v2sf);
	s4 =	sand.u32 $0xFFFFF80, s15  }
0x6f: {  	s17 =	sand.u32 $0xFFFFF80, s16;
	s18 =	spop (v2sf);
	s4 =	sadd.s32 s0, s4  }
0x70: {  	[tilespmem:s20], [sflag:$0x2] =	stream.strided.gather [hbm4b:s4+s11], $0x1000, s12, s11, $0x38;
	[tilespmem:$0x18F00] =	vst v63  }
0x71: {  	s19 =	sand.u32 $0xFFFFF80, s18;
	s4 =	sadd.s32 s1, s17  }
0x72: {  	[tilespmem:s23], [sflag:$0x2] =	stream.strided.gather [hbm4b:s4+s11], $0x1000, s12, s11, $0x38;
	[tilespmem:$0x18F00] =	vst v63  }
0x73: {  	s4 =	sadd.s32 s0, s19  }
0x74: {  	[tilespmem:s24], [sflag:$0x2] =	stream.strided.gather [hbm4b:s4+s11], $0x1000, s12, s11, $0x38;
	[tilespmem:$0x18F00] =	vst v63  }
0x75: {  	s20 =	spop (v2sf)  }
0x76: {  	s23 =	sand.u32 $0xFFFFF80, s20  }
0x77: {  	s24 =	spop (v2sf);
	s4 =	sadd.s32 s1, s23  }
0x78: {  	[tilespmem:s25], [sflag:$0x2] =	stream.strided.gather [hbm4b:s4+s11], $0x1000, s12, s11, $0x38;
	[tilespmem:$0x18F00] =	vst v63  }
0x79: {  	s25 =	sand.u32 $0xFFFFF80, s24  }
0x7a: {  	s4 =	sadd.s32 s0, s25  }
0x7b: {  	[tilespmem:s26], [sflag:$0x2] =	stream.strided.gather [hbm4b:s4+s11], $0x1000, s12, s11, $0x38;
	[tilespmem:$0x18F00] =	vst v63  }
0x7c: {  	s7 =	simm.s32 $0x18510;
	s8 =	simm.s32 $0x0;
	s26 =	spop (v2sf)  }
0x7d: {  	s19 =	simm.s32 $0x12500;
	s20 =	simm.s32 $0x7500;
	s4 =	sand.u32 $0xFFFFF80, s26  }
0x7e: {  	s23 =	simm.s32 $0x2500;
	s24 =	simm.s32 $0xE500;
	s4 =	sadd.s32 s1, s4  }
0x7f: {  	[tilespmem:s28], [sflag:$0x2] =	stream.strided.gather [hbm4b:s4+s11], $0x1000, s12, s11, $0x38;
	[tilespmem:$0x18F00] =	vst v63  }
0x80: {  	s25 =	simm.s32 $0x3500;
	s26 =	simm.s32 $0x6500;
	s28 =	simm.s32 $0x5500  }
.LBB2_2:
0x81: {  	s4 =	sshra.s32 s8, $0x2  }
0x82: {  	v12 =	vld [tilespmem:s4+$0x8];
	_ =	sdelay $0x1  }
0x83: {  	v13 =	vld [tilespmem:s4+$0x288];
	_ =	sdelay $0x2  }
0x84: {  	(v2sf) =	vpush v12, $0x0;
	_ =	sdelay $0x1  }
0x85: {  	(v2sf) =	vpush v13, $0x0;
	_ =	sdelay $0x2  }
0x86: {  	(v2sf) =	vpush v12, $0x1;
	_ =	sdelay $0x2  }
0x87: {  	(v2sf) =	vpush v13, $0x1;
	_ =	sdelay $0x2  }
0x88: {  	(v2sf) =	vpush v12, $0x2;
	_ =	sdelay $0x2  }
0x89: {  	(v2sf) =	vpush v13, $0x2  }
0x8a: {  	s10 =	spop (v2sf)  }
0x8b: {  	s10 =	sand.u32 $0xFFFFF80, s10  }
0x8c: {  	(v2sf) =	vpush v12, $0x3;
	s15 =	spop (v2sf);
	s10 =	sadd.s32 s0, s10  }
0x8d: {  	[tilespmem:s30], [sflag:$0x3] =	stream.strided.gather [hbm4b:s10+s11], $0x1000, s12, s11, $0x38;
	[tilespmem:$0x18F00] =	vst v63  }
0x8e: {  	s10 =	sand.u32 $0xFFFFF80, s15  }
0x8f: {  	(v2sf) =	vpush v13, $0x3;
	s16 =	spop (v2sf);
	s10 =	sadd.s32 s1, s10  }
0x90: {  	[tilespmem:s31], [sflag:$0x3] =	stream.strided.gather [hbm4b:s10+s11], $0x1000, s12, s11, $0x38;
	[tilespmem:$0x18F00] =	vst v63  }
0x91: {  	s10 =	sand.u32 $0xFFFFF80, s16  }
0x92: {  	s6 =	rddreg [dreg:$0x5];
	s17 =	spop (v2sf);
	s10 =	sadd.s32 s0, s10  }
0x93: {  	[tilespmem:s6], [sflag:$0x3] =	stream.strided.gather [hbm4b:s10+s11], $0x1000, s12, s11, $0x38;
	[tilespmem:$0x18F00] =	vst v63  }
0x94: {  	s6 =	sand.u32 $0xFFFFF80, s17  }
0x95: {  	s18 =	rddreg [dreg:$0x6];
	s15 =	spop (v2sf);
	s6 =	sadd.s32 s1, s6  }
0x96: {  	[tilespmem:s18], [sflag:$0x3] =	stream.strided.gather [hbm4b:s6+s11], $0x1000, s12, s11, $0x38;
	[tilespmem:$0x18F00] =	vst v63  }
0x97: {  	s6 =	sand.u32 $0xFFFFF80, s15  }
0x98: {  	s16 =	rddreg [dreg:$0x7];
	s17 =	spop (v2sf);
	s6 =	sadd.s32 s0, s6  }
0x99: {  	[tilespmem:s16], [sflag:$0x3] =	stream.strided.gather [hbm4b:s6+s11], $0x1000, s12, s11, $0x38;
	[tilespmem:$0x18F00] =	vst v63  }
0x9a: {  	s6 =	sand.u32 $0xFFFFF80, s17  }
0x9b: {  	s10 =	spop (v2sf);
	s18 =	rddreg [dreg:$0x8];
	s6 =	sadd.s32 s1, s6  }
0x9c: {  	[tilespmem:s18], [sflag:$0x3] =	stream.strided.gather [hbm4b:s6+s11], $0x1000, s12, s11, $0x38;
	[tilespmem:$0x18F00] =	vst v63  }
0x9d: {  	s6 =	sand.u32 $0xFFFFF80, s10  }
0x9e: {  	s15 =	rddreg [dreg:$0x9];
	s16 =	spop (v2sf);
	s6 =	sadd.s32 s0, s6  }
0x9f: {  	[tilespmem:s15], [sflag:$0x3] =	stream.strided.gather [hbm4b:s6+s11], $0x1000, s12, s11, $0x38;
	[tilespmem:$0x18F00] =	vst v63  }
0xa0: {  	s6 =	sand.u32 $0xFFFFF80, s16  }
0xa1: {  	s17 =	rddreg [dreg:$0xa];
	s6 =	sadd.s32 s1, s6  }
0xa2: {  	[tilespmem:s17], [sflag:$0x3] =	stream.strided.gather [hbm4b:s6+s11], $0x1000, s12, s11, $0x38;
	[tilespmem:$0x18F00] =	vst v63  }
0xa3: {  	_ =	swait.ge [sflag:s2], $0x1000  }
0xa4: {  	[sflag:s2] =	ssyncset.done $0x0  }
0xa5: {  	[sflag:s2] =	ssyncadd.s32 $0xFFFFF000  }
0xa6: {  	_ =	swait.ge [sflag:s2], $0x1000  }
0xa7: {  	[sflag:s2] =	ssyncset.done $0x0  }
0xa8: {  	[sflag:s2] =	ssyncadd.s32 $0xFFFFF000  }
0xa9: {  	_ =	swait.ge [sflag:s2], $0x1000  }
0xaa: {  	[sflag:s2] =	ssyncset.done $0x0  }
0xab: {  	[sflag:s2] =	ssyncadd.s32 $0xFFFFF000  }
0xac: {  	_ =	swait.ge [sflag:s2], $0x1000  }
0xad: {  	[sflag:s2] =	ssyncset.done $0x0  }
0xae: {  	[sflag:s2] =	ssyncadd.s32 $0xFFFFF000  }
0xaf: {  	_ =	swait.ge [sflag:s2], $0x1000  }
0xb0: {  	[sflag:s2] =	ssyncset.done $0x0  }
0xb1: {  	[sflag:s2] =	ssyncadd.s32 $0xFFFFF000  }
0xb2: {  	_ =	swait.ge [sflag:s2], $0x1000  }
0xb3: {  	[sflag:s2] =	ssyncset.done $0x0  }
0xb4: {  	[sflag:s2] =	ssyncadd.s32 $0xFFFFF000  }
0xb5: {  	_ =	swait.ge [sflag:s2], $0x1000  }
0xb6: {  	[sflag:s2] =	ssyncset.done $0x0  }
0xb7: {  	[sflag:s2] =	ssyncadd.s32 $0xFFFFF000  }
0xb8: {  	_ =	swait.ge [sflag:s2], $0x1000  }
0xb9: {  	[sflag:s2] =	ssyncset.done $0x0  }
0xba: {  	[sflag:s2] =	ssyncadd.s32 $0xFFFFF000  }
0xbb: {  	v28 =	vld [tilespmem:s4+$0x0];
	_ =	sdelay $0x3  }
0xbc: {  	v29 =	vld [tilespmem:s4+$0x280]  }
0xbd: {  	(v2sf) =	vpush v28, $0x0  }
0xbe: {  	(v2sf) =	vpush v28, $0x1  }
0xbf: {  	(v2sf) =	vpush v28, $0x2  }
0xc0: {  	(v2sf) =	vpush v28, $0x3  }
0xc1: {  	(v2sf) =	vpush v29, $0x0  }
0xc2: {  	(v2sf) =	vpush v29, $0x1;
	_ =	sdelay $0x1  }
0xc3: {  	(v2sf) =	vpush v29, $0x2  }
0xc4: {  	(v2sf) =	vpush v29, $0x3;
	_ =	sdelay $0x6  }
0xc5: {  	s6 =	spop (v2sf)  }
0xc6: {  	s18 =	spop (v2sf)  }
0xc7: {  	s15 =	spop (v2sf)  }
0xc8: {  	s16 =	spop (v2sf)  }
0xc9: {  	s17 =	spop (v2sf)  }
0xca: {  	s10 =	sand.u32 $0x7F, s18;
	s18 =	spop (v2sf)  }
0xcb: {  	s6 =	sand.u32 $0x7F, s6;
	v30 =	vmov s10;
	s18 =	sand.u32 $0x7F, s18  }
0xcc: {  	v12 =	vsel vm0, s6, v30;
	s6 =	sand.u32 $0x7F, s15;
	s15 =	sand.u32 $0x7F, s17;
	v31 =	vmov s18;
	s18 =	spop (v2sf)  }
0xcd: {  	v12 =	vnsel vm1, s6, v12;
	s17 =	sand.u32 $0x7F, s16;
	v13 =	vsel vm0, s15, v31;
	s10 =	sand.u32 $0x7F, s18;
	s18 =	spop (v2sf)  }
0xce: {  	v12 =	vnsel vm2, s17, v12;
	v13 =	vnsel vm1, s10, v13;
	s16 =	sand.u32 $0x7F, s18  }
0xcf: {  	v14 =	vor.u32 v0, v12;
	v13 =	vnsel vm2, s16, v13  }
0xd0: {  	v15 =	vor.u32 v0, v13  }
0xd1: {  	v16 =	vor.u32 v1, v12  }
0xd2: {  	v17 =	vor.u32 v1, v13  }
0xd3: {  	v18 =	vor.u32 v2, v12  }
0xd4: {  	v19 =	vor.u32 v2, v13;
	v14 =	vld.idx.msk [tilespmem:v14+s13+$0x0], $0xffff  }
0xd5: {  	v20 =	vor.u32 v3, v12;
	v15 =	vld.idx.msk [tilespmem:v15+s14+$0x0], $0xffff  }
0xd6: {  	v21 =	vor.u32 v3, v13;
	v16 =	vld.idx.msk [tilespmem:v16+s13+$0x0], $0xffff  }
0xd7: {  	v22 =	vor.u32 v4, v12;
	v17 =	vld.idx.msk [tilespmem:v17+s14+$0x0], $0xffff  }
0xd8: {  	v23 =	vor.u32 v4, v13;
	v18 =	vld.idx.msk [tilespmem:v18+s13+$0x0], $0xffff  }
0xd9: {  	v24 =	vor.u32 v5, v12;
	v19 =	vld.idx.msk [tilespmem:v19+s14+$0x0], $0xffff  }
0xda: {  	v33 =	vor.u32 v5, v13;
	v32 =	vld.idx.msk [tilespmem:v20+s13+$0x0], $0xffff;
	v14 =	vmul.f32 v15, v14  }
0xdb: {  	v25 =	vor.u32 v7, v12;
	v21 =	vld.idx.msk [tilespmem:v21+s14+$0x0], $0xffff  }
0xdc: {  	v35 =	vor.u32 v7, v13;
	v34 =	vld.idx.msk [tilespmem:v22+s13+$0x0], $0xffff;
	v16 =	vmul.f32 v17, v16;
	v14 =	vadd.f32 $0.0e+00, v14  }
0xdd: {  	v12 =	vor.u32 v8, v12;
	v23 =	vld.idx.msk [tilespmem:v23+s14+$0x0], $0xffff  }
0xde: {  	v13 =	vor.u32 v8, v13;
	v37 =	vld.idx.msk [tilespmem:v24+s13+$0x0], $0xffff;
	v36 =	vmul.f32 v19, v18;
	v14 =	vadd.f32 v16, v14  }
0xdf: {  	v38 =	vld.idx.msk [tilespmem:v33+s14+$0x0], $0xffff  }
0xe0: {  	v39 =	vld.idx.msk [tilespmem:v25+s13+$0x0], $0xffff;
	v15 =	vmul.f32 v21, v32;
	v14 =	vadd.f32 v36, v14  }
0xe1: {  	v40 =	vld.idx.msk [tilespmem:v35+s14+$0x0], $0xffff  }
0xe2: {  	v12 =	vld.idx.msk [tilespmem:v12+s13+$0x0], $0xffff;
	v41 =	vmul.f32 v23, v34;
	v14 =	vadd.f32 v15, v14  }
0xe3: {  	v13 =	vld.idx.msk [tilespmem:v13+s14+$0x0], $0xffff  }
0xe4: {  	v42 =	vmul.f32 v38, v37;
	v14 =	vadd.f32 v41, v14;
	_ =	sdelay $0x1  }
0xe5: {  	v43 =	vmul.f32 v40, v39;
	v14 =	vadd.f32 v42, v14;
	_ =	sdelay $0x1  }
0xe6: {  	v12 =	vmul.f32 v13, v12;
	v14 =	vadd.f32 v43, v14;
	_ =	sdelay $0x1  }
0xe7: {  	v12 =	vadd.f32 v12, v14;
	_ =	sdelay $0x1  }
0xe8: {  	[tilespmem:s7+$0xFFFFFFF0] =	vst v12  }
0xe9: {  	v12 =	vld [tilespmem:s4+$0xC];
	_ =	sdelay $0x1  }
0xea: {  	v44 =	vld [tilespmem:s4+$0x28C];
	_ =	sdelay $0x2  }
0xeb: {  	(v2sf) =	vpush v12, $0x0;
	_ =	sdelay $0x1  }
0xec: {  	(v2sf) =	vpush v44, $0x0;
	_ =	sdelay $0x1  }
0xed: {  	(v2sf) =	vpush v12, $0x1;
	_ =	sdelay $0x2  }
0xee: {  	(v2sf) =	vpush v44, $0x1;
	_ =	sdelay $0x7  }
0xef: {  	s17 =	spop (v2sf);
	(v2sf) =	vpush v12, $0x2;
	_ =	sdelay $0x1  }
0xf0: {  	s18 =	spop (v2sf);
	(v2sf) =	vpush v44, $0x2  }
0xf1: {  	s6 =	sand.u32 $0xFFFFF80, s17  }
0xf2: {  	s6 =	sadd.s32 s0, s6;
	s10 =	spop (v2sf)  }
0xf3: {  	(v2sf) =	vpush v12, $0x3;
	[tilespmem:s13], [sflag:$0x1] =	stream.strided.gather [hbm4b:s6+s11], $0x1000, s12, s11, $0x38;
	[tilespmem:$0x18F00] =	vst v63  }
0xf4: {  	s6 =	sand.u32 $0xFFFFF80, s18  }
0xf5: {  	s16 =	spop (v2sf);
	s6 =	sadd.s32 s1, s6  }
0xf6: {  	(v2sf) =	vpush v44, $0x3;
	[tilespmem:s14], [sflag:$0x1] =	stream.strided.gather [hbm4b:s6+s11], $0x1000, s12, s11, $0x38;
	[tilespmem:$0x18F00] =	vst v63  }
0xf7: {  	s6 =	sand.u32 $0xFFFFF80, s10  }
0xf8: {  	s15 =	simm.s32 $0x1500;
	s6 =	sadd.s32 s0, s6  }
0xf9: {  	[tilespmem:s15], [sflag:$0x1] =	stream.strided.gather [hbm4b:s6+s11], $0x1000, s12, s11, $0x38;
	[tilespmem:$0x18F00] =	vst v63  }
0xfa: {  	s6 =	sand.u32 $0xFFFFF80, s16  }
0xfb: {  	s17 =	simm.s32 $0xD500;
	s6 =	sadd.s32 s1, s6  }
0xfc: {  	[tilespmem:s17], [sflag:$0x1] =	stream.strided.gather [hbm4b:s6+s11], $0x1000, s12, s11, $0x38;
	[tilespmem:$0x18F00] =	vst v63  }
0xfd: {  	s18 =	spop (v2sf)  }
0xfe: {  	s6 =	sand.u32 $0xFFFFF80, s18  }
0xff: {  	s10 =	spop (v2sf);
	s6 =	sadd.s32 s0, s6  }
0x100: {  	[tilespmem:s23], [sflag:$0x1] =	stream.strided.gather [hbm4b:s6+s11], $0x1000, s12, s11, $0x38;
	[tilespmem:$0x18F00] =	vst v63  }
0x101: {  	s6 =	sand.u32 $0xFFFFF80, s10  }
0x102: {  	s15 =	spop (v2sf);
	s6 =	sadd.s32 s1, s6  }
0x103: {  	[tilespmem:s24], [sflag:$0x1] =	stream.strided.gather [hbm4b:s6+s11], $0x1000, s12, s11, $0x38;
	[tilespmem:$0x18F00] =	vst v63  }
0x104: {  	s6 =	sand.u32 $0xFFFFF80, s15  }
0x105: {  	s16 =	spop (v2sf);
	s6 =	sadd.s32 s0, s6  }
0x106: {  	[tilespmem:s25], [sflag:$0x1] =	stream.strided.gather [hbm4b:s6+s11], $0x1000, s12, s11, $0x38;
	[tilespmem:$0x18F00] =	vst v63  }
0x107: {  	s6 =	sand.u32 $0xFFFFF80, s16  }
0x108: {  	s17 =	simm.s32 $0xF500;
	s6 =	sadd.s32 s1, s6  }
0x109: {  	[tilespmem:s17], [sflag:$0x1] =	stream.strided.gather [hbm4b:s6+s11], $0x1000, s12, s11, $0x38;
	[tilespmem:$0x18F00] =	vst v63  }
0x10a: {  	_ =	swait.ge [sflag:s3], $0x1000  }
0x10b: {  	[sflag:s3] =	ssyncset.done $0x0  }
0x10c: {  	[sflag:s3] =	ssyncadd.s32 $0xFFFFF000  }
0x10d: {  	_ =	swait.ge [sflag:s3], $0x1000  }
0x10e: {  	[sflag:s3] =	ssyncset.done $0x0  }
0x10f: {  	[sflag:s3] =	ssyncadd.s32 $0xFFFFF000  }
0x110: {  	_ =	swait.ge [sflag:s3], $0x1000  }
0x111: {  	[sflag:s3] =	ssyncset.done $0x0  }
0x112: {  	[sflag:s3] =	ssyncadd.s32 $0xFFFFF000  }
0x113: {  	_ =	swait.ge [sflag:s3], $0x1000  }
0x114: {  	[sflag:s3] =	ssyncset.done $0x0  }
0x115: {  	[sflag:s3] =	ssyncadd.s32 $0xFFFFF000  }
0x116: {  	_ =	swait.ge [sflag:s3], $0x1000  }
0x117: {  	[sflag:s3] =	ssyncset.done $0x0  }
0x118: {  	[sflag:s3] =	ssyncadd.s32 $0xFFFFF000  }
0x119: {  	_ =	swait.ge [sflag:s3], $0x1000  }
0x11a: {  	[sflag:s3] =	ssyncset.done $0x0  }
0x11b: {  	[sflag:s3] =	ssyncadd.s32 $0xFFFFF000  }
0x11c: {  	_ =	swait.ge [sflag:s3], $0x1000  }
0x11d: {  	[sflag:s3] =	ssyncset.done $0x0  }
0x11e: {  	[sflag:s3] =	ssyncadd.s32 $0xFFFFF000  }
0x11f: {  	_ =	swait.ge [sflag:s3], $0x1000  }
0x120: {  	[sflag:s3] =	ssyncset.done $0x0  }
0x121: {  	[sflag:s3] =	ssyncadd.s32 $0xFFFFF000  }
0x122: {  	v45 =	vld [tilespmem:s4+$0x4];
	_ =	sdelay $0x3  }
0x123: {  	v46 =	vld [tilespmem:s4+$0x284]  }
0x124: {  	(v2sf) =	vpush v45, $0x0  }
0x125: {  	(v2sf) =	vpush v45, $0x1  }
0x126: {  	(v2sf) =	vpush v45, $0x2  }
0x127: {  	(v2sf) =	vpush v45, $0x3  }
0x128: {  	(v2sf) =	vpush v46, $0x0  }
0x129: {  	(v2sf) =	vpush v46, $0x1;
	_ =	sdelay $0x1  }
0x12a: {  	(v2sf) =	vpush v46, $0x2  }
0x12b: {  	(v2sf) =	vpush v46, $0x3;
	_ =	sdelay $0x6  }
0x12c: {  	s6 =	spop (v2sf)  }
0x12d: {  	s18 =	spop (v2sf)  }
0x12e: {  	s15 =	spop (v2sf)  }
0x12f: {  	s16 =	spop (v2sf)  }
0x130: {  	s17 =	spop (v2sf)  }
0x131: {  	s10 =	sand.u32 $0x7F, s18;
	s18 =	spop (v2sf)  }
0x132: {  	s6 =	sand.u32 $0x7F, s6;
	v47 =	vmov s10;
	s10 =	sand.u32 $0x7F, s18  }
0x133: {  	v12 =	vsel vm0, s6, v47;
	s18 =	sand.u32 $0x7F, s15;
	s15 =	sand.u32 $0x7F, s17;
	s17 =	spop (v2sf);
	v48 =	vmov s10  }
0x134: {  	v12 =	vnsel vm1, s18, v12;
	s18 =	sand.u32 $0x7F, s16;
	s10 =	sand.u32 $0x7F, s17;
	s16 =	spop (v2sf);
	v13 =	vsel vm0, s15, v48  }
0x135: {  	v12 =	vnsel vm2, s18, v12;
	s17 =	sand.u32 $0x7F, s16;
	v13 =	vnsel vm1, s10, v13  }
0x136: {  	v49 =	vor.u32 v0, v12;
	v13 =	vnsel vm2, s17, v13  }
0x137: {  	v50 =	vor.u32 v0, v13  }
0x138: {  	v51 =	vor.u32 v1, v12  }
0x139: {  	v52 =	vor.u32 v1, v13  }
0x13a: {  	v53 =	vor.u32 v2, v12  }
0x13b: {  	v54 =	vor.u32 v2, v13;
	v14 =	vld.idx.msk [tilespmem:v49+s21+$0x0], $0xffff  }
0x13c: {  	v55 =	vor.u32 v3, v12;
	v15 =	vld.idx.msk [tilespmem:v50+s22+$0x0], $0xffff  }
0x13d: {  	v56 =	vor.u32 v3, v13;
	v16 =	vld.idx.msk [tilespmem:v51+s21+$0x0], $0xffff  }
0x13e: {  	v57 =	vor.u32 v4, v12;
	v17 =	vld.idx.msk [tilespmem:v52+s22+$0x0], $0xffff  }
0x13f: {  	v58 =	vor.u32 v4, v13;
	v18 =	vld.idx.msk [tilespmem:v53+s21+$0x0], $0xffff  }
0x140: {  	v59 =	vor.u32 v5, v12;
	v19 =	vld.idx.msk [tilespmem:v54+s22+$0x0], $0xffff  }
0x141: {  	v61 =	vor.u32 v5, v13;
	v60 =	vld.idx.msk [tilespmem:v55+s21+$0x0], $0xffff;
	v14 =	vmul.f32 v15, v14  }
0x142: {  	v62 =	vor.u32 v7, v12;
	v21 =	vld.idx.msk [tilespmem:v56+s22+$0x0], $0xffff  }
0x143: {  	v26 =	vor.u32 v7, v13;
	v63 =	vld.idx.msk [tilespmem:v57+s21+$0x0], $0xffff;
	v16 =	vmul.f32 v17, v16;
	v14 =	vadd.f32 $0.0e+00, v14  }
0x144: {  	v12 =	vor.u32 v8, v12;
	v23 =	vld.idx.msk [tilespmem:v58+s22+$0x0], $0xffff  }
0x145: {  	v13 =	vor.u32 v8, v13;
	v28 =	vld.idx.msk [tilespmem:v59+s21+$0x0], $0xffff;
	v27 =	vmul.f32 v19, v18;
	v14 =	vadd.f32 v16, v14  }
0x146: {  	v29 =	vld.idx.msk [tilespmem:v61+s22+$0x0], $0xffff  }
0x147: {  	v30 =	vld.idx.msk [tilespmem:v62+s21+$0x0], $0xffff;
	v15 =	vmul.f32 v21, v60;
	v14 =	vadd.f32 v27, v14  }
0x148: {  	v31 =	vld.idx.msk [tilespmem:v26+s22+$0x0], $0xffff  }
0x149: {  	v12 =	vld.idx.msk [tilespmem:v12+s21+$0x0], $0xffff;
	v32 =	vmul.f32 v23, v63;
	v14 =	vadd.f32 v15, v14  }
0x14a: {  	v13 =	vld.idx.msk [tilespmem:v13+s22+$0x0], $0xffff  }
0x14b: {  	v33 =	vmul.f32 v29, v28;
	v14 =	vadd.f32 v32, v14;
	_ =	sdelay $0x1  }
0x14c: {  	v34 =	vmul.f32 v31, v30;
	v14 =	vadd.f32 v33, v14;
	_ =	sdelay $0x1  }
0x14d: {  	v12 =	vmul.f32 v13, v12;
	v14 =	vadd.f32 v34, v14;
	_ =	sdelay $0x1  }
0x14e: {  	v12 =	vadd.f32 v12, v14;
	_ =	sdelay $0x1  }
0x14f: {  	[tilespmem:s7+$0x0] =	vst v12  }
0x150: {  	v12 =	vld [tilespmem:s4+$0x10];
	_ =	sdelay $0x1  }
0x151: {  	v35 =	vld [tilespmem:s4+$0x290];
	_ =	sdelay $0x2  }
0x152: {  	(v2sf) =	vpush v12, $0x0;
	_ =	sdelay $0x1  }
0x153: {  	(v2sf) =	vpush v35, $0x0;
	_ =	sdelay $0x1  }
0x154: {  	(v2sf) =	vpush v12, $0x1;
	_ =	sdelay $0x2  }
0x155: {  	(v2sf) =	vpush v35, $0x1;
	_ =	sdelay $0x7  }
0x156: {  	s18 =	spop (v2sf);
	(v2sf) =	vpush v12, $0x2;
	_ =	sdelay $0x1  }
0x157: {  	s10 =	spop (v2sf);
	(v2sf) =	vpush v35, $0x2  }
0x158: {  	s6 =	sand.u32 $0xFFFFF80, s18  }
0x159: {  	s6 =	sadd.s32 s0, s6;
	s15 =	spop (v2sf)  }
0x15a: {  	(v2sf) =	vpush v12, $0x3;
	[tilespmem:s21], [sflag:$0x2] =	stream.strided.gather [hbm4b:s6+s11], $0x1000, s12, s11, $0x38;
	[tilespmem:$0x18F00] =	vst v63  }
0x15b: {  	s6 =	sand.u32 $0xFFFFF80, s10  }
0x15c: {  	s16 =	spop (v2sf);
	s6 =	sadd.s32 s1, s6  }
0x15d: {  	(v2sf) =	vpush v35, $0x3;
	[tilespmem:s22], [sflag:$0x2] =	stream.strided.gather [hbm4b:s6+s11], $0x1000, s12, s11, $0x38;
	[tilespmem:$0x18F00] =	vst v63  }
0x15e: {  	s6 =	sand.u32 $0xFFFFF80, s15  }
0x15f: {  	s6 =	sadd.s32 s0, s6  }
0x160: {  	[tilespmem:s28], [sflag:$0x2] =	stream.strided.gather [hbm4b:s6+s11], $0x1000, s12, s11, $0x38;
	[tilespmem:$0x18F00] =	vst v63  }
0x161: {  	s6 =	sand.u32 $0xFFFFF80, s16  }
0x162: {  	s6 =	sadd.s32 s1, s6  }
0x163: {  	[tilespmem:s29], [sflag:$0x2] =	stream.strided.gather [hbm4b:s6+s11], $0x1000, s12, s11, $0x38;
	[tilespmem:$0x18F00] =	vst v63  }
0x164: {  	s17 =	spop (v2sf)  }
0x165: {  	s6 =	sand.u32 $0xFFFFF80, s17  }
0x166: {  	s18 =	spop (v2sf);
	s6 =	sadd.s32 s0, s6  }
0x167: {  	[tilespmem:s26], [sflag:$0x2] =	stream.strided.gather [hbm4b:s6+s11], $0x1000, s12, s11, $0x38;
	[tilespmem:$0x18F00] =	vst v63  }
0x168: {  	s6 =	sand.u32 $0xFFFFF80, s18  }
0x169: {  	s10 =	spop (v2sf);
	s6 =	sadd.s32 s1, s6  }
0x16a: {  	[tilespmem:s19], [sflag:$0x2] =	stream.strided.gather [hbm4b:s6+s11], $0x1000, s12, s11, $0x38;
	[tilespmem:$0x18F00] =	vst v63  }
0x16b: {  	s6 =	sand.u32 $0xFFFFF80, s10  }
0x16c: {  	s15 =	spop (v2sf);
	s6 =	sadd.s32 s0, s6  }
0x16d: {  	[tilespmem:s20], [sflag:$0x2] =	stream.strided.gather [hbm4b:s6+s11], $0x1000, s12, s11, $0x38;
	[tilespmem:$0x18F00] =	vst v63  }
0x16e: {  	s6 =	sand.u32 $0xFFFFF80, s15  }
0x16f: {  	s16 =	simm.s32 $0x13500;
	s6 =	sadd.s32 s1, s6  }
0x170: {  	[tilespmem:s16], [sflag:$0x2] =	stream.strided.gather [hbm4b:s6+s11], $0x1000, s12, s11, $0x38;
	[tilespmem:$0x18F00] =	vst v63  }
0x171: {  	_ =	swait.ge [sflag:s9], $0x1000  }
0x172: {  	[sflag:s9] =	ssyncset.done $0x0  }
0x173: {  	[sflag:s9] =	ssyncadd.s32 $0xFFFFF000  }
0x174: {  	_ =	swait.ge [sflag:s9], $0x1000  }
0x175: {  	[sflag:s9] =	ssyncset.done $0x0  }
0x176: {  	[sflag:s9] =	ssyncadd.s32 $0xFFFFF000  }
0x177: {  	_ =	swait.ge [sflag:s9], $0x1000  }
0x178: {  	[sflag:s9] =	ssyncset.done $0x0  }
0x179: {  	[sflag:s9] =	ssyncadd.s32 $0xFFFFF000  }
0x17a: {  	_ =	swait.ge [sflag:s9], $0x1000  }
0x17b: {  	[sflag:s9] =	ssyncset.done $0x0  }
0x17c: {  	[sflag:s9] =	ssyncadd.s32 $0xFFFFF000  }
0x17d: {  	_ =	swait.ge [sflag:s9], $0x1000  }
0x17e: {  	[sflag:s9] =	ssyncset.done $0x0  }
0x17f: {  	[sflag:s9] =	ssyncadd.s32 $0xFFFFF000  }
0x180: {  	_ =	swait.ge [sflag:s9], $0x1000  }
0x181: {  	[sflag:s9] =	ssyncset.done $0x0  }
0x182: {  	[sflag:s9] =	ssyncadd.s32 $0xFFFFF000  }
0x183: {  	_ =	swait.ge [sflag:s9], $0x1000  }
0x184: {  	[sflag:s9] =	ssyncset.done $0x0  }
0x185: {  	[sflag:s9] =	ssyncadd.s32 $0xFFFFF000  }
0x186: {  	_ =	swait.ge [sflag:s9], $0x1000  }
0x187: {  	[sflag:s9] =	ssyncset.done $0x0  }
0x188: {  	[sflag:s9] =	ssyncadd.s32 $0xFFFFF000  }
0x189: {  	v36 =	vld [tilespmem:s4+$0x8];
	_ =	sdelay $0x3  }
0x18a: {  	v37 =	vld [tilespmem:s4+$0x288]  }
0x18b: {  	(v2sf) =	vpush v36, $0x0  }
0x18c: {  	(v2sf) =	vpush v36, $0x1  }
0x18d: {  	(v2sf) =	vpush v36, $0x2  }
0x18e: {  	(v2sf) =	vpush v36, $0x3  }
0x18f: {  	(v2sf) =	vpush v37, $0x0  }
0x190: {  	(v2sf) =	vpush v37, $0x1;
	_ =	sdelay $0x1  }
0x191: {  	(v2sf) =	vpush v37, $0x2  }
0x192: {  	(v2sf) =	vpush v37, $0x3;
	_ =	sdelay $0x6  }
0x193: {  	s4 =	spop (v2sf)  }
0x194: {  	s17 =	spop (v2sf)  }
0x195: {  	s10 =	spop (v2sf)  }
0x196: {  	s15 =	spop (v2sf)  }
0x197: {  	s16 =	spop (v2sf)  }
0x198: {  	s6 =	sand.u32 $0x7F, s17;
	s18 =	spop (v2sf)  }
0x199: {  	s4 =	sand.u32 $0x7F, s4;
	v38 =	vmov s6;
	s18 =	sand.u32 $0x7F, s18  }
0x19a: {  	s17 =	sand.u32 $0x7F, s10;
	v12 =	vsel vm0, s4, v38;
	s4 =	spop (v2sf);
	v39 =	vmov s18;
	s18 =	sand.u32 $0x7F, s16  }
0x19b: {  	v12 =	vnsel vm1, s17, v12;
	s16 =	sand.u32 $0x7F, s15;
	s4 =	sand.u32 $0x7F, s4;
	s17 =	spop (v2sf);
	v13 =	vsel vm0, s18, v39  }
0x19c: {  	v12 =	vnsel vm2, s16, v12;
	s18 =	sand.u32 $0x7F, s17;
	v13 =	vnsel vm1, s4, v13  }
0x19d: {  	v40 =	vor.u32 v0, v12;
	v13 =	vnsel vm2, s18, v13  }
0x19e: {  	v41 =	vor.u32 v0, v13  }
0x19f: {  	v42 =	vor.u32 v1, v12  }
0x1a0: {  	v43 =	vor.u32 v1, v13  }
0x1a1: {  	v44 =	vor.u32 v2, v12  }
0x1a2: {  	v45 =	vor.u32 v2, v13;
	v14 =	vld.idx.msk [tilespmem:v40+s30+$0x0], $0xffff  }
0x1a3: {  	v46 =	vor.u32 v3, v12;
	v15 =	vld.idx.msk [tilespmem:v41+s31+$0x0], $0xffff  }
0x1a4: {  	v47 =	vor.u32 v3, v13;
	v16 =	vld.idx.msk [tilespmem:v42+s30+$0x0], $0xffff  }
0x1a5: {  	v48 =	vor.u32 v4, v12;
	v17 =	vld.idx.msk [tilespmem:v43+s31+$0x0], $0xffff  }
0x1a6: {  	v49 =	vor.u32 v4, v13;
	v18 =	vld.idx.msk [tilespmem:v44+s30+$0x0], $0xffff  }
0x1a7: {  	v50 =	vor.u32 v5, v12;
	v19 =	vld.idx.msk [tilespmem:v45+s31+$0x0], $0xffff  }
0x1a8: {  	v52 =	vor.u32 v5, v13;
	v51 =	vld.idx.msk [tilespmem:v46+s30+$0x0], $0xffff;
	v14 =	vmul.f32 v15, v14  }
0x1a9: {  	v53 =	vor.u32 v7, v12;
	v21 =	vld.idx.msk [tilespmem:v47+s31+$0x0], $0xffff  }
0x1aa: {  	v55 =	vor.u32 v7, v13;
	v54 =	vld.idx.msk [tilespmem:v48+s30+$0x0], $0xffff;
	v16 =	vmul.f32 v17, v16;
	v14 =	vadd.f32 $0.0e+00, v14  }
0x1ab: {  	v12 =	vor.u32 v8, v12;
	v23 =	vld.idx.msk [tilespmem:v49+s31+$0x0], $0xffff  }
0x1ac: {  	v13 =	vor.u32 v8, v13;
	v57 =	vld.idx.msk [tilespmem:v50+s30+$0x0], $0xffff;
	v56 =	vmul.f32 v19, v18;
	v14 =	vadd.f32 v16, v14  }
0x1ad: {  	v58 =	vld.idx.msk [tilespmem:v52+s31+$0x0], $0xffff  }
0x1ae: {  	v59 =	vld.idx.msk [tilespmem:v53+s30+$0x0], $0xffff;
	v15 =	vmul.f32 v21, v51;
	v14 =	vadd.f32 v56, v14  }
0x1af: {  	v60 =	vld.idx.msk [tilespmem:v55+s31+$0x0], $0xffff  }
0x1b0: {  	v12 =	vld.idx.msk [tilespmem:v12+s30+$0x0], $0xffff;
	v61 =	vmul.f32 v23, v54;
	v14 =	vadd.f32 v15, v14  }
0x1b1: {  	v13 =	vld.idx.msk [tilespmem:v13+s31+$0x0], $0xffff  }
0x1b2: {  	v62 =	vmul.f32 v58, v57;
	v14 =	vadd.f32 v61, v14;
	_ =	sdelay $0x1  }
0x1b3: {  	v63 =	vmul.f32 v60, v59;
	v14 =	vadd.f32 v62, v14  }
0x1b4: {  	p0 =	sne.s32 s8, $0x7B0  }
.Ltmp0:
0x1b5: {  	v12 =	vmul.f32 v13, v12;
	v14 =	vadd.f32 v63, v14;
	(pc) =	sbr.rel @p0 .LBB2_2-.Ltmp0, $3  }
0x1b6: {  	_ = 	snop  }
0x1b7: {  	v12 =	vadd.f32 v12, v14;
	_ =	sdelay $0x1  }
0x1b8: {  	s8 =	sadd.s32 $0x30, s8;
	[tilespmem:s7+$0x10] =	vst v12;
	s7 =	sadd.s32 $0x30, s7  }
0x1b9: {  	_ =	swait.ge [sflag:s2], $0x1000  }
0x1ba: {  	[sflag:s2] =	ssyncset.done $0x0  }
0x1bb: {  	[sflag:s2] =	ssyncadd.s32 $0xFFFFF000  }
0x1bc: {  	_ =	swait.ge [sflag:s2], $0x1000  }
0x1bd: {  	[sflag:s2] =	ssyncset.done $0x0  }
0x1be: {  	[sflag:s2] =	ssyncadd.s32 $0xFFFFF000  }
0x1bf: {  	_ =	swait.ge [sflag:s2], $0x1000  }
0x1c0: {  	[sflag:s2] =	ssyncset.done $0x0  }
0x1c1: {  	[sflag:s2] =	ssyncadd.s32 $0xFFFFF000  }
0x1c2: {  	_ =	swait.ge [sflag:s2], $0x1000  }
0x1c3: {  	[sflag:s2] =	ssyncset.done $0x0  }
0x1c4: {  	[sflag:s2] =	ssyncadd.s32 $0xFFFFF000  }
0x1c5: {  	_ =	swait.ge [sflag:s2], $0x1000  }
0x1c6: {  	[sflag:s2] =	ssyncset.done $0x0  }
0x1c7: {  	[sflag:s2] =	ssyncadd.s32 $0xFFFFF000  }
0x1c8: {  	_ =	swait.ge [sflag:s2], $0x1000  }
0x1c9: {  	[sflag:s2] =	ssyncset.done $0x0  }
0x1ca: {  	[sflag:s2] =	ssyncadd.s32 $0xFFFFF000  }
0x1cb: {  	_ =	swait.ge [sflag:s2], $0x1000  }
0x1cc: {  	[sflag:s2] =	ssyncset.done $0x0  }
0x1cd: {  	[sflag:s2] =	ssyncadd.s32 $0xFFFFF000  }
0x1ce: {  	_ =	swait.ge [sflag:s2], $0x1000  }
0x1cf: {  	[sflag:s2] =	ssyncset.done $0x0  }
0x1d0: {  	[sflag:s2] =	ssyncadd.s32 $0xFFFFF000  }
0x1d1: {  	v12 =	vld [tilespmem:$0x1F8];
	_ =	sdelay $0x3  }
0x1d2: {  	v13 =	vld [tilespmem:$0x478]  }
0x1d3: {  	(v2sf) =	vpush v12, $0x0  }
0x1d4: {  	(v2sf) =	vpush v12, $0x1  }
0x1d5: {  	(v2sf) =	vpush v12, $0x2  }
0x1d6: {  	(v2sf) =	vpush v12, $0x3  }
0x1d7: {  	(v2sf) =	vpush v13, $0x0  }
0x1d8: {  	(v2sf) =	vpush v13, $0x1;
	_ =	sdelay $0x1  }
0x1d9: {  	(v2sf) =	vpush v13, $0x2  }
0x1da: {  	(v2sf) =	vpush v13, $0x3;
	_ =	sdelay $0x6  }
0x1db: {  	s4 =	spop (v2sf)  }
0x1dc: {  	s6 =	spop (v2sf)  }
0x1dd: {  	s7 =	spop (v2sf)  }
0x1de: {  	s8 =	spop (v2sf)  }
0x1df: {  	s10 =	spop (v2sf)  }
0x1e0: {  	s6 =	sand.u32 $0x7F, s6;
	s15 =	spop (v2sf)  }
0x1e1: {  	s4 =	sand.u32 $0x7F, s4;
	v12 =	vmov s6;
	s20 =	sand.u32 $0x7F, s15  }
0x1e2: {  	s23 =	sand.u32 $0x7F, s7;
	v12 =	vsel vm0, s4, v12;
	s24 =	sand.u32 $0x7F, s10;
	s25 =	spop (v2sf);
	v13 =	vmov s20  }
0x1e3: {  	s26 =	sand.u32 $0x7F, s8;
	v12 =	vnsel vm1, s23, v12;
	s6 =	sand.u32 $0x7F, s25;
	s28 =	spop (v2sf);
	v13 =	vsel vm0, s24, v13  }
0x1e4: {  	v12 =	vnsel vm2, s26, v12;
	v13 =	vnsel vm1, s6, v13;
	s6 =	sand.u32 $0x7F, s28  }
0x1e5: {  	v14 =	vor.u32 v0, v12;
	v13 =	vnsel vm2, s6, v13  }
0x1e6: {  	v15 =	vor.u32 v0, v13  }
0x1e7: {  	v16 =	vor.u32 v1, v12  }
0x1e8: {  	v17 =	vor.u32 v1, v13  }
0x1e9: {  	v18 =	vor.u32 v2, v12  }
0x1ea: {  	v19 =	vor.u32 v2, v13;
	v14 =	vld.idx.msk [tilespmem:v14+s13+$0x0], $0xffff  }
0x1eb: {  	v21 =	vor.u32 v3, v13;
	v15 =	vld.idx.msk [tilespmem:v15+s14+$0x0], $0xffff  }
0x1ec: {  	v20 =	vor.u32 v3, v12;
	v16 =	vld.idx.msk [tilespmem:v16+s13+$0x0], $0xffff  }
0x1ed: {  	v22 =	vor.u32 v4, v12;
	v17 =	vld.idx.msk [tilespmem:v17+s14+$0x0], $0xffff  }
0x1ee: {  	v23 =	vor.u32 v4, v13;
	v18 =	vld.idx.msk [tilespmem:v18+s13+$0x0], $0xffff  }
0x1ef: {  	v24 =	vor.u32 v5, v12;
	v19 =	vld.idx.msk [tilespmem:v19+s14+$0x0], $0xffff  }
0x1f0: {  	v37 =	vor.u32 v5, v13;
	v21 =	vld.idx.msk [tilespmem:v21+s14+$0x0], $0xffff;
	v14 =	vmul.f32 v15, v14  }
0x1f1: {  	v25 =	vor.u32 v7, v12;
	v15 =	vld.idx.msk [tilespmem:v20+s13+$0x0], $0xffff  }
0x1f2: {  	v39 =	vor.u32 v7, v13;
	v38 =	vld.idx.msk [tilespmem:v22+s13+$0x0], $0xffff;
	v16 =	vmul.f32 v17, v16;
	v14 =	vadd.f32 $0.0e+00, v14  }
0x1f3: {  	v12 =	vor.u32 v8, v12;
	v23 =	vld.idx.msk [tilespmem:v23+s14+$0x0], $0xffff  }
0x1f4: {  	v13 =	vor.u32 v8, v13;
	v41 =	vld.idx.msk [tilespmem:v24+s13+$0x0], $0xffff;
	v40 =	vmul.f32 v19, v18;
	v14 =	vadd.f32 v16, v14  }
0x1f5: {  	v42 =	vld.idx.msk [tilespmem:v37+s14+$0x0], $0xffff  }
0x1f6: {  	v43 =	vld.idx.msk [tilespmem:v25+s13+$0x0], $0xffff;
	v15 =	vmul.f32 v21, v15;
	v14 =	vadd.f32 v40, v14  }
0x1f7: {  	v44 =	vld.idx.msk [tilespmem:v39+s14+$0x0], $0xffff  }
0x1f8: {  	v12 =	vld.idx.msk [tilespmem:v12+s13+$0x0], $0xffff;
	v14 =	vadd.f32 v15, v14;
	v15 =	vmul.f32 v23, v38  }
0x1f9: {  	v13 =	vld.idx.msk [tilespmem:v13+s14+$0x0], $0xffff  }
0x1fa: {  	v14 =	vadd.f32 v15, v14;
	v15 =	vmul.f32 v42, v41;
	_ =	sdelay $0x1  }
0x1fb: {  	v14 =	vadd.f32 v15, v14;
	v15 =	vmul.f32 v44, v43;
	_ =	sdelay $0x1  }
0x1fc: {  	v12 =	vmul.f32 v13, v12;
	v14 =	vadd.f32 v15, v14;
	_ =	sdelay $0x1  }
0x1fd: {  	v12 =	vadd.f32 v12, v14;
	_ =	sdelay $0x1  }
0x1fe: {  	[tilespmem:$0x18CE0] =	vst v12  }
0x1ff: {  	_ =	swait.ge [sflag:s3], $0x1000  }
0x200: {  	[sflag:s3] =	ssyncset.done $0x0  }
0x201: {  	[sflag:s3] =	ssyncadd.s32 $0xFFFFF000  }
0x202: {  	_ =	swait.ge [sflag:s3], $0x1000  }
0x203: {  	[sflag:s3] =	ssyncset.done $0x0  }
0x204: {  	[sflag:s3] =	ssyncadd.s32 $0xFFFFF000  }
0x205: {  	_ =	swait.ge [sflag:s3], $0x1000  }
0x206: {  	[sflag:s3] =	ssyncset.done $0x0  }
0x207: {  	[sflag:s3] =	ssyncadd.s32 $0xFFFFF000  }
0x208: {  	_ =	swait.ge [sflag:s3], $0x1000  }
0x209: {  	[sflag:s3] =	ssyncset.done $0x0  }
0x20a: {  	[sflag:s3] =	ssyncadd.s32 $0xFFFFF000  }
0x20b: {  	_ =	swait.ge [sflag:s3], $0x1000  }
0x20c: {  	[sflag:s3] =	ssyncset.done $0x0  }
0x20d: {  	[sflag:s3] =	ssyncadd.s32 $0xFFFFF000  }
0x20e: {  	_ =	swait.ge [sflag:s3], $0x1000  }
0x20f: {  	[sflag:s3] =	ssyncset.done $0x0  }
0x210: {  	[sflag:s3] =	ssyncadd.s32 $0xFFFFF000  }
0x211: {  	_ =	swait.ge [sflag:s3], $0x1000  }
0x212: {  	[sflag:s3] =	ssyncset.done $0x0  }
0x213: {  	[sflag:s3] =	ssyncadd.s32 $0xFFFFF000  }
0x214: {  	_ =	swait.ge [sflag:s3], $0x1000  }
0x215: {  	[sflag:s3] =	ssyncset.done $0x0  }
0x216: {  	[sflag:s3] =	ssyncadd.s32 $0xFFFFF000  }
0x217: {  	v12 =	vld [tilespmem:$0x1FC];
	_ =	sdelay $0x3  }
0x218: {  	v13 =	vld [tilespmem:$0x47C]  }
0x219: {  	(v2sf) =	vpush v12, $0x0  }
0x21a: {  	(v2sf) =	vpush v12, $0x1  }
0x21b: {  	(v2sf) =	vpush v12, $0x2  }
0x21c: {  	(v2sf) =	vpush v12, $0x3  }
0x21d: {  	(v2sf) =	vpush v13, $0x0  }
0x21e: {  	(v2sf) =	vpush v13, $0x1;
	_ =	sdelay $0x1  }
0x21f: {  	(v2sf) =	vpush v13, $0x2  }
0x220: {  	(v2sf) =	vpush v13, $0x3;
	_ =	sdelay $0x6  }
0x221: {  	s7 =	spop (v2sf)  }
0x222: {  	s8 =	spop (v2sf)  }
0x223: {  	s10 =	spop (v2sf)  }
0x224: {  	s16 =	spop (v2sf)  }
0x225: {  	s17 =	spop (v2sf)  }
0x226: {  	s6 =	sand.u32 $0x7F, s8;
	s18 =	spop (v2sf)  }
0x227: {  	s4 =	sand.u32 $0x7F, s7;
	v12 =	vmov s6;
	s19 =	sand.u32 $0x7F, s18  }
0x228: {  	s23 =	sand.u32 $0x7F, s10;
	v12 =	vsel vm0, s4, v12;
	s24 =	sand.u32 $0x7F, s17;
	s20 =	spop (v2sf);
	v13 =	vmov s19  }
0x229: {  	s25 =	sand.u32 $0x7F, s16;
	v12 =	vnsel vm1, s23, v12;
	s4 =	sand.u32 $0x7F, s20;
	s26 =	spop (v2sf);
	v13 =	vsel vm0, s24, v13  }
0x22a: {  	v12 =	vnsel vm2, s25, v12;
	s28 =	sand.u32 $0x7F, s26;
	v13 =	vnsel vm1, s4, v13  }
0x22b: {  	v14 =	vor.u32 v0, v12;
	v13 =	vnsel vm2, s28, v13  }
0x22c: {  	v15 =	vor.u32 v0, v13  }
0x22d: {  	v45 =	vor.u32 v1, v12  }
0x22e: {  	v46 =	vor.u32 v1, v13  }
0x22f: {  	v47 =	vor.u32 v2, v12  }
0x230: {  	v48 =	vor.u32 v2, v13;
	v14 =	vld.idx.msk [tilespmem:v14+s21+$0x0], $0xffff  }
0x231: {  	v50 =	vor.u32 v3, v13;
	v15 =	vld.idx.msk [tilespmem:v15+s22+$0x0], $0xffff  }
0x232: {  	v49 =	vor.u32 v3, v12;
	v16 =	vld.idx.msk [tilespmem:v45+s21+$0x0], $0xffff  }
0x233: {  	v51 =	vor.u32 v4, v12;
	v17 =	vld.idx.msk [tilespmem:v46+s22+$0x0], $0xffff  }
0x234: {  	v52 =	vor.u32 v4, v13;
	v18 =	vld.idx.msk [tilespmem:v47+s21+$0x0], $0xffff  }
0x235: {  	v53 =	vor.u32 v5, v12;
	v19 =	vld.idx.msk [tilespmem:v48+s22+$0x0], $0xffff  }
0x236: {  	v54 =	vor.u32 v5, v13;
	v21 =	vld.idx.msk [tilespmem:v50+s22+$0x0], $0xffff;
	v14 =	vmul.f32 v15, v14  }
0x237: {  	v55 =	vor.u32 v7, v12;
	v15 =	vld.idx.msk [tilespmem:v49+s21+$0x0], $0xffff  }
0x238: {  	v57 =	vor.u32 v7, v13;
	v56 =	vld.idx.msk [tilespmem:v51+s21+$0x0], $0xffff;
	v16 =	vmul.f32 v17, v16;
	v14 =	vadd.f32 $0.0e+00, v14  }
0x239: {  	v12 =	vor.u32 v8, v12;
	v23 =	vld.idx.msk [tilespmem:v52+s22+$0x0], $0xffff  }
0x23a: {  	v13 =	vor.u32 v8, v13;
	v59 =	vld.idx.msk [tilespmem:v53+s21+$0x0], $0xffff;
	v58 =	vmul.f32 v19, v18;
	v14 =	vadd.f32 v16, v14  }
0x23b: {  	v60 =	vld.idx.msk [tilespmem:v54+s22+$0x0], $0xffff  }
0x23c: {  	v61 =	vld.idx.msk [tilespmem:v55+s21+$0x0], $0xffff;
	v15 =	vmul.f32 v21, v15;
	v14 =	vadd.f32 v58, v14  }
0x23d: {  	v62 =	vld.idx.msk [tilespmem:v57+s22+$0x0], $0xffff  }
0x23e: {  	v12 =	vld.idx.msk [tilespmem:v12+s21+$0x0], $0xffff;
	v14 =	vadd.f32 v15, v14;
	v15 =	vmul.f32 v23, v56  }
0x23f: {  	v13 =	vld.idx.msk [tilespmem:v13+s22+$0x0], $0xffff  }
0x240: {  	v14 =	vadd.f32 v15, v14;
	v15 =	vmul.f32 v60, v59;
	_ =	sdelay $0x1  }
0x241: {  	v14 =	vadd.f32 v15, v14;
	v15 =	vmul.f32 v62, v61  }
0x242: {  	s4 =	simm.s32 $0x0  }
0x243: {  	v12 =	vmul.f32 v13, v12;
	v13 =	vor.u32 s4, v6;
	v14 =	vadd.f32 v15, v14;
	_ =	sdelay $0x1  }
0x244: {  	v12 =	vadd.f32 v12, v14;
	v14 =	vor.u32 s4, v9;
	_ =	sdelay $0x1  }
0x245: {  	[tilespmem:$0x18CF0] =	vst v12;
	v12 =	vor.u32 s4, v10  }
0x246: {  	v13 =	vld.idx.msk [tilespmem:v13+s5+$0x0], $0xffff  }
0x247: {  	v15 =	vor.u32 s4, v11  }
0x248: {  	v14 =	vld.idx.msk [tilespmem:v14+s5+$0x0], $0xffff;
	_ =	sdelay $0x1  }
0x249: {  	v63 =	vld.idx.msk [tilespmem:v12+s5+$0x0], $0xffff  }
0x24a: {  	v12 =	vadd.f32 $0.0e+00, v13  }
0x24b: {  	v13 =	vld.idx.msk [tilespmem:v15+s5+$0x0], $0xffff  }
0x24c: {  	v14 =	vadd.f32 v14, v12  }
0x24d: {  	s7 =	simm.s32 $0x40  }
0x24e: {  	s8 =	simm.s32 $0x80;
	v12 =	vor.u32 s7, v6;
	v14 =	vadd.f32 v63, v14  }
.LBB2_4:
0x24f: {  	p0 =	sne.s32 s8, $0x7C0  }
0x250: {  	v15 =	vor.u32 s7, v9;
	v13 =	vadd.f32 v13, v14  }
0x251: {  	s6 =	sshra.s32 s4, $0x2;
	s4 =	smov.u32 s7;
	s7 =	smov.u32 s8  }
0x252: {  	v14 =	vor.u32 s4, v10;
	[tilespmem:s6+$0x18D00] =	vst v13  }
0x253: {  	v12 =	vld.idx.msk [tilespmem:v12+s5+$0x0], $0xffff  }
0x254: {  	v13 =	vor.u32 s4, v11  }
0x255: {  	v15 =	vld.idx.msk [tilespmem:v15+s5+$0x0], $0xffff;
	_ =	sdelay $0x1  }
0x256: {  	v14 =	vld.idx.msk [tilespmem:v14+s5+$0x0], $0xffff;
	_ =	sdelay $0x1  }
.Ltmp1:
0x257: {  	v12 =	vadd.f32 $0.0e+00, v12;
	v13 =	vld.idx.msk [tilespmem:v13+s5+$0x0], $0xffff;
	(pc) =	sbr.rel @p0 .LBB2_4-.Ltmp1, $3  }
0x258: {  	_ = 	snop  }
0x259: {  	v15 =	vadd.f32 v15, v12;
	_ =	sdelay $0x1  }
0x25a: {  	s8 =	sadd.s32 $0x40, s8;
	v12 =	vor.u32 s7, v6;
	v14 =	vadd.f32 v14, v15  }
0x25b: {  	_ = 	snop  }
0x25c: {  	v15 =	vor.u32 s7, v9;
	v13 =	vadd.f32 v13, v14  }
0x25d: {  	s4 =	sshra.s32 s4, $0x2  }
0x25e: {  	v62 =	vor.u32 s7, v10;
	[tilespmem:s4+$0x18D00] =	vst v13  }
0x25f: {  	v12 =	vld.idx.msk [tilespmem:v12+s5+$0x0], $0xffff  }
0x260: {  	v63 =	vor.u32 s7, v11  }
0x261: {  	v15 =	vld.idx.msk [tilespmem:v15+s5+$0x0], $0xffff;
	_ =	sdelay $0x1  }
0x262: {  	v14 =	vld.idx.msk [tilespmem:v62+s5+$0x0], $0xffff  }
0x263: {  	v12 =	vadd.f32 $0.0e+00, v12  }
0x264: {  	v13 =	vld.idx.msk [tilespmem:v63+s5+$0x0], $0xffff  }
0x265: {  	v12 =	vadd.f32 v15, v12;
	_ =	sdelay $0x1  }
0x266: {  	v12 =	vadd.f32 v14, v12;
	_ =	sdelay $0x1  }
0x267: {  	v12 =	vadd.f32 v13, v12  }
0x268: {  	s23 =	sshra.s32 s7, $0x2;
	s7 =	simm.s32 $0x0  }
0x269: {  	s24 =	rddreg [dreg:$0xd];
	s6 =	simm.s32 $0x18D00;
	s8 =	simm.s32 $0x4;
	[tilespmem:s23+$0x18D00] =	vst v12  }
0x26a: {  	[hbm4b:s24+s7] =	stream.linear.scatter [tilespmem:s6], [sflag:$0x4], $0x200, $0x38;
	[tilespmem:$0x18F00] =	vst v63  }
0x26b: {  	_ =	swait.ge [sflag:s8], $0x200  }
0x26c: {  	s25 =	rddreg [dreg:$0xf]  }
0x26d: {  	s26 =	rddreg [dreg:$0xe];
	s6 =	sadd.s32 $0x1, s25  }
0x26e: {  	p0 =	sne.s32 s6, s26  }
.Ltmp2:
0x26f: {  	s10 =	simm.s32 $0x1500;
	s15 =	simm.s32 $0xD500;
	(pc) =	sbr.rel @p0 .LBB2_1-.Ltmp2, $4  }
0x270: {  	s16 =	simm.s32 $0x2500;
	s17 =	simm.s32 $0xE500;
	s18 =	simm.s32 $0x3500  }
0x271: {  	s19 =	simm.s32 $0xF500;
	s20 =	simm.s32 $0x5500;
	s28 =	simm.s32 $0x13500  }
0x272: {  	s23 =	simm.s32 $0x11500;
	s24 =	simm.s32 $0x6500;
	[sflag:s8] =	ssyncset.done $0x0  }
0x273: {  	[sflag:s8] =	ssyncadd.s32 $0xFFFFFE00;
	s25 =	simm.s32 $0x12500;
	s26 =	simm.s32 $0x7500  }
0x274: {  	_ =	sfence.sel $0x180000  }
0x275: {  	[bflag:$0x0] =	sbarrier.arrive $0xFFFF  }
0x276: {  	_ =	strace $0x90000047  }
0x277: {  	s0 =	stileid.u32;
	[bflag:$0x2] =	sbarrier.arrive $0xFFFF  }
0x278: {  	p0 =	sne.s32 s0, $0x0;
	s0 =	rddreg [dreg:$0x4]  }
0x279: {  	s0 =	sadd.s32 @!p0 $0x100000, s0  }
0x27a: {  	[sflag:s0] =	ssyncadd.tile.s32 @!p0 $0x1;
	_ =	shalt  }
.Lfunc_end2:
_tile_overlayer_lowered:
.L_overlay_start_2:
0x27b: {  	(tag) =	ssettag $0x2  }
0x27c: {  	s0 =	rddreg [dreg:$0x0];
	s2 =	stileid.u32  }
0x27d: {  	s1 =	rddreg [dreg:$0x1];
	p0 =	sne.s32 s2, $0x0  }
0x27e: {  	s3 =	rddreg [dreg:$0x2];
	[bflag:$0x3] =	sbarrier.arrive $0xFFFF;
	s2 =	simm.s32 @!p0 $0x1C04  }
0x27f: {  	[timem:s3], [sflag:s2] =	dma.local @!p0 [hbm:s0], s1  }
0x280: {  	s0 =	simm.s32 @!p0 $0x4  }
0x281: {  	_ =	swait.ge @!p0 [sflag:s0], s1  }
0x282: {  	s1 =	ssub.s32 @!p0 $0x0, s1;
	[sflag:s0] =	ssyncset.done @!p0 $0x0  }
0x283: {  	[sflag:s0] =	ssyncadd.s32 @!p0 s1  }
0x284: {  	[bflag:$0x3] =	sbarrier.arrive $0xFFFF  }
0x285: {  	_ =	shalt  }

</sc_bundles>
